<compile_context>
chip_gen: v7x
topology: tpu7x:2x2x1
jax: 0.10.2.dev20260603
libtpu: 0.0.44.dev20260713+nightly
codegen_flags: <defaults>
</compile_context>

<pallas_src>
import jax
import jax.numpy as jnp
from jax import lax
from jax.experimental import pallas as pl
from jax.experimental.pallas import tpu as pltpu

_NC = 21
_TH = 0.5
_NEG_POS = 3
_V0, _V1 = 0.1, 0.2
_B, _P, _O = 32, 24564, 16
_R, _C = 192, 128
_PP = _R * _C


def _smax(x):
    return jnp.max(x, axis=(0, 1), keepdims=True)


def _smin(x):
    return jnp.min(x, axis=(0, 1), keepdims=True)


def _ssum(x):
    return jnp.sum(x, axis=(0, 1), keepdims=True)


def _body(loc_ref, conf_ref, bin_ref, pri_ref, tgt_ref, out_ref):
    f32 = jnp.float32
    rows = lax.broadcasted_iota(jnp.int32, (_R, _C), 0)
    cols = lax.broadcasted_iota(jnp.int32, (_R, _C), 1)
    lin = rows * _C + cols
    valid = lin < _P

    pcx = pri_ref[0]
    pcy = pri_ref[1]
    pw = pri_ref[2]
    ph = pri_ref[3]
    x1 = pcx - pw / 2.0
    y1 = pcy - ph / 2.0
    x2 = pcx + pw / 2.0
    y2 = pcy + ph / 2.0
    area_b = (x2 - x1) * (y2 - y1)

    tgt = tgt_ref[0]

    best_ov = jnp.full((_R, _C), -1.0, f32)
    best_idx = jnp.zeros((_R, _C), jnp.int32)
    bp_idx = []
    for t in range(_O):
        tx1 = tgt[t : t + 1, 0:1]
        ty1 = tgt[t : t + 1, 1:2]
        tx2 = tgt[t : t + 1, 2:3]
        ty2 = tgt[t : t + 1, 3:4]
        iw = jnp.maximum(jnp.minimum(tx2, x2) - jnp.maximum(tx1, x1), 0.0)
        ih = jnp.maximum(jnp.minimum(ty2, y2) - jnp.maximum(ty1, y1), 0.0)
        inter = iw * ih
        area_a = (tx2 - tx1) * (ty2 - ty1)
        ov = inter / (area_a + area_b - inter)
        ov = jnp.where(valid, ov, -1.0)
        upd = ov > best_ov
        best_idx = jnp.where(upd, t, best_idx)
        best_ov = jnp.where(upd, ov, best_ov)
        m = _smax(ov)
        bp_idx.append(_smin(jnp.where(ov == m, lin, jnp.int32(2**30))))
    for t in range(_O):
        hit = lin == bp_idx[t]
        best_ov = jnp.where(hit, 2.0, best_ov)
        best_idx = jnp.where(hit, t, best_idx)

    zero = jnp.zeros((_R, _C), f32)
    mx1, my1, mx2, my2, mlab = zero, zero, zero, zero, zero
    for t in range(_O):
        sel = best_idx == t
        mx1 = jnp.where(sel, tgt[t : t + 1, 0:1], mx1)
        my1 = jnp.where(sel, tgt[t : t + 1, 1:2], my1)
        mx2 = jnp.where(sel, tgt[t : t + 1, 2:3], mx2)
        my2 = jnp.where(sel, tgt[t : t + 1, 3:4], my2)
        mlab = jnp.where(sel, tgt[t : t + 1, 4:5], mlab)
    conf_f = jnp.where(best_ov < _TH, 0.0, mlab + 1.0)
    pos = conf_f > 0.0

    g_cx = ((mx1 + mx2) / 2.0 - pcx) / (_V0 * pw)
    g_cy = ((my1 + my2) / 2.0 - pcy) / (_V0 * ph)
    g_w = jnp.log((mx2 - mx1) / pw) / _V1
    g_h = jnp.log((my2 - my1) / ph) / _V1
    sl1 = zero
    for i, g in enumerate((g_cx, g_cy, g_w, g_h)):
        d = loc_ref[0, i] - g
        ad = jnp.abs(d)
        sl1 = sl1 + jnp.where(ad < 1.0, 0.5 * d * d, ad - 0.5)
    sum_l = _ssum(jnp.where(pos, sl1, 0.0))

    b0 = bin_ref[0, 0]
    b1 = bin_ref[0, 1]
    bm = jnp.maximum(b0, b1)
    lse_b = bm + jnp.log(jnp.exp(b0 - bm) + jnp.exp(b1 - bm))
    ce_bin = lse_b - jnp.where(pos, b1, b0)
    sum_ceb = _ssum(jnp.where(pos, ce_bin, 0.0))
    masked = jnp.where(pos | jnp.logical_not(valid), 0.0, ce_bin)

    cmax = conf_ref[0, 0]
    for c in range(1, _NC - 1):
        cmax = jnp.maximum(cmax, conf_ref[0, c])
    s = zero
    csel = zero
    for c in range(_NC - 1):
        plane = conf_ref[0, c]
        s = s + jnp.exp(plane - cmax)
        csel = jnp.where(conf_f == float(c + 1), plane, csel)
    log_s = cmax + jnp.log(s)
    ce_mul = log_s + lse_b - b1 - csel
    sum_cem = _ssum(jnp.where(pos, ce_mul, 0.0))

    np_i = _ssum(pos.astype(jnp.int32))
    k = jnp.minimum(_NEG_POS * np_i, _P - 1)
    vb = lax.bitcast_convert_type(masked, jnp.int32)

    lo = jnp.zeros((1, 1), jnp.int32)
    hi = jnp.full((1, 1), 0x7F800000, jnp.int32)
    for _ in range(31):
        mid = lo + ((hi - lo + 1) >> 1)
        cnt = _ssum((vb >= mid).astype(jnp.int32))
        gek = cnt >= k
        lo = jnp.where(gek, mid, lo)
        hi = jnp.where(gek, hi, mid - 1)
    tau = lax.bitcast_convert_type(lo, f32)
    cnt_gt = _ssum((vb > lo).astype(jnp.int32))
    sum_gt = _ssum(jnp.where(vb > lo, masked, 0.0))
    topk = jnp.where(k > 0, sum_gt + (k - cnt_gt).astype(f32) * tau, 0.0)

    lane = lax.broadcasted_iota(jnp.int32, (1, 128), 1)
    out_ref[0] = (
        jnp.where(lane == 0, sum_l, 0.0)
        + jnp.where(lane == 1, sum_ceb, 0.0)
        + jnp.where(lane == 2, sum_cem, 0.0)
        + jnp.where(lane == 3, topk, 0.0)
        + jnp.where(lane == 4, np_i.astype(f32), 0.0)
    )


def kernel(loc_data, conf_data, bin_conf_data, priors, targets):
    pad = _PP - _P
    locT = jnp.moveaxis(loc_data, 2, 1)
    locT = jnp.pad(locT, ((0, 0), (0, 0), (0, pad))).reshape(_B, 4, _R, _C)
    confT = jnp.moveaxis(conf_data, 2, 1)
    confT = jnp.pad(confT, ((0, 0), (0, 0), (0, pad))).reshape(_B, _NC - 1, _R, _C)
    binT = jnp.moveaxis(bin_conf_data, 2, 1)
    binT = jnp.pad(binT, ((0, 0), (0, 0), (0, pad))).reshape(_B, 2, _R, _C)
    priT = jnp.transpose(priors)
    pri_pad = jnp.tile(jnp.array([[0.0], [0.0], [1.0], [1.0]], jnp.float32), (1, pad))
    priT = jnp.concatenate([priT, pri_pad], axis=1).reshape(4, _R, _C)

    out = pl.pallas_call(
        _body,
        grid=(_B,),
        in_specs=[
            pl.BlockSpec((1, 4, _R, _C), lambda b: (b, 0, 0, 0)),
            pl.BlockSpec((1, _NC - 1, _R, _C), lambda b: (b, 0, 0, 0)),
            pl.BlockSpec((1, 2, _R, _C), lambda b: (b, 0, 0, 0)),
            pl.BlockSpec((4, _R, _C), lambda b: (0, 0, 0)),
            pl.BlockSpec((1, _O, 5), lambda b: (b, 0, 0)),
        ],
        out_specs=pl.BlockSpec((1, 1, 128), lambda b: (b, 0, 0)),
        out_shape=jax.ShapeDtypeStruct((_B, 1, 128), jnp.float32),
        compiler_params=pltpu.CompilerParams(dimension_semantics=("arbitrary",)),
    )(locT, confT, binT, priT, targets)

    sums = out[:, 0, :]
    n_total = jnp.sum(sums[:, 4])
    n = jnp.maximum(n_total, 1.0)
    loss_l = jnp.sum(sums[:, 0]) / n
    loss_cls = jnp.sum(sums[:, 2]) / n
    loss_b = (jnp.sum(sums[:, 1]) + 3.0 * jnp.sum(sums[:, 3])) / n
    return loss_l, loss_cls, loss_b

# --- scband reference (transcript-rebuilt; emitter-appended) ---
"""Pipeline reference for scband-multi-box-loss-tf-target-balance-32203664786115 (READ-ONLY COPY).

The authoritative reference and input builder live on the scoring server;
editing this copy changes nothing except your own understanding.
"""

import jax, jax.numpy as jnp
import numpy as np

NUM_CLASSES = 21
THRESHOLD = 0.5
NEG_POS = 3
VAR0, VAR1 = 0.1, 0.2
B, P, O = 32, 24564, 16


def point_form(pri):
    return jnp.concatenate([pri[:, :2] - pri[:, 2:] / 2.0, pri[:, :2] + pri[:, 2:] / 2.0], axis=1)


def jaccard(box_a, box_b):
    max_xy = jnp.minimum(box_a[:, None, 2:], box_b[None, :, 2:])
    min_xy = jnp.maximum(box_a[:, None, :2], box_b[None, :, :2])
    inter_wh = jnp.maximum(max_xy - min_xy, 0.0)
    inter = inter_wh[..., 0] * inter_wh[..., 1]
    area_a = ((box_a[:, 2] - box_a[:, 0]) * (box_a[:, 3] - box_a[:, 1]))[:, None]
    area_b = ((box_b[:, 2] - box_b[:, 0]) * (box_b[:, 3] - box_b[:, 1]))[None, :]
    return inter / (area_a + area_b - inter)


def encode(matched, pri):
    g_cxcy = (matched[:, :2] + matched[:, 2:]) / 2.0 - pri[:, :2]
    g_cxcy = g_cxcy / (VAR0 * pri[:, 2:])
    g_wh = (matched[:, 2:] - matched[:, :2]) / pri[:, 2:]
    g_wh = jnp.log(g_wh) / VAR1
    return jnp.concatenate([g_cxcy, g_wh], axis=1)


def match_one(truths, labels, priors):
    overlaps = jaccard(truths, point_form(priors))
    best_prior_idx = jnp.argmax(overlaps, axis=1)
    best_truth_overlap = jnp.max(overlaps, axis=0)
    best_truth_idx = jnp.argmax(overlaps, axis=0)
    best_truth_overlap = best_truth_overlap.at[best_prior_idx].set(2.0)
    best_truth_idx = best_truth_idx.at[best_prior_idx].set(jnp.arange(truths.shape[0]))
    matches = truths[best_truth_idx]
    conf = labels[best_truth_idx].astype(jnp.int32) + 1
    conf = jnp.where(best_truth_overlap < THRESHOLD, 0, conf)
    loc = encode(matches, priors)
    bin_conf = (conf > 0).astype(jnp.int32)
    return loc, conf, bin_conf


def setup_inputs(seed: int = 0) -> dict:
    key = jax.random.key(seed)
    k1, k2, k3, k4, k5, k6, k7 = jax.random.split(key, 7)
    loc_data = jax.random.normal(k1, (B, P, 4), dtype=jnp.float32)
    conf_data = jax.random.normal(k2, (B, P, NUM_CLASSES - 1), dtype=jnp.float32)
    bin_conf_data = jax.random.normal(k3, (B, P, 2), dtype=jnp.float32)
    cxcy = jax.random.uniform(k4, (P, 2), minval=0.05, maxval=0.95)
    wh = jax.random.uniform(k5, (P, 2), minval=0.05, maxval=0.4)
    priors = jnp.concatenate([cxcy, wh], axis=1).astype(jnp.float32)
    centers = jax.random.uniform(k6, (B, O, 2), minval=0.25, maxval=0.75)
    sizes = jax.random.uniform(jax.random.fold_in(k6, 1), (B, O, 2), minval=0.08, maxval=0.35)
    mins = jnp.minimum(jnp.maximum(centers - sizes / 2.0, 0.01), 0.95)
    maxs = jnp.minimum(jnp.maximum(centers + sizes / 2.0, mins + 0.02), 0.999)
    labels = jax.random.randint(k7, (B, O), 0, NUM_CLASSES - 1).astype(jnp.float32)
    targets = jnp.concatenate([mins, maxs, labels[..., None]], axis=2).astype(jnp.float32)
    return {"loc_data": loc_data, "conf_data": conf_data, "bin_conf_data": bin_conf_data, "priors": priors, "targets": targets}


def reference(loc_data, conf_data, bin_conf_data, priors, targets):
    num = loc_data.shape[0]
    num_priors = priors.shape[0]
    nc = NUM_CLASSES
    loc_t, conf_t, bin_conf_t = jax.vmap(lambda t, l: match_one(t, l, priors))(targets[:, :, :4], targets[:, :, 4])
    loc_t = jax.lax.stop_gradient(loc_t)
    pos = bin_conf_t > 0

    # localization loss (smooth L1 on positives, per-class weighted, weights=1)
    d = loc_data - loc_t
    ad = jnp.abs(d)
    sl1 = jnp.where(ad < 1.0, 0.5 * d * d, ad - 0.5).sum(-1)
    w_l = jnp.ones(nc, dtype=jnp.float32)
    loss_l = 0.0
    for index in range(1, nc):
        loss_l = loss_l + w_l[index] * jnp.sum(sl1 * pos * (conf_t == index))

    # binary (fg/bg) loss with hard negative mining
    bin_flat = bin_conf_data.reshape(-1, 2)
    bin_t_flat = bin_conf_t.reshape(-1)
    ce_bin = jax.nn.logsumexp(bin_flat, axis=1) - jnp.take_along_axis(bin_flat, bin_t_flat[:, None], axis=1)[:, 0]
    pos_flat = pos.reshape(-1)
    loss_bin = jnp.where(pos_flat, 0.0, ce_bin).reshape(num, -1)
    loss_idx = jnp.argsort(-loss_bin, axis=1)
    idx_rank = jnp.argsort(loss_idx, axis=1)
    num_pos = pos.astype(jnp.int32).sum(1, keepdims=True)
    num_neg = jnp.minimum(NEG_POS * num_pos, num_priors - 1)
    neg = idx_rank < num_neg
    sel = jnp.logical_or(pos, neg)
    w_b = jnp.ones(nc, dtype=jnp.float32).at[0].set(3.0)
    ce_bin2 = ce_bin.reshape(num, -1)
    loss_b = 0.0
    for index in range(0, nc):
        loss_b = loss_b + w_b[index] * jnp.sum(ce_bin2 * sel * (conf_t == index))

    # combined multi-class logits P_logit
    batch_conf = conf_data.reshape(-1, nc - 1)
    P_k = batch_conf + bin_flat[:, 1:2]
    P_0 = bin_flat[:, 0:1] + jnp.log(jnp.exp(batch_conf).sum(1, keepdims=True))
    P_logit = jnp.concatenate([P_0, P_k], axis=1)
    conf_t_flat = conf_t.reshape(-1)
    ce_mul = jax.nn.logsumexp(P_logit, axis=1) - jnp.take_along_axis(P_logit, conf_t_flat[:, None], axis=1)[:, 0]
    loss_c_mined = jnp.where(pos_flat, 0.0, ce_mul).reshape(num, -1)
    loss_idx2 = jnp.argsort(-loss_c_mined, axis=1)
    idx_rank2 = jnp.argsort(loss_idx2, axis=1)
    neg_multi = idx_rank2 < num_neg  # computed as in original; final multi loss uses positives only
    ce_mul2 = ce_mul.reshape(num, -1)
    w_m = jnp.ones(nc, dtype=jnp.float32)
    loss_cls = 0.0
    for index in range(1, nc):
        loss_cls = loss_cls + w_m[index] * jnp.sum(ce_mul2 * pos * (conf_t == index))

    N = jnp.maximum(num_pos.sum().astype(jnp.float32), 1.0)
    return loss_l / N, loss_cls / N, loss_b / N

if __name__ == "__main__":
    import jax
    _d = setup_inputs()
    print(jax.jit(kernel)(*tuple(_d.values())))

</pallas_src>

<mosaic_0001>
module attributes {stable_mosaic.version = 14 : i64} {
  func.func @_body(%arg0: i32, %arg1: memref<1x4x192x128xf32, #tpu.memory_space<vmem>>, %arg2: memref<1x20x192x128xf32, #tpu.memory_space<vmem>>, %arg3: memref<1x2x192x128xf32, #tpu.memory_space<vmem>>, %arg4: memref<4x192x128xf32, #tpu.memory_space<vmem>>, %arg5: memref<1x16x5xf32, #tpu.memory_space<vmem>>, %arg6: memref<1x1x128xf32, #tpu.memory_space<vmem>>) attributes {dimension_semantics = [#tpu.dimension_semantics<arbitrary>], iteration_bounds = array<i64: 32>, scalar_prefetch = 0 : i64, scratch_operands = 0 : i64, tpu.core_type = #tpu.core_type<tc>, window_params = [{transform_indices = @transform_0, window_bounds = array<i64: 1, 4, 192, 128>}, {transform_indices = @transform_1, window_bounds = array<i64: 1, 20, 192, 128>}, {transform_indices = @transform_2, window_bounds = array<i64: 1, 2, 192, 128>}, {pipeline_mode = #tpu.pipeline_mode<synchronous>, transform_indices = @transform_3, window_bounds = array<i64: 4, 192, 128>}, {transform_indices = @transform_4, window_bounds = array<i64: 1, 16, 5>}, {transform_indices = @transform_5, window_bounds = array<i64: 1, 1, 128>}]} {
    %iota3A = tpu.iota {dimensions = array<i32: 0>} : vector<192x128xi32>
    %iota3A_0 = tpu.iota {dimensions = array<i32: 1>} : vector<192x128xi32>
    %mul3A = arith.constant 128 : i32
    %mul3A_1 = vector.broadcast %mul3A : i32 to vector<192x128xi32>
    %mul3A_2 = arith.muli %iota3A, %mul3A_1 : vector<192x128xi32>
    %add3A = arith.addi %mul3A_2, %iota3A_0 : vector<192x128xi32>
    %lt3A = arith.constant 24564 : i32
    %lt3A_3 = vector.broadcast %lt3A : i32 to vector<192x128xi32>
    %lt3A_4 = arith.cmpi slt, %add3A, %lt3A_3 : vector<192x128xi32>
    %get3A = arith.constant 0 : index
    %get3A_5 = arith.constant 0 : index
    %get3A_6 = arith.constant 0 : index
    %get3A_7 = vector.load %arg4[%get3A, %get3A_5, %get3A_6] : memref<4x192x128xf32, #tpu.memory_space<vmem>>, vector<1x192x128xf32>
    %get3A_8 = vector.shape_cast %get3A_7 : vector<1x192x128xf32> to vector<192x128xf32>
    %get3A_9 = arith.constant 1 : index
    %get3A_10 = arith.constant 0 : index
    %get3A_11 = arith.constant 0 : index
    %get3A_12 = vector.load %arg4[%get3A_9, %get3A_10, %get3A_11] : memref<4x192x128xf32, #tpu.memory_space<vmem>>, vector<1x192x128xf32>
    %get3A_13 = vector.shape_cast %get3A_12 : vector<1x192x128xf32> to vector<192x128xf32>
    %get3A_14 = arith.constant 2 : index
    %get3A_15 = arith.constant 0 : index
    %get3A_16 = arith.constant 0 : index
    %get3A_17 = vector.load %arg4[%get3A_14, %get3A_15, %get3A_16] : memref<4x192x128xf32, #tpu.memory_space<vmem>>, vector<1x192x128xf32>
    %get3A_18 = vector.shape_cast %get3A_17 : vector<1x192x128xf32> to vector<192x128xf32>
    %get3A_19 = arith.constant 3 : index
    %get3A_20 = arith.constant 0 : index
    %get3A_21 = arith.constant 0 : index
    %get3A_22 = vector.load %arg4[%get3A_19, %get3A_20, %get3A_21] : memref<4x192x128xf32, #tpu.memory_space<vmem>>, vector<1x192x128xf32>
    %get3A_23 = vector.shape_cast %get3A_22 : vector<1x192x128xf32> to vector<192x128xf32>
    %div3A = arith.constant 2.000000e+00 : f32
    %div3A_24 = vector.broadcast %div3A : f32 to vector<192x128xf32>
    %div3A_25 = arith.divf %get3A_18, %div3A_24 : vector<192x128xf32>
    %sub3A = arith.subf %get3A_8, %div3A_25 : vector<192x128xf32>
    %div3A_26 = arith.constant 2.000000e+00 : f32
    %div3A_27 = vector.broadcast %div3A_26 : f32 to vector<192x128xf32>
    %div3A_28 = arith.divf %get3A_23, %div3A_27 : vector<192x128xf32>
    %sub3A_29 = arith.subf %get3A_13, %div3A_28 : vector<192x128xf32>
    %div3A_30 = arith.constant 2.000000e+00 : f32
    %div3A_31 = vector.broadcast %div3A_30 : f32 to vector<192x128xf32>
    %div3A_32 = arith.divf %get3A_18, %div3A_31 : vector<192x128xf32>
    %add3A_33 = arith.addf %get3A_8, %div3A_32 : vector<192x128xf32>
    %div3A_34 = arith.constant 2.000000e+00 : f32
    %div3A_35 = vector.broadcast %div3A_34 : f32 to vector<192x128xf32>
    %div3A_36 = arith.divf %get3A_23, %div3A_35 : vector<192x128xf32>
    %add3A_37 = arith.addf %get3A_13, %div3A_36 : vector<192x128xf32>
    %sub3A_38 = arith.subf %add3A_33, %sub3A : vector<192x128xf32>
    %sub3A_39 = arith.subf %add3A_37, %sub3A_29 : vector<192x128xf32>
    %mul3A_40 = arith.mulf %sub3A_38, %sub3A_39 : vector<192x128xf32>
    %get3A_41 = arith.constant 0 : index
    %get3A_42 = arith.constant 0 : index
    %get3A_43 = arith.constant 0 : index
    %get3A_44 = vector.load %arg5[%get3A_41, %get3A_42, %get3A_43] : memref<1x16x5xf32, #tpu.memory_space<vmem>>, vector<1x16x5xf32>
    %get3A_45 = vector.shape_cast %get3A_44 : vector<1x16x5xf32> to vector<16x5xf32>
    %broadcast_in_dim3A = arith.constant -1.000000e+00 : f32
    %broadcast_in_dim3A_46 = vector.broadcast %broadcast_in_dim3A : f32 to vector<192x128xf32>
    %broadcast_in_dim3A_47 = arith.constant 0 : i32
    %broadcast_in_dim3A_48 = vector.broadcast %broadcast_in_dim3A_47 : i32 to vector<192x128xi32>
    %slice3A = vector.extract_strided_slice %get3A_45 {offsets = [0, 0], sizes = [1, 1], strides = [1, 1]} : vector<16x5xf32> to vector<1x1xf32>
    %slice3A_49 = vector.extract_strided_slice %get3A_45 {offsets = [0, 1], sizes = [1, 1], strides = [1, 1]} : vector<16x5xf32> to vector<1x1xf32>
    %slice3A_50 = vector.extract_strided_slice %get3A_45 {offsets = [0, 2], sizes = [1, 1], strides = [1, 1]} : vector<16x5xf32> to vector<1x1xf32>
    %slice3A_51 = vector.extract_strided_slice %get3A_45 {offsets = [0, 3], sizes = [1, 1], strides = [1, 1]} : vector<16x5xf32> to vector<1x1xf32>
    %min3A = vector.broadcast %slice3A_50 : vector<1x1xf32> to vector<192x128xf32>
    %min3A_52 = arith.minimumf %min3A, %add3A_33 : vector<192x128xf32>
    %max3A = vector.broadcast %slice3A : vector<1x1xf32> to vector<192x128xf32>
    %max3A_53 = arith.maximumf %max3A, %sub3A : vector<192x128xf32>
    %sub3A_54 = arith.subf %min3A_52, %max3A_53 : vector<192x128xf32>
    %max3A_55 = arith.constant 0.000000e+00 : f32
    %max3A_56 = vector.broadcast %max3A_55 : f32 to vector<192x128xf32>
    %max3A_57 = arith.maximumf %sub3A_54, %max3A_56 : vector<192x128xf32>
    %min3A_58 = vector.broadcast %slice3A_51 : vector<1x1xf32> to vector<192x128xf32>
    %min3A_59 = arith.minimumf %min3A_58, %add3A_37 : vector<192x128xf32>
    %max3A_60 = vector.broadcast %slice3A_49 : vector<1x1xf32> to vector<192x128xf32>
    %max3A_61 = arith.maximumf %max3A_60, %sub3A_29 : vector<192x128xf32>
    %sub3A_62 = arith.subf %min3A_59, %max3A_61 : vector<192x128xf32>
    %max3A_63 = arith.constant 0.000000e+00 : f32
    %max3A_64 = vector.broadcast %max3A_63 : f32 to vector<192x128xf32>
    %max3A_65 = arith.maximumf %sub3A_62, %max3A_64 : vector<192x128xf32>
    %mul3A_66 = arith.mulf %max3A_57, %max3A_65 : vector<192x128xf32>
    %sub3A_67 = arith.subf %slice3A_50, %slice3A : vector<1x1xf32>
    %sub3A_68 = arith.subf %slice3A_51, %slice3A_49 : vector<1x1xf32>
    %mul3A_69 = arith.mulf %sub3A_67, %sub3A_68 : vector<1x1xf32>
    %add3A_70 = vector.broadcast %mul3A_69 : vector<1x1xf32> to vector<192x128xf32>
    %add3A_71 = arith.addf %add3A_70, %mul3A_40 : vector<192x128xf32>
    %sub3A_72 = arith.subf %add3A_71, %mul3A_66 : vector<192x128xf32>
    %div3A_73 = arith.divf %mul3A_66, %sub3A_72 : vector<192x128xf32>
    %jit3A = arith.constant -1.000000e+00 : f32
    %broadcast_in_dim3A_74 = vector.broadcast %jit3A : f32 to vector<192x128xf32>
    %select_n3A = arith.select %lt3A_4, %div3A_73, %broadcast_in_dim3A_74 : vector<192x128xi1>, vector<192x128xf32>
    %gt3A = arith.cmpf ogt, %select_n3A, %broadcast_in_dim3A_46 : vector<192x128xf32>
    %jit3A_75 = arith.constant 0 : i32
    %broadcast_in_dim3A_76 = vector.broadcast %jit3A_75 : i32 to vector<192x128xi32>
    %select_n3A_77 = arith.select %gt3A, %broadcast_in_dim3A_76, %broadcast_in_dim3A_48 : vector<192x128xi1>, vector<192x128xi32>
    %select_n3A_78 = arith.select %gt3A, %select_n3A, %broadcast_in_dim3A_46 : vector<192x128xi1>, vector<192x128xf32>
    %reduce_max3A = vector.shape_cast %select_n3A : vector<192x128xf32> to vector<1x192x128xf32>
    %reduce_max3A_79 = arith.constant dense<0xFF800000> : vector<1xf32>
    %reduce_max3A_80 = vector.multi_reduction <maximumf>, %reduce_max3A, %reduce_max3A_79 [1, 2] : vector<1x192x128xf32> to vector<1xf32>
    %reduce_max3A_81 = vector.shape_cast %reduce_max3A_80 : vector<1xf32> to vector<1x1x1xf32>
    %reduce_max3A_82 = vector.extract %reduce_max3A_81[0, 0, 0] : f32 from vector<1x1x1xf32>
    %broadcast_in_dim3A_83 = vector.broadcast %reduce_max3A_82 : f32 to vector<1x1xf32>
    %eq3A = vector.broadcast %broadcast_in_dim3A_83 : vector<1x1xf32> to vector<192x128xf32>
    %eq3A_84 = arith.cmpf oeq, %select_n3A, %eq3A : vector<192x128xf32>
    %jit3A_85 = arith.constant 1073741824 : i32
    %broadcast_in_dim3A_86 = vector.broadcast %jit3A_85 : i32 to vector<192x128xi32>
    %select_n3A_87 = arith.select %eq3A_84, %add3A, %broadcast_in_dim3A_86 : vector<192x128xi1>, vector<192x128xi32>
    %reduce_min3A = vector.shape_cast %select_n3A_87 : vector<192x128xi32> to vector<1x192x128xi32>
    %reduce_min3A_88 = arith.constant dense<2147483647> : vector<1xi32>
    %reduce_min3A_89 = vector.multi_reduction <minsi>, %reduce_min3A, %reduce_min3A_88 [1, 2] : vector<1x192x128xi32> to vector<1xi32>
    %reduce_min3A_90 = vector.shape_cast %reduce_min3A_89 : vector<1xi32> to vector<1x1x1xi32>
    %reduce_min3A_91 = vector.extract %reduce_min3A_90[0, 0, 0] : i32 from vector<1x1x1xi32>
    %broadcast_in_dim3A_92 = vector.broadcast %reduce_min3A_91 : i32 to vector<1x1xi32>
    %slice3A_93 = vector.extract_strided_slice %get3A_45 {offsets = [1, 0], sizes = [1, 1], strides = [1, 1]} : vector<16x5xf32> to vector<1x1xf32>
    %slice3A_94 = vector.extract_strided_slice %get3A_45 {offsets = [1, 1], sizes = [1, 1], strides = [1, 1]} : vector<16x5xf32> to vector<1x1xf32>
    %slice3A_95 = vector.extract_strided_slice %get3A_45 {offsets = [1, 2], sizes = [1, 1], strides = [1, 1]} : vector<16x5xf32> to vector<1x1xf32>
    %slice3A_96 = vector.extract_strided_slice %get3A_45 {offsets = [1, 3], sizes = [1, 1], strides = [1, 1]} : vector<16x5xf32> to vector<1x1xf32>
    %min3A_97 = vector.broadcast %slice3A_95 : vector<1x1xf32> to vector<192x128xf32>
    %min3A_98 = arith.minimumf %min3A_97, %add3A_33 : vector<192x128xf32>
    %max3A_99 = vector.broadcast %slice3A_93 : vector<1x1xf32> to vector<192x128xf32>
    %max3A_100 = arith.maximumf %max3A_99, %sub3A : vector<192x128xf32>
    %sub3A_101 = arith.subf %min3A_98, %max3A_100 : vector<192x128xf32>
    %max3A_102 = arith.constant 0.000000e+00 : f32
    %max3A_103 = vector.broadcast %max3A_102 : f32 to vector<192x128xf32>
    %max3A_104 = arith.maximumf %sub3A_101, %max3A_103 : vector<192x128xf32>
    %min3A_105 = vector.broadcast %slice3A_96 : vector<1x1xf32> to vector<192x128xf32>
    %min3A_106 = arith.minimumf %min3A_105, %add3A_37 : vector<192x128xf32>
    %max3A_107 = vector.broadcast %slice3A_94 : vector<1x1xf32> to vector<192x128xf32>
    %max3A_108 = arith.maximumf %max3A_107, %sub3A_29 : vector<192x128xf32>
    %sub3A_109 = arith.subf %min3A_106, %max3A_108 : vector<192x128xf32>
    %max3A_110 = arith.constant 0.000000e+00 : f32
    %max3A_111 = vector.broadcast %max3A_110 : f32 to vector<192x128xf32>
    %max3A_112 = arith.maximumf %sub3A_109, %max3A_111 : vector<192x128xf32>
    %mul3A_113 = arith.mulf %max3A_104, %max3A_112 : vector<192x128xf32>
    %sub3A_114 = arith.subf %slice3A_95, %slice3A_93 : vector<1x1xf32>
    %sub3A_115 = arith.subf %slice3A_96, %slice3A_94 : vector<1x1xf32>
    %mul3A_116 = arith.mulf %sub3A_114, %sub3A_115 : vector<1x1xf32>
    %add3A_117 = vector.broadcast %mul3A_116 : vector<1x1xf32> to vector<192x128xf32>
    %add3A_118 = arith.addf %add3A_117, %mul3A_40 : vector<192x128xf32>
    %sub3A_119 = arith.subf %add3A_118, %mul3A_113 : vector<192x128xf32>
    %div3A_120 = arith.divf %mul3A_113, %sub3A_119 : vector<192x128xf32>
    %jit3A_121 = arith.constant -1.000000e+00 : f32
    %broadcast_in_dim3A_122 = vector.broadcast %jit3A_121 : f32 to vector<192x128xf32>
    %select_n3A_123 = arith.select %lt3A_4, %div3A_120, %broadcast_in_dim3A_122 : vector<192x128xi1>, vector<192x128xf32>
    %gt3A_124 = arith.cmpf ogt, %select_n3A_123, %select_n3A_78 : vector<192x128xf32>
    %jit3A_125 = arith.constant 1 : i32
    %broadcast_in_dim3A_126 = vector.broadcast %jit3A_125 : i32 to vector<192x128xi32>
    %select_n3A_127 = arith.select %gt3A_124, %broadcast_in_dim3A_126, %select_n3A_77 : vector<192x128xi1>, vector<192x128xi32>
    %select_n3A_128 = arith.select %gt3A_124, %select_n3A_123, %select_n3A_78 : vector<192x128xi1>, vector<192x128xf32>
    %reduce_max3A_129 = vector.shape_cast %select_n3A_123 : vector<192x128xf32> to vector<1x192x128xf32>
    %reduce_max3A_130 = arith.constant dense<0xFF800000> : vector<1xf32>
    %reduce_max3A_131 = vector.multi_reduction <maximumf>, %reduce_max3A_129, %reduce_max3A_130 [1, 2] : vector<1x192x128xf32> to vector<1xf32>
    %reduce_max3A_132 = vector.shape_cast %reduce_max3A_131 : vector<1xf32> to vector<1x1x1xf32>
    %reduce_max3A_133 = vector.extract %reduce_max3A_132[0, 0, 0] : f32 from vector<1x1x1xf32>
    %broadcast_in_dim3A_134 = vector.broadcast %reduce_max3A_133 : f32 to vector<1x1xf32>
    %eq3A_135 = vector.broadcast %broadcast_in_dim3A_134 : vector<1x1xf32> to vector<192x128xf32>
    %eq3A_136 = arith.cmpf oeq, %select_n3A_123, %eq3A_135 : vector<192x128xf32>
    %jit3A_137 = arith.constant 1073741824 : i32
    %broadcast_in_dim3A_138 = vector.broadcast %jit3A_137 : i32 to vector<192x128xi32>
    %select_n3A_139 = arith.select %eq3A_136, %add3A, %broadcast_in_dim3A_138 : vector<192x128xi1>, vector<192x128xi32>
    %reduce_min3A_140 = vector.shape_cast %select_n3A_139 : vector<192x128xi32> to vector<1x192x128xi32>
    %reduce_min3A_141 = arith.constant dense<2147483647> : vector<1xi32>
    %reduce_min3A_142 = vector.multi_reduction <minsi>, %reduce_min3A_140, %reduce_min3A_141 [1, 2] : vector<1x192x128xi32> to vector<1xi32>
    %reduce_min3A_143 = vector.shape_cast %reduce_min3A_142 : vector<1xi32> to vector<1x1x1xi32>
    %reduce_min3A_144 = vector.extract %reduce_min3A_143[0, 0, 0] : i32 from vector<1x1x1xi32>
    %broadcast_in_dim3A_145 = vector.broadcast %reduce_min3A_144 : i32 to vector<1x1xi32>
    %slice3A_146 = vector.extract_strided_slice %get3A_45 {offsets = [2, 0], sizes = [1, 1], strides = [1, 1]} : vector<16x5xf32> to vector<1x1xf32>
    %slice3A_147 = vector.extract_strided_slice %get3A_45 {offsets = [2, 1], sizes = [1, 1], strides = [1, 1]} : vector<16x5xf32> to vector<1x1xf32>
    %slice3A_148 = vector.extract_strided_slice %get3A_45 {offsets = [2, 2], sizes = [1, 1], strides = [1, 1]} : vector<16x5xf32> to vector<1x1xf32>
    %slice3A_149 = vector.extract_strided_slice %get3A_45 {offsets = [2, 3], sizes = [1, 1], strides = [1, 1]} : vector<16x5xf32> to vector<1x1xf32>
    %min3A_150 = vector.broadcast %slice3A_148 : vector<1x1xf32> to vector<192x128xf32>
    %min3A_151 = arith.minimumf %min3A_150, %add3A_33 : vector<192x128xf32>
    %max3A_152 = vector.broadcast %slice3A_146 : vector<1x1xf32> to vector<192x128xf32>
    %max3A_153 = arith.maximumf %max3A_152, %sub3A : vector<192x128xf32>
    %sub3A_154 = arith.subf %min3A_151, %max3A_153 : vector<192x128xf32>
    %max3A_155 = arith.constant 0.000000e+00 : f32
    %max3A_156 = vector.broadcast %max3A_155 : f32 to vector<192x128xf32>
    %max3A_157 = arith.maximumf %sub3A_154, %max3A_156 : vector<192x128xf32>
    %min3A_158 = vector.broadcast %slice3A_149 : vector<1x1xf32> to vector<192x128xf32>
    %min3A_159 = arith.minimumf %min3A_158, %add3A_37 : vector<192x128xf32>
    %max3A_160 = vector.broadcast %slice3A_147 : vector<1x1xf32> to vector<192x128xf32>
    %max3A_161 = arith.maximumf %max3A_160, %sub3A_29 : vector<192x128xf32>
    %sub3A_162 = arith.subf %min3A_159, %max3A_161 : vector<192x128xf32>
    %max3A_163 = arith.constant 0.000000e+00 : f32
    %max3A_164 = vector.broadcast %max3A_163 : f32 to vector<192x128xf32>
    %max3A_165 = arith.maximumf %sub3A_162, %max3A_164 : vector<192x128xf32>
    %mul3A_166 = arith.mulf %max3A_157, %max3A_165 : vector<192x128xf32>
    %sub3A_167 = arith.subf %slice3A_148, %slice3A_146 : vector<1x1xf32>
    %sub3A_168 = arith.subf %slice3A_149, %slice3A_147 : vector<1x1xf32>
    %mul3A_169 = arith.mulf %sub3A_167, %sub3A_168 : vector<1x1xf32>
    %add3A_170 = vector.broadcast %mul3A_169 : vector<1x1xf32> to vector<192x128xf32>
    %add3A_171 = arith.addf %add3A_170, %mul3A_40 : vector<192x128xf32>
    %sub3A_172 = arith.subf %add3A_171, %mul3A_166 : vector<192x128xf32>
    %div3A_173 = arith.divf %mul3A_166, %sub3A_172 : vector<192x128xf32>
    %jit3A_174 = arith.constant -1.000000e+00 : f32
    %broadcast_in_dim3A_175 = vector.broadcast %jit3A_174 : f32 to vector<192x128xf32>
    %select_n3A_176 = arith.select %lt3A_4, %div3A_173, %broadcast_in_dim3A_175 : vector<192x128xi1>, vector<192x128xf32>
    %gt3A_177 = arith.cmpf ogt, %select_n3A_176, %select_n3A_128 : vector<192x128xf32>
    %jit3A_178 = arith.constant 2 : i32
    %broadcast_in_dim3A_179 = vector.broadcast %jit3A_178 : i32 to vector<192x128xi32>
    %select_n3A_180 = arith.select %gt3A_177, %broadcast_in_dim3A_179, %select_n3A_127 : vector<192x128xi1>, vector<192x128xi32>
    %select_n3A_181 = arith.select %gt3A_177, %select_n3A_176, %select_n3A_128 : vector<192x128xi1>, vector<192x128xf32>
    %reduce_max3A_182 = vector.shape_cast %select_n3A_176 : vector<192x128xf32> to vector<1x192x128xf32>
    %reduce_max3A_183 = arith.constant dense<0xFF800000> : vector<1xf32>
    %reduce_max3A_184 = vector.multi_reduction <maximumf>, %reduce_max3A_182, %reduce_max3A_183 [1, 2] : vector<1x192x128xf32> to vector<1xf32>
    %reduce_max3A_185 = vector.shape_cast %reduce_max3A_184 : vector<1xf32> to vector<1x1x1xf32>
    %reduce_max3A_186 = vector.extract %reduce_max3A_185[0, 0, 0] : f32 from vector<1x1x1xf32>
    %broadcast_in_dim3A_187 = vector.broadcast %reduce_max3A_186 : f32 to vector<1x1xf32>
    %eq3A_188 = vector.broadcast %broadcast_in_dim3A_187 : vector<1x1xf32> to vector<192x128xf32>
    %eq3A_189 = arith.cmpf oeq, %select_n3A_176, %eq3A_188 : vector<192x128xf32>
    %jit3A_190 = arith.constant 1073741824 : i32
    %broadcast_in_dim3A_191 = vector.broadcast %jit3A_190 : i32 to vector<192x128xi32>
    %select_n3A_192 = arith.select %eq3A_189, %add3A, %broadcast_in_dim3A_191 : vector<192x128xi1>, vector<192x128xi32>
    %reduce_min3A_193 = vector.shape_cast %select_n3A_192 : vector<192x128xi32> to vector<1x192x128xi32>
    %reduce_min3A_194 = arith.constant dense<2147483647> : vector<1xi32>
    %reduce_min3A_195 = vector.multi_reduction <minsi>, %reduce_min3A_193, %reduce_min3A_194 [1, 2] : vector<1x192x128xi32> to vector<1xi32>
    %reduce_min3A_196 = vector.shape_cast %reduce_min3A_195 : vector<1xi32> to vector<1x1x1xi32>
    %reduce_min3A_197 = vector.extract %reduce_min3A_196[0, 0, 0] : i32 from vector<1x1x1xi32>
    %broadcast_in_dim3A_198 = vector.broadcast %reduce_min3A_197 : i32 to vector<1x1xi32>
    %slice3A_199 = vector.extract_strided_slice %get3A_45 {offsets = [3, 0], sizes = [1, 1], strides = [1, 1]} : vector<16x5xf32> to vector<1x1xf32>
    %slice3A_200 = vector.extract_strided_slice %get3A_45 {offsets = [3, 1], sizes = [1, 1], strides = [1, 1]} : vector<16x5xf32> to vector<1x1xf32>
    %slice3A_201 = vector.extract_strided_slice %get3A_45 {offsets = [3, 2], sizes = [1, 1], strides = [1, 1]} : vector<16x5xf32> to vector<1x1xf32>
    %slice3A_202 = vector.extract_strided_slice %get3A_45 {offsets = [3, 3], sizes = [1, 1], strides = [1, 1]} : vector<16x5xf32> to vector<1x1xf32>
    %min3A_203 = vector.broadcast %slice3A_201 : vector<1x1xf32> to vector<192x128xf32>
    %min3A_204 = arith.minimumf %min3A_203, %add3A_33 : vector<192x128xf32>
    %max3A_205 = vector.broadcast %slice3A_199 : vector<1x1xf32> to vector<192x128xf32>
    %max3A_206 = arith.maximumf %max3A_205, %sub3A : vector<192x128xf32>
    %sub3A_207 = arith.subf %min3A_204, %max3A_206 : vector<192x128xf32>
    %max3A_208 = arith.constant 0.000000e+00 : f32
    %max3A_209 = vector.broadcast %max3A_208 : f32 to vector<192x128xf32>
    %max3A_210 = arith.maximumf %sub3A_207, %max3A_209 : vector<192x128xf32>
    %min3A_211 = vector.broadcast %slice3A_202 : vector<1x1xf32> to vector<192x128xf32>
    %min3A_212 = arith.minimumf %min3A_211, %add3A_37 : vector<192x128xf32>
    %max3A_213 = vector.broadcast %slice3A_200 : vector<1x1xf32> to vector<192x128xf32>
    %max3A_214 = arith.maximumf %max3A_213, %sub3A_29 : vector<192x128xf32>
    %sub3A_215 = arith.subf %min3A_212, %max3A_214 : vector<192x128xf32>
    %max3A_216 = arith.constant 0.000000e+00 : f32
    %max3A_217 = vector.broadcast %max3A_216 : f32 to vector<192x128xf32>
    %max3A_218 = arith.maximumf %sub3A_215, %max3A_217 : vector<192x128xf32>
    %mul3A_219 = arith.mulf %max3A_210, %max3A_218 : vector<192x128xf32>
    %sub3A_220 = arith.subf %slice3A_201, %slice3A_199 : vector<1x1xf32>
    %sub3A_221 = arith.subf %slice3A_202, %slice3A_200 : vector<1x1xf32>
    %mul3A_222 = arith.mulf %sub3A_220, %sub3A_221 : vector<1x1xf32>
    %add3A_223 = vector.broadcast %mul3A_222 : vector<1x1xf32> to vector<192x128xf32>
    %add3A_224 = arith.addf %add3A_223, %mul3A_40 : vector<192x128xf32>
    %sub3A_225 = arith.subf %add3A_224, %mul3A_219 : vector<192x128xf32>
    %div3A_226 = arith.divf %mul3A_219, %sub3A_225 : vector<192x128xf32>
    %jit3A_227 = arith.constant -1.000000e+00 : f32
    %broadcast_in_dim3A_228 = vector.broadcast %jit3A_227 : f32 to vector<192x128xf32>
    %select_n3A_229 = arith.select %lt3A_4, %div3A_226, %broadcast_in_dim3A_228 : vector<192x128xi1>, vector<192x128xf32>
    %gt3A_230 = arith.cmpf ogt, %select_n3A_229, %select_n3A_181 : vector<192x128xf32>
    %jit3A_231 = arith.constant 3 : i32
    %broadcast_in_dim3A_232 = vector.broadcast %jit3A_231 : i32 to vector<192x128xi32>
    %select_n3A_233 = arith.select %gt3A_230, %broadcast_in_dim3A_232, %select_n3A_180 : vector<192x128xi1>, vector<192x128xi32>
    %select_n3A_234 = arith.select %gt3A_230, %select_n3A_229, %select_n3A_181 : vector<192x128xi1>, vector<192x128xf32>
    %reduce_max3A_235 = vector.shape_cast %select_n3A_229 : vector<192x128xf32> to vector<1x192x128xf32>
    %reduce_max3A_236 = arith.constant dense<0xFF800000> : vector<1xf32>
    %reduce_max3A_237 = vector.multi_reduction <maximumf>, %reduce_max3A_235, %reduce_max3A_236 [1, 2] : vector<1x192x128xf32> to vector<1xf32>
    %reduce_max3A_238 = vector.shape_cast %reduce_max3A_237 : vector<1xf32> to vector<1x1x1xf32>
    %reduce_max3A_239 = vector.extract %reduce_max3A_238[0, 0, 0] : f32 from vector<1x1x1xf32>
    %broadcast_in_dim3A_240 = vector.broadcast %reduce_max3A_239 : f32 to vector<1x1xf32>
    %eq3A_241 = vector.broadcast %broadcast_in_dim3A_240 : vector<1x1xf32> to vector<192x128xf32>
    %eq3A_242 = arith.cmpf oeq, %select_n3A_229, %eq3A_241 : vector<192x128xf32>
    %jit3A_243 = arith.constant 1073741824 : i32
    %broadcast_in_dim3A_244 = vector.broadcast %jit3A_243 : i32 to vector<192x128xi32>
    %select_n3A_245 = arith.select %eq3A_242, %add3A, %broadcast_in_dim3A_244 : vector<192x128xi1>, vector<192x128xi32>
    %reduce_min3A_246 = vector.shape_cast %select_n3A_245 : vector<192x128xi32> to vector<1x192x128xi32>
    %reduce_min3A_247 = arith.constant dense<2147483647> : vector<1xi32>
    %reduce_min3A_248 = vector.multi_reduction <minsi>, %reduce_min3A_246, %reduce_min3A_247 [1, 2] : vector<1x192x128xi32> to vector<1xi32>
    %reduce_min3A_249 = vector.shape_cast %reduce_min3A_248 : vector<1xi32> to vector<1x1x1xi32>
    %reduce_min3A_250 = vector.extract %reduce_min3A_249[0, 0, 0] : i32 from vector<1x1x1xi32>
    %broadcast_in_dim3A_251 = vector.broadcast %reduce_min3A_250 : i32 to vector<1x1xi32>
    %slice3A_252 = vector.extract_strided_slice %get3A_45 {offsets = [4, 0], sizes = [1, 1], strides = [1, 1]} : vector<16x5xf32> to vector<1x1xf32>
    %slice3A_253 = vector.extract_strided_slice %get3A_45 {offsets = [4, 1], sizes = [1, 1], strides = [1, 1]} : vector<16x5xf32> to vector<1x1xf32>
    %slice3A_254 = vector.extract_strided_slice %get3A_45 {offsets = [4, 2], sizes = [1, 1], strides = [1, 1]} : vector<16x5xf32> to vector<1x1xf32>
    %slice3A_255 = vector.extract_strided_slice %get3A_45 {offsets = [4, 3], sizes = [1, 1], strides = [1, 1]} : vector<16x5xf32> to vector<1x1xf32>
    %min3A_256 = vector.broadcast %slice3A_254 : vector<1x1xf32> to vector<192x128xf32>
    %min3A_257 = arith.minimumf %min3A_256, %add3A_33 : vector<192x128xf32>
    %max3A_258 = vector.broadcast %slice3A_252 : vector<1x1xf32> to vector<192x128xf32>
    %max3A_259 = arith.maximumf %max3A_258, %sub3A : vector<192x128xf32>
    %sub3A_260 = arith.subf %min3A_257, %max3A_259 : vector<192x128xf32>
    %max3A_261 = arith.constant 0.000000e+00 : f32
    %max3A_262 = vector.broadcast %max3A_261 : f32 to vector<192x128xf32>
    %max3A_263 = arith.maximumf %sub3A_260, %max3A_262 : vector<192x128xf32>
    %min3A_264 = vector.broadcast %slice3A_255 : vector<1x1xf32> to vector<192x128xf32>
    %min3A_265 = arith.minimumf %min3A_264, %add3A_37 : vector<192x128xf32>
    %max3A_266 = vector.broadcast %slice3A_253 : vector<1x1xf32> to vector<192x128xf32>
    %max3A_267 = arith.maximumf %max3A_266, %sub3A_29 : vector<192x128xf32>
    %sub3A_268 = arith.subf %min3A_265, %max3A_267 : vector<192x128xf32>
    %max3A_269 = arith.constant 0.000000e+00 : f32
    %max3A_270 = vector.broadcast %max3A_269 : f32 to vector<192x128xf32>
    %max3A_271 = arith.maximumf %sub3A_268, %max3A_270 : vector<192x128xf32>
    %mul3A_272 = arith.mulf %max3A_263, %max3A_271 : vector<192x128xf32>
    %sub3A_273 = arith.subf %slice3A_254, %slice3A_252 : vector<1x1xf32>
    %sub3A_274 = arith.subf %slice3A_255, %slice3A_253 : vector<1x1xf32>
    %mul3A_275 = arith.mulf %sub3A_273, %sub3A_274 : vector<1x1xf32>
    %add3A_276 = vector.broadcast %mul3A_275 : vector<1x1xf32> to vector<192x128xf32>
    %add3A_277 = arith.addf %add3A_276, %mul3A_40 : vector<192x128xf32>
    %sub3A_278 = arith.subf %add3A_277, %mul3A_272 : vector<192x128xf32>
    %div3A_279 = arith.divf %mul3A_272, %sub3A_278 : vector<192x128xf32>
    %jit3A_280 = arith.constant -1.000000e+00 : f32
    %broadcast_in_dim3A_281 = vector.broadcast %jit3A_280 : f32 to vector<192x128xf32>
    %select_n3A_282 = arith.select %lt3A_4, %div3A_279, %broadcast_in_dim3A_281 : vector<192x128xi1>, vector<192x128xf32>
    %gt3A_283 = arith.cmpf ogt, %select_n3A_282, %select_n3A_234 : vector<192x128xf32>
    %jit3A_284 = arith.constant 4 : i32
    %broadcast_in_dim3A_285 = vector.broadcast %jit3A_284 : i32 to vector<192x128xi32>
    %select_n3A_286 = arith.select %gt3A_283, %broadcast_in_dim3A_285, %select_n3A_233 : vector<192x128xi1>, vector<192x128xi32>
    %select_n3A_287 = arith.select %gt3A_283, %select_n3A_282, %select_n3A_234 : vector<192x128xi1>, vector<192x128xf32>
    %reduce_max3A_288 = vector.shape_cast %select_n3A_282 : vector<192x128xf32> to vector<1x192x128xf32>
    %reduce_max3A_289 = arith.constant dense<0xFF800000> : vector<1xf32>
    %reduce_max3A_290 = vector.multi_reduction <maximumf>, %reduce_max3A_288, %reduce_max3A_289 [1, 2] : vector<1x192x128xf32> to vector<1xf32>
    %reduce_max3A_291 = vector.shape_cast %reduce_max3A_290 : vector<1xf32> to vector<1x1x1xf32>
    %reduce_max3A_292 = vector.extract %reduce_max3A_291[0, 0, 0] : f32 from vector<1x1x1xf32>
    %broadcast_in_dim3A_293 = vector.broadcast %reduce_max3A_292 : f32 to vector<1x1xf32>
    %eq3A_294 = vector.broadcast %broadcast_in_dim3A_293 : vector<1x1xf32> to vector<192x128xf32>
    %eq3A_295 = arith.cmpf oeq, %select_n3A_282, %eq3A_294 : vector<192x128xf32>
    %jit3A_296 = arith.constant 1073741824 : i32
    %broadcast_in_dim3A_297 = vector.broadcast %jit3A_296 : i32 to vector<192x128xi32>
    %select_n3A_298 = arith.select %eq3A_295, %add3A, %broadcast_in_dim3A_297 : vector<192x128xi1>, vector<192x128xi32>
    %reduce_min3A_299 = vector.shape_cast %select_n3A_298 : vector<192x128xi32> to vector<1x192x128xi32>
    %reduce_min3A_300 = arith.constant dense<2147483647> : vector<1xi32>
    %reduce_min3A_301 = vector.multi_reduction <minsi>, %reduce_min3A_299, %reduce_min3A_300 [1, 2] : vector<1x192x128xi32> to vector<1xi32>
    %reduce_min3A_302 = vector.shape_cast %reduce_min3A_301 : vector<1xi32> to vector<1x1x1xi32>
    %reduce_min3A_303 = vector.extract %reduce_min3A_302[0, 0, 0] : i32 from vector<1x1x1xi32>
    %broadcast_in_dim3A_304 = vector.broadcast %reduce_min3A_303 : i32 to vector<1x1xi32>
    %slice3A_305 = vector.extract_strided_slice %get3A_45 {offsets = [5, 0], sizes = [1, 1], strides = [1, 1]} : vector<16x5xf32> to vector<1x1xf32>
    %slice3A_306 = vector.extract_strided_slice %get3A_45 {offsets = [5, 1], sizes = [1, 1], strides = [1, 1]} : vector<16x5xf32> to vector<1x1xf32>
    %slice3A_307 = vector.extract_strided_slice %get3A_45 {offsets = [5, 2], sizes = [1, 1], strides = [1, 1]} : vector<16x5xf32> to vector<1x1xf32>
    %slice3A_308 = vector.extract_strided_slice %get3A_45 {offsets = [5, 3], sizes = [1, 1], strides = [1, 1]} : vector<16x5xf32> to vector<1x1xf32>
    %min3A_309 = vector.broadcast %slice3A_307 : vector<1x1xf32> to vector<192x128xf32>
    %min3A_310 = arith.minimumf %min3A_309, %add3A_33 : vector<192x128xf32>
    %max3A_311 = vector.broadcast %slice3A_305 : vector<1x1xf32> to vector<192x128xf32>
    %max3A_312 = arith.maximumf %max3A_311, %sub3A : vector<192x128xf32>
    %sub3A_313 = arith.subf %min3A_310, %max3A_312 : vector<192x128xf32>
    %max3A_314 = arith.constant 0.000000e+00 : f32
    %max3A_315 = vector.broadcast %max3A_314 : f32 to vector<192x128xf32>
    %max3A_316 = arith.maximumf %sub3A_313, %max3A_315 : vector<192x128xf32>
    %min3A_317 = vector.broadcast %slice3A_308 : vector<1x1xf32> to vector<192x128xf32>
    %min3A_318 = arith.minimumf %min3A_317, %add3A_37 : vector<192x128xf32>
    %max3A_319 = vector.broadcast %slice3A_306 : vector<1x1xf32> to vector<192x128xf32>
    %max3A_320 = arith.maximumf %max3A_319, %sub3A_29 : vector<192x128xf32>
    %sub3A_321 = arith.subf %min3A_318, %max3A_320 : vector<192x128xf32>
    %max3A_322 = arith.constant 0.000000e+00 : f32
    %max3A_323 = vector.broadcast %max3A_322 : f32 to vector<192x128xf32>
    %max3A_324 = arith.maximumf %sub3A_321, %max3A_323 : vector<192x128xf32>
    %mul3A_325 = arith.mulf %max3A_316, %max3A_324 : vector<192x128xf32>
    %sub3A_326 = arith.subf %slice3A_307, %slice3A_305 : vector<1x1xf32>
    %sub3A_327 = arith.subf %slice3A_308, %slice3A_306 : vector<1x1xf32>
    %mul3A_328 = arith.mulf %sub3A_326, %sub3A_327 : vector<1x1xf32>
    %add3A_329 = vector.broadcast %mul3A_328 : vector<1x1xf32> to vector<192x128xf32>
    %add3A_330 = arith.addf %add3A_329, %mul3A_40 : vector<192x128xf32>
    %sub3A_331 = arith.subf %add3A_330, %mul3A_325 : vector<192x128xf32>
    %div3A_332 = arith.divf %mul3A_325, %sub3A_331 : vector<192x128xf32>
    %jit3A_333 = arith.constant -1.000000e+00 : f32
    %broadcast_in_dim3A_334 = vector.broadcast %jit3A_333 : f32 to vector<192x128xf32>
    %select_n3A_335 = arith.select %lt3A_4, %div3A_332, %broadcast_in_dim3A_334 : vector<192x128xi1>, vector<192x128xf32>
    %gt3A_336 = arith.cmpf ogt, %select_n3A_335, %select_n3A_287 : vector<192x128xf32>
    %jit3A_337 = arith.constant 5 : i32
    %broadcast_in_dim3A_338 = vector.broadcast %jit3A_337 : i32 to vector<192x128xi32>
    %select_n3A_339 = arith.select %gt3A_336, %broadcast_in_dim3A_338, %select_n3A_286 : vector<192x128xi1>, vector<192x128xi32>
    %select_n3A_340 = arith.select %gt3A_336, %select_n3A_335, %select_n3A_287 : vector<192x128xi1>, vector<192x128xf32>
    %reduce_max3A_341 = vector.shape_cast %select_n3A_335 : vector<192x128xf32> to vector<1x192x128xf32>
    %reduce_max3A_342 = arith.constant dense<0xFF800000> : vector<1xf32>
    %reduce_max3A_343 = vector.multi_reduction <maximumf>, %reduce_max3A_341, %reduce_max3A_342 [1, 2] : vector<1x192x128xf32> to vector<1xf32>
    %reduce_max3A_344 = vector.shape_cast %reduce_max3A_343 : vector<1xf32> to vector<1x1x1xf32>
    %reduce_max3A_345 = vector.extract %reduce_max3A_344[0, 0, 0] : f32 from vector<1x1x1xf32>
    %broadcast_in_dim3A_346 = vector.broadcast %reduce_max3A_345 : f32 to vector<1x1xf32>
    %eq3A_347 = vector.broadcast %broadcast_in_dim3A_346 : vector<1x1xf32> to vector<192x128xf32>
    %eq3A_348 = arith.cmpf oeq, %select_n3A_335, %eq3A_347 : vector<192x128xf32>
    %jit3A_349 = arith.constant 1073741824 : i32
    %broadcast_in_dim3A_350 = vector.broadcast %jit3A_349 : i32 to vector<192x128xi32>
    %select_n3A_351 = arith.select %eq3A_348, %add3A, %broadcast_in_dim3A_350 : vector<192x128xi1>, vector<192x128xi32>
    %reduce_min3A_352 = vector.shape_cast %select_n3A_351 : vector<192x128xi32> to vector<1x192x128xi32>
    %reduce_min3A_353 = arith.constant dense<2147483647> : vector<1xi32>
    %reduce_min3A_354 = vector.multi_reduction <minsi>, %reduce_min3A_352, %reduce_min3A_353 [1, 2] : vector<1x192x128xi32> to vector<1xi32>
    %reduce_min3A_355 = vector.shape_cast %reduce_min3A_354 : vector<1xi32> to vector<1x1x1xi32>
    %reduce_min3A_356 = vector.extract %reduce_min3A_355[0, 0, 0] : i32 from vector<1x1x1xi32>
    %broadcast_in_dim3A_357 = vector.broadcast %reduce_min3A_356 : i32 to vector<1x1xi32>
    %slice3A_358 = vector.extract_strided_slice %get3A_45 {offsets = [6, 0], sizes = [1, 1], strides = [1, 1]} : vector<16x5xf32> to vector<1x1xf32>
    %slice3A_359 = vector.extract_strided_slice %get3A_45 {offsets = [6, 1], sizes = [1, 1], strides = [1, 1]} : vector<16x5xf32> to vector<1x1xf32>
    %slice3A_360 = vector.extract_strided_slice %get3A_45 {offsets = [6, 2], sizes = [1, 1], strides = [1, 1]} : vector<16x5xf32> to vector<1x1xf32>
    %slice3A_361 = vector.extract_strided_slice %get3A_45 {offsets = [6, 3], sizes = [1, 1], strides = [1, 1]} : vector<16x5xf32> to vector<1x1xf32>
    %min3A_362 = vector.broadcast %slice3A_360 : vector<1x1xf32> to vector<192x128xf32>
    %min3A_363 = arith.minimumf %min3A_362, %add3A_33 : vector<192x128xf32>
    %max3A_364 = vector.broadcast %slice3A_358 : vector<1x1xf32> to vector<192x128xf32>
    %max3A_365 = arith.maximumf %max3A_364, %sub3A : vector<192x128xf32>
    %sub3A_366 = arith.subf %min3A_363, %max3A_365 : vector<192x128xf32>
    %max3A_367 = arith.constant 0.000000e+00 : f32
    %max3A_368 = vector.broadcast %max3A_367 : f32 to vector<192x128xf32>
    %max3A_369 = arith.maximumf %sub3A_366, %max3A_368 : vector<192x128xf32>
    %min3A_370 = vector.broadcast %slice3A_361 : vector<1x1xf32> to vector<192x128xf32>
    %min3A_371 = arith.minimumf %min3A_370, %add3A_37 : vector<192x128xf32>
    %max3A_372 = vector.broadcast %slice3A_359 : vector<1x1xf32> to vector<192x128xf32>
    %max3A_373 = arith.maximumf %max3A_372, %sub3A_29 : vector<192x128xf32>
    %sub3A_374 = arith.subf %min3A_371, %max3A_373 : vector<192x128xf32>
    %max3A_375 = arith.constant 0.000000e+00 : f32
    %max3A_376 = vector.broadcast %max3A_375 : f32 to vector<192x128xf32>
    %max3A_377 = arith.maximumf %sub3A_374, %max3A_376 : vector<192x128xf32>
    %mul3A_378 = arith.mulf %max3A_369, %max3A_377 : vector<192x128xf32>
    %sub3A_379 = arith.subf %slice3A_360, %slice3A_358 : vector<1x1xf32>
    %sub3A_380 = arith.subf %slice3A_361, %slice3A_359 : vector<1x1xf32>
    %mul3A_381 = arith.mulf %sub3A_379, %sub3A_380 : vector<1x1xf32>
    %add3A_382 = vector.broadcast %mul3A_381 : vector<1x1xf32> to vector<192x128xf32>
    %add3A_383 = arith.addf %add3A_382, %mul3A_40 : vector<192x128xf32>
    %sub3A_384 = arith.subf %add3A_383, %mul3A_378 : vector<192x128xf32>
    %div3A_385 = arith.divf %mul3A_378, %sub3A_384 : vector<192x128xf32>
    %jit3A_386 = arith.constant -1.000000e+00 : f32
    %broadcast_in_dim3A_387 = vector.broadcast %jit3A_386 : f32 to vector<192x128xf32>
    %select_n3A_388 = arith.select %lt3A_4, %div3A_385, %broadcast_in_dim3A_387 : vector<192x128xi1>, vector<192x128xf32>
    %gt3A_389 = arith.cmpf ogt, %select_n3A_388, %select_n3A_340 : vector<192x128xf32>
    %jit3A_390 = arith.constant 6 : i32
    %broadcast_in_dim3A_391 = vector.broadcast %jit3A_390 : i32 to vector<192x128xi32>
    %select_n3A_392 = arith.select %gt3A_389, %broadcast_in_dim3A_391, %select_n3A_339 : vector<192x128xi1>, vector<192x128xi32>
    %select_n3A_393 = arith.select %gt3A_389, %select_n3A_388, %select_n3A_340 : vector<192x128xi1>, vector<192x128xf32>
    %reduce_max3A_394 = vector.shape_cast %select_n3A_388 : vector<192x128xf32> to vector<1x192x128xf32>
    %reduce_max3A_395 = arith.constant dense<0xFF800000> : vector<1xf32>
    %reduce_max3A_396 = vector.multi_reduction <maximumf>, %reduce_max3A_394, %reduce_max3A_395 [1, 2] : vector<1x192x128xf32> to vector<1xf32>
    %reduce_max3A_397 = vector.shape_cast %reduce_max3A_396 : vector<1xf32> to vector<1x1x1xf32>
    %reduce_max3A_398 = vector.extract %reduce_max3A_397[0, 0, 0] : f32 from vector<1x1x1xf32>
    %broadcast_in_dim3A_399 = vector.broadcast %reduce_max3A_398 : f32 to vector<1x1xf32>
    %eq3A_400 = vector.broadcast %broadcast_in_dim3A_399 : vector<1x1xf32> to vector<192x128xf32>
    %eq3A_401 = arith.cmpf oeq, %select_n3A_388, %eq3A_400 : vector<192x128xf32>
    %jit3A_402 = arith.constant 1073741824 : i32
    %broadcast_in_dim3A_403 = vector.broadcast %jit3A_402 : i32 to vector<192x128xi32>
    %select_n3A_404 = arith.select %eq3A_401, %add3A, %broadcast_in_dim3A_403 : vector<192x128xi1>, vector<192x128xi32>
    %reduce_min3A_405 = vector.shape_cast %select_n3A_404 : vector<192x128xi32> to vector<1x192x128xi32>
    %reduce_min3A_406 = arith.constant dense<2147483647> : vector<1xi32>
    %reduce_min3A_407 = vector.multi_reduction <minsi>, %reduce_min3A_405, %reduce_min3A_406 [1, 2] : vector<1x192x128xi32> to vector<1xi32>
    %reduce_min3A_408 = vector.shape_cast %reduce_min3A_407 : vector<1xi32> to vector<1x1x1xi32>
    %reduce_min3A_409 = vector.extract %reduce_min3A_408[0, 0, 0] : i32 from vector<1x1x1xi32>
    %broadcast_in_dim3A_410 = vector.broadcast %reduce_min3A_409 : i32 to vector<1x1xi32>
    %slice3A_411 = vector.extract_strided_slice %get3A_45 {offsets = [7, 0], sizes = [1, 1], strides = [1, 1]} : vector<16x5xf32> to vector<1x1xf32>
    %slice3A_412 = vector.extract_strided_slice %get3A_45 {offsets = [7, 1], sizes = [1, 1], strides = [1, 1]} : vector<16x5xf32> to vector<1x1xf32>
    %slice3A_413 = vector.extract_strided_slice %get3A_45 {offsets = [7, 2], sizes = [1, 1], strides = [1, 1]} : vector<16x5xf32> to vector<1x1xf32>
    %slice3A_414 = vector.extract_strided_slice %get3A_45 {offsets = [7, 3], sizes = [1, 1], strides = [1, 1]} : vector<16x5xf32> to vector<1x1xf32>
    %min3A_415 = vector.broadcast %slice3A_413 : vector<1x1xf32> to vector<192x128xf32>
    %min3A_416 = arith.minimumf %min3A_415, %add3A_33 : vector<192x128xf32>
    %max3A_417 = vector.broadcast %slice3A_411 : vector<1x1xf32> to vector<192x128xf32>
    %max3A_418 = arith.maximumf %max3A_417, %sub3A : vector<192x128xf32>
    %sub3A_419 = arith.subf %min3A_416, %max3A_418 : vector<192x128xf32>
    %max3A_420 = arith.constant 0.000000e+00 : f32
    %max3A_421 = vector.broadcast %max3A_420 : f32 to vector<192x128xf32>
    %max3A_422 = arith.maximumf %sub3A_419, %max3A_421 : vector<192x128xf32>
    %min3A_423 = vector.broadcast %slice3A_414 : vector<1x1xf32> to vector<192x128xf32>
    %min3A_424 = arith.minimumf %min3A_423, %add3A_37 : vector<192x128xf32>
    %max3A_425 = vector.broadcast %slice3A_412 : vector<1x1xf32> to vector<192x128xf32>
    %max3A_426 = arith.maximumf %max3A_425, %sub3A_29 : vector<192x128xf32>
    %sub3A_427 = arith.subf %min3A_424, %max3A_426 : vector<192x128xf32>
    %max3A_428 = arith.constant 0.000000e+00 : f32
    %max3A_429 = vector.broadcast %max3A_428 : f32 to vector<192x128xf32>
    %max3A_430 = arith.maximumf %sub3A_427, %max3A_429 : vector<192x128xf32>
    %mul3A_431 = arith.mulf %max3A_422, %max3A_430 : vector<192x128xf32>
    %sub3A_432 = arith.subf %slice3A_413, %slice3A_411 : vector<1x1xf32>
    %sub3A_433 = arith.subf %slice3A_414, %slice3A_412 : vector<1x1xf32>
    %mul3A_434 = arith.mulf %sub3A_432, %sub3A_433 : vector<1x1xf32>
    %add3A_435 = vector.broadcast %mul3A_434 : vector<1x1xf32> to vector<192x128xf32>
    %add3A_436 = arith.addf %add3A_435, %mul3A_40 : vector<192x128xf32>
    %sub3A_437 = arith.subf %add3A_436, %mul3A_431 : vector<192x128xf32>
    %div3A_438 = arith.divf %mul3A_431, %sub3A_437 : vector<192x128xf32>
    %jit3A_439 = arith.constant -1.000000e+00 : f32
    %broadcast_in_dim3A_440 = vector.broadcast %jit3A_439 : f32 to vector<192x128xf32>
    %select_n3A_441 = arith.select %lt3A_4, %div3A_438, %broadcast_in_dim3A_440 : vector<192x128xi1>, vector<192x128xf32>
    %gt3A_442 = arith.cmpf ogt, %select_n3A_441, %select_n3A_393 : vector<192x128xf32>
    %jit3A_443 = arith.constant 7 : i32
    %broadcast_in_dim3A_444 = vector.broadcast %jit3A_443 : i32 to vector<192x128xi32>
    %select_n3A_445 = arith.select %gt3A_442, %broadcast_in_dim3A_444, %select_n3A_392 : vector<192x128xi1>, vector<192x128xi32>
    %select_n3A_446 = arith.select %gt3A_442, %select_n3A_441, %select_n3A_393 : vector<192x128xi1>, vector<192x128xf32>
    %reduce_max3A_447 = vector.shape_cast %select_n3A_441 : vector<192x128xf32> to vector<1x192x128xf32>
    %reduce_max3A_448 = arith.constant dense<0xFF800000> : vector<1xf32>
    %reduce_max3A_449 = vector.multi_reduction <maximumf>, %reduce_max3A_447, %reduce_max3A_448 [1, 2] : vector<1x192x128xf32> to vector<1xf32>
    %reduce_max3A_450 = vector.shape_cast %reduce_max3A_449 : vector<1xf32> to vector<1x1x1xf32>
    %reduce_max3A_451 = vector.extract %reduce_max3A_450[0, 0, 0] : f32 from vector<1x1x1xf32>
    %broadcast_in_dim3A_452 = vector.broadcast %reduce_max3A_451 : f32 to vector<1x1xf32>
    %eq3A_453 = vector.broadcast %broadcast_in_dim3A_452 : vector<1x1xf32> to vector<192x128xf32>
    %eq3A_454 = arith.cmpf oeq, %select_n3A_441, %eq3A_453 : vector<192x128xf32>
    %jit3A_455 = arith.constant 1073741824 : i32
    %broadcast_in_dim3A_456 = vector.broadcast %jit3A_455 : i32 to vector<192x128xi32>
    %select_n3A_457 = arith.select %eq3A_454, %add3A, %broadcast_in_dim3A_456 : vector<192x128xi1>, vector<192x128xi32>
    %reduce_min3A_458 = vector.shape_cast %select_n3A_457 : vector<192x128xi32> to vector<1x192x128xi32>
    %reduce_min3A_459 = arith.constant dense<2147483647> : vector<1xi32>
    %reduce_min3A_460 = vector.multi_reduction <minsi>, %reduce_min3A_458, %reduce_min3A_459 [1, 2] : vector<1x192x128xi32> to vector<1xi32>
    %reduce_min3A_461 = vector.shape_cast %reduce_min3A_460 : vector<1xi32> to vector<1x1x1xi32>
    %reduce_min3A_462 = vector.extract %reduce_min3A_461[0, 0, 0] : i32 from vector<1x1x1xi32>
    %broadcast_in_dim3A_463 = vector.broadcast %reduce_min3A_462 : i32 to vector<1x1xi32>
    %slice3A_464 = vector.extract_strided_slice %get3A_45 {offsets = [8, 0], sizes = [1, 1], strides = [1, 1]} : vector<16x5xf32> to vector<1x1xf32>
    %slice3A_465 = vector.extract_strided_slice %get3A_45 {offsets = [8, 1], sizes = [1, 1], strides = [1, 1]} : vector<16x5xf32> to vector<1x1xf32>
    %slice3A_466 = vector.extract_strided_slice %get3A_45 {offsets = [8, 2], sizes = [1, 1], strides = [1, 1]} : vector<16x5xf32> to vector<1x1xf32>
    %slice3A_467 = vector.extract_strided_slice %get3A_45 {offsets = [8, 3], sizes = [1, 1], strides = [1, 1]} : vector<16x5xf32> to vector<1x1xf32>
    %min3A_468 = vector.broadcast %slice3A_466 : vector<1x1xf32> to vector<192x128xf32>
    %min3A_469 = arith.minimumf %min3A_468, %add3A_33 : vector<192x128xf32>
    %max3A_470 = vector.broadcast %slice3A_464 : vector<1x1xf32> to vector<192x128xf32>
    %max3A_471 = arith.maximumf %max3A_470, %sub3A : vector<192x128xf32>
    %sub3A_472 = arith.subf %min3A_469, %max3A_471 : vector<192x128xf32>
    %max3A_473 = arith.constant 0.000000e+00 : f32
    %max3A_474 = vector.broadcast %max3A_473 : f32 to vector<192x128xf32>
    %max3A_475 = arith.maximumf %sub3A_472, %max3A_474 : vector<192x128xf32>
    %min3A_476 = vector.broadcast %slice3A_467 : vector<1x1xf32> to vector<192x128xf32>
    %min3A_477 = arith.minimumf %min3A_476, %add3A_37 : vector<192x128xf32>
    %max3A_478 = vector.broadcast %slice3A_465 : vector<1x1xf32> to vector<192x128xf32>
    %max3A_479 = arith.maximumf %max3A_478, %sub3A_29 : vector<192x128xf32>
    %sub3A_480 = arith.subf %min3A_477, %max3A_479 : vector<192x128xf32>
    %max3A_481 = arith.constant 0.000000e+00 : f32
    %max3A_482 = vector.broadcast %max3A_481 : f32 to vector<192x128xf32>
    %max3A_483 = arith.maximumf %sub3A_480, %max3A_482 : vector<192x128xf32>
    %mul3A_484 = arith.mulf %max3A_475, %max3A_483 : vector<192x128xf32>
    %sub3A_485 = arith.subf %slice3A_466, %slice3A_464 : vector<1x1xf32>
    %sub3A_486 = arith.subf %slice3A_467, %slice3A_465 : vector<1x1xf32>
    %mul3A_487 = arith.mulf %sub3A_485, %sub3A_486 : vector<1x1xf32>
    %add3A_488 = vector.broadcast %mul3A_487 : vector<1x1xf32> to vector<192x128xf32>
    %add3A_489 = arith.addf %add3A_488, %mul3A_40 : vector<192x128xf32>
    %sub3A_490 = arith.subf %add3A_489, %mul3A_484 : vector<192x128xf32>
    %div3A_491 = arith.divf %mul3A_484, %sub3A_490 : vector<192x128xf32>
    %jit3A_492 = arith.constant -1.000000e+00 : f32
    %broadcast_in_dim3A_493 = vector.broadcast %jit3A_492 : f32 to vector<192x128xf32>
    %select_n3A_494 = arith.select %lt3A_4, %div3A_491, %broadcast_in_dim3A_493 : vector<192x128xi1>, vector<192x128xf32>
    %gt3A_495 = arith.cmpf ogt, %select_n3A_494, %select_n3A_446 : vector<192x128xf32>
    %jit3A_496 = arith.constant 8 : i32
    %broadcast_in_dim3A_497 = vector.broadcast %jit3A_496 : i32 to vector<192x128xi32>
    %select_n3A_498 = arith.select %gt3A_495, %broadcast_in_dim3A_497, %select_n3A_445 : vector<192x128xi1>, vector<192x128xi32>
    %select_n3A_499 = arith.select %gt3A_495, %select_n3A_494, %select_n3A_446 : vector<192x128xi1>, vector<192x128xf32>
    %reduce_max3A_500 = vector.shape_cast %select_n3A_494 : vector<192x128xf32> to vector<1x192x128xf32>
    %reduce_max3A_501 = arith.constant dense<0xFF800000> : vector<1xf32>
    %reduce_max3A_502 = vector.multi_reduction <maximumf>, %reduce_max3A_500, %reduce_max3A_501 [1, 2] : vector<1x192x128xf32> to vector<1xf32>
    %reduce_max3A_503 = vector.shape_cast %reduce_max3A_502 : vector<1xf32> to vector<1x1x1xf32>
    %reduce_max3A_504 = vector.extract %reduce_max3A_503[0, 0, 0] : f32 from vector<1x1x1xf32>
    %broadcast_in_dim3A_505 = vector.broadcast %reduce_max3A_504 : f32 to vector<1x1xf32>
    %eq3A_506 = vector.broadcast %broadcast_in_dim3A_505 : vector<1x1xf32> to vector<192x128xf32>
    %eq3A_507 = arith.cmpf oeq, %select_n3A_494, %eq3A_506 : vector<192x128xf32>
    %jit3A_508 = arith.constant 1073741824 : i32
    %broadcast_in_dim3A_509 = vector.broadcast %jit3A_508 : i32 to vector<192x128xi32>
    %select_n3A_510 = arith.select %eq3A_507, %add3A, %broadcast_in_dim3A_509 : vector<192x128xi1>, vector<192x128xi32>
    %reduce_min3A_511 = vector.shape_cast %select_n3A_510 : vector<192x128xi32> to vector<1x192x128xi32>
    %reduce_min3A_512 = arith.constant dense<2147483647> : vector<1xi32>
    %reduce_min3A_513 = vector.multi_reduction <minsi>, %reduce_min3A_511, %reduce_min3A_512 [1, 2] : vector<1x192x128xi32> to vector<1xi32>
    %reduce_min3A_514 = vector.shape_cast %reduce_min3A_513 : vector<1xi32> to vector<1x1x1xi32>
    %reduce_min3A_515 = vector.extract %reduce_min3A_514[0, 0, 0] : i32 from vector<1x1x1xi32>
    %broadcast_in_dim3A_516 = vector.broadcast %reduce_min3A_515 : i32 to vector<1x1xi32>
    %slice3A_517 = vector.extract_strided_slice %get3A_45 {offsets = [9, 0], sizes = [1, 1], strides = [1, 1]} : vector<16x5xf32> to vector<1x1xf32>
    %slice3A_518 = vector.extract_strided_slice %get3A_45 {offsets = [9, 1], sizes = [1, 1], strides = [1, 1]} : vector<16x5xf32> to vector<1x1xf32>
    %slice3A_519 = vector.extract_strided_slice %get3A_45 {offsets = [9, 2], sizes = [1, 1], strides = [1, 1]} : vector<16x5xf32> to vector<1x1xf32>
    %slice3A_520 = vector.extract_strided_slice %get3A_45 {offsets = [9, 3], sizes = [1, 1], strides = [1, 1]} : vector<16x5xf32> to vector<1x1xf32>
    %min3A_521 = vector.broadcast %slice3A_519 : vector<1x1xf32> to vector<192x128xf32>
    %min3A_522 = arith.minimumf %min3A_521, %add3A_33 : vector<192x128xf32>
    %max3A_523 = vector.broadcast %slice3A_517 : vector<1x1xf32> to vector<192x128xf32>
    %max3A_524 = arith.maximumf %max3A_523, %sub3A : vector<192x128xf32>
    %sub3A_525 = arith.subf %min3A_522, %max3A_524 : vector<192x128xf32>
    %max3A_526 = arith.constant 0.000000e+00 : f32
    %max3A_527 = vector.broadcast %max3A_526 : f32 to vector<192x128xf32>
    %max3A_528 = arith.maximumf %sub3A_525, %max3A_527 : vector<192x128xf32>
    %min3A_529 = vector.broadcast %slice3A_520 : vector<1x1xf32> to vector<192x128xf32>
    %min3A_530 = arith.minimumf %min3A_529, %add3A_37 : vector<192x128xf32>
    %max3A_531 = vector.broadcast %slice3A_518 : vector<1x1xf32> to vector<192x128xf32>
    %max3A_532 = arith.maximumf %max3A_531, %sub3A_29 : vector<192x128xf32>
    %sub3A_533 = arith.subf %min3A_530, %max3A_532 : vector<192x128xf32>
    %max3A_534 = arith.constant 0.000000e+00 : f32
    %max3A_535 = vector.broadcast %max3A_534 : f32 to vector<192x128xf32>
    %max3A_536 = arith.maximumf %sub3A_533, %max3A_535 : vector<192x128xf32>
    %mul3A_537 = arith.mulf %max3A_528, %max3A_536 : vector<192x128xf32>
    %sub3A_538 = arith.subf %slice3A_519, %slice3A_517 : vector<1x1xf32>
    %sub3A_539 = arith.subf %slice3A_520, %slice3A_518 : vector<1x1xf32>
    %mul3A_540 = arith.mulf %sub3A_538, %sub3A_539 : vector<1x1xf32>
    %add3A_541 = vector.broadcast %mul3A_540 : vector<1x1xf32> to vector<192x128xf32>
    %add3A_542 = arith.addf %add3A_541, %mul3A_40 : vector<192x128xf32>
    %sub3A_543 = arith.subf %add3A_542, %mul3A_537 : vector<192x128xf32>
    %div3A_544 = arith.divf %mul3A_537, %sub3A_543 : vector<192x128xf32>
    %jit3A_545 = arith.constant -1.000000e+00 : f32
    %broadcast_in_dim3A_546 = vector.broadcast %jit3A_545 : f32 to vector<192x128xf32>
    %select_n3A_547 = arith.select %lt3A_4, %div3A_544, %broadcast_in_dim3A_546 : vector<192x128xi1>, vector<192x128xf32>
    %gt3A_548 = arith.cmpf ogt, %select_n3A_547, %select_n3A_499 : vector<192x128xf32>
    %jit3A_549 = arith.constant 9 : i32
    %broadcast_in_dim3A_550 = vector.broadcast %jit3A_549 : i32 to vector<192x128xi32>
    %select_n3A_551 = arith.select %gt3A_548, %broadcast_in_dim3A_550, %select_n3A_498 : vector<192x128xi1>, vector<192x128xi32>
    %select_n3A_552 = arith.select %gt3A_548, %select_n3A_547, %select_n3A_499 : vector<192x128xi1>, vector<192x128xf32>
    %reduce_max3A_553 = vector.shape_cast %select_n3A_547 : vector<192x128xf32> to vector<1x192x128xf32>
    %reduce_max3A_554 = arith.constant dense<0xFF800000> : vector<1xf32>
    %reduce_max3A_555 = vector.multi_reduction <maximumf>, %reduce_max3A_553, %reduce_max3A_554 [1, 2] : vector<1x192x128xf32> to vector<1xf32>
    %reduce_max3A_556 = vector.shape_cast %reduce_max3A_555 : vector<1xf32> to vector<1x1x1xf32>
    %reduce_max3A_557 = vector.extract %reduce_max3A_556[0, 0, 0] : f32 from vector<1x1x1xf32>
    %broadcast_in_dim3A_558 = vector.broadcast %reduce_max3A_557 : f32 to vector<1x1xf32>
    %eq3A_559 = vector.broadcast %broadcast_in_dim3A_558 : vector<1x1xf32> to vector<192x128xf32>
    %eq3A_560 = arith.cmpf oeq, %select_n3A_547, %eq3A_559 : vector<192x128xf32>
    %jit3A_561 = arith.constant 1073741824 : i32
    %broadcast_in_dim3A_562 = vector.broadcast %jit3A_561 : i32 to vector<192x128xi32>
    %select_n3A_563 = arith.select %eq3A_560, %add3A, %broadcast_in_dim3A_562 : vector<192x128xi1>, vector<192x128xi32>
    %reduce_min3A_564 = vector.shape_cast %select_n3A_563 : vector<192x128xi32> to vector<1x192x128xi32>
    %reduce_min3A_565 = arith.constant dense<2147483647> : vector<1xi32>
    %reduce_min3A_566 = vector.multi_reduction <minsi>, %reduce_min3A_564, %reduce_min3A_565 [1, 2] : vector<1x192x128xi32> to vector<1xi32>
    %reduce_min3A_567 = vector.shape_cast %reduce_min3A_566 : vector<1xi32> to vector<1x1x1xi32>
    %reduce_min3A_568 = vector.extract %reduce_min3A_567[0, 0, 0] : i32 from vector<1x1x1xi32>
    %broadcast_in_dim3A_569 = vector.broadcast %reduce_min3A_568 : i32 to vector<1x1xi32>
    %slice3A_570 = vector.extract_strided_slice %get3A_45 {offsets = [10, 0], sizes = [1, 1], strides = [1, 1]} : vector<16x5xf32> to vector<1x1xf32>
    %slice3A_571 = vector.extract_strided_slice %get3A_45 {offsets = [10, 1], sizes = [1, 1], strides = [1, 1]} : vector<16x5xf32> to vector<1x1xf32>
    %slice3A_572 = vector.extract_strided_slice %get3A_45 {offsets = [10, 2], sizes = [1, 1], strides = [1, 1]} : vector<16x5xf32> to vector<1x1xf32>
    %slice3A_573 = vector.extract_strided_slice %get3A_45 {offsets = [10, 3], sizes = [1, 1], strides = [1, 1]} : vector<16x5xf32> to vector<1x1xf32>
    %min3A_574 = vector.broadcast %slice3A_572 : vector<1x1xf32> to vector<192x128xf32>
    %min3A_575 = arith.minimumf %min3A_574, %add3A_33 : vector<192x128xf32>
    %max3A_576 = vector.broadcast %slice3A_570 : vector<1x1xf32> to vector<192x128xf32>
    %max3A_577 = arith.maximumf %max3A_576, %sub3A : vector<192x128xf32>
    %sub3A_578 = arith.subf %min3A_575, %max3A_577 : vector<192x128xf32>
    %max3A_579 = arith.constant 0.000000e+00 : f32
    %max3A_580 = vector.broadcast %max3A_579 : f32 to vector<192x128xf32>
    %max3A_581 = arith.maximumf %sub3A_578, %max3A_580 : vector<192x128xf32>
    %min3A_582 = vector.broadcast %slice3A_573 : vector<1x1xf32> to vector<192x128xf32>
    %min3A_583 = arith.minimumf %min3A_582, %add3A_37 : vector<192x128xf32>
    %max3A_584 = vector.broadcast %slice3A_571 : vector<1x1xf32> to vector<192x128xf32>
    %max3A_585 = arith.maximumf %max3A_584, %sub3A_29 : vector<192x128xf32>
    %sub3A_586 = arith.subf %min3A_583, %max3A_585 : vector<192x128xf32>
    %max3A_587 = arith.constant 0.000000e+00 : f32
    %max3A_588 = vector.broadcast %max3A_587 : f32 to vector<192x128xf32>
    %max3A_589 = arith.maximumf %sub3A_586, %max3A_588 : vector<192x128xf32>
    %mul3A_590 = arith.mulf %max3A_581, %max3A_589 : vector<192x128xf32>
    %sub3A_591 = arith.subf %slice3A_572, %slice3A_570 : vector<1x1xf32>
    %sub3A_592 = arith.subf %slice3A_573, %slice3A_571 : vector<1x1xf32>
    %mul3A_593 = arith.mulf %sub3A_591, %sub3A_592 : vector<1x1xf32>
    %add3A_594 = vector.broadcast %mul3A_593 : vector<1x1xf32> to vector<192x128xf32>
    %add3A_595 = arith.addf %add3A_594, %mul3A_40 : vector<192x128xf32>
    %sub3A_596 = arith.subf %add3A_595, %mul3A_590 : vector<192x128xf32>
    %div3A_597 = arith.divf %mul3A_590, %sub3A_596 : vector<192x128xf32>
    %jit3A_598 = arith.constant -1.000000e+00 : f32
    %broadcast_in_dim3A_599 = vector.broadcast %jit3A_598 : f32 to vector<192x128xf32>
    %select_n3A_600 = arith.select %lt3A_4, %div3A_597, %broadcast_in_dim3A_599 : vector<192x128xi1>, vector<192x128xf32>
    %gt3A_601 = arith.cmpf ogt, %select_n3A_600, %select_n3A_552 : vector<192x128xf32>
    %jit3A_602 = arith.constant 10 : i32
    %broadcast_in_dim3A_603 = vector.broadcast %jit3A_602 : i32 to vector<192x128xi32>
    %select_n3A_604 = arith.select %gt3A_601, %broadcast_in_dim3A_603, %select_n3A_551 : vector<192x128xi1>, vector<192x128xi32>
    %select_n3A_605 = arith.select %gt3A_601, %select_n3A_600, %select_n3A_552 : vector<192x128xi1>, vector<192x128xf32>
    %reduce_max3A_606 = vector.shape_cast %select_n3A_600 : vector<192x128xf32> to vector<1x192x128xf32>
    %reduce_max3A_607 = arith.constant dense<0xFF800000> : vector<1xf32>
    %reduce_max3A_608 = vector.multi_reduction <maximumf>, %reduce_max3A_606, %reduce_max3A_607 [1, 2] : vector<1x192x128xf32> to vector<1xf32>
    %reduce_max3A_609 = vector.shape_cast %reduce_max3A_608 : vector<1xf32> to vector<1x1x1xf32>
    %reduce_max3A_610 = vector.extract %reduce_max3A_609[0, 0, 0] : f32 from vector<1x1x1xf32>
    %broadcast_in_dim3A_611 = vector.broadcast %reduce_max3A_610 : f32 to vector<1x1xf32>
    %eq3A_612 = vector.broadcast %broadcast_in_dim3A_611 : vector<1x1xf32> to vector<192x128xf32>
    %eq3A_613 = arith.cmpf oeq, %select_n3A_600, %eq3A_612 : vector<192x128xf32>
    %jit3A_614 = arith.constant 1073741824 : i32
    %broadcast_in_dim3A_615 = vector.broadcast %jit3A_614 : i32 to vector<192x128xi32>
    %select_n3A_616 = arith.select %eq3A_613, %add3A, %broadcast_in_dim3A_615 : vector<192x128xi1>, vector<192x128xi32>
    %reduce_min3A_617 = vector.shape_cast %select_n3A_616 : vector<192x128xi32> to vector<1x192x128xi32>
    %reduce_min3A_618 = arith.constant dense<2147483647> : vector<1xi32>
    %reduce_min3A_619 = vector.multi_reduction <minsi>, %reduce_min3A_617, %reduce_min3A_618 [1, 2] : vector<1x192x128xi32> to vector<1xi32>
    %reduce_min3A_620 = vector.shape_cast %reduce_min3A_619 : vector<1xi32> to vector<1x1x1xi32>
    %reduce_min3A_621 = vector.extract %reduce_min3A_620[0, 0, 0] : i32 from vector<1x1x1xi32>
    %broadcast_in_dim3A_622 = vector.broadcast %reduce_min3A_621 : i32 to vector<1x1xi32>
    %slice3A_623 = vector.extract_strided_slice %get3A_45 {offsets = [11, 0], sizes = [1, 1], strides = [1, 1]} : vector<16x5xf32> to vector<1x1xf32>
    %slice3A_624 = vector.extract_strided_slice %get3A_45 {offsets = [11, 1], sizes = [1, 1], strides = [1, 1]} : vector<16x5xf32> to vector<1x1xf32>
    %slice3A_625 = vector.extract_strided_slice %get3A_45 {offsets = [11, 2], sizes = [1, 1], strides = [1, 1]} : vector<16x5xf32> to vector<1x1xf32>
    %slice3A_626 = vector.extract_strided_slice %get3A_45 {offsets = [11, 3], sizes = [1, 1], strides = [1, 1]} : vector<16x5xf32> to vector<1x1xf32>
    %min3A_627 = vector.broadcast %slice3A_625 : vector<1x1xf32> to vector<192x128xf32>
    %min3A_628 = arith.minimumf %min3A_627, %add3A_33 : vector<192x128xf32>
    %max3A_629 = vector.broadcast %slice3A_623 : vector<1x1xf32> to vector<192x128xf32>
    %max3A_630 = arith.maximumf %max3A_629, %sub3A : vector<192x128xf32>
    %sub3A_631 = arith.subf %min3A_628, %max3A_630 : vector<192x128xf32>
    %max3A_632 = arith.constant 0.000000e+00 : f32
    %max3A_633 = vector.broadcast %max3A_632 : f32 to vector<192x128xf32>
    %max3A_634 = arith.maximumf %sub3A_631, %max3A_633 : vector<192x128xf32>
    %min3A_635 = vector.broadcast %slice3A_626 : vector<1x1xf32> to vector<192x128xf32>
    %min3A_636 = arith.minimumf %min3A_635, %add3A_37 : vector<192x128xf32>
    %max3A_637 = vector.broadcast %slice3A_624 : vector<1x1xf32> to vector<192x128xf32>
    %max3A_638 = arith.maximumf %max3A_637, %sub3A_29 : vector<192x128xf32>
    %sub3A_639 = arith.subf %min3A_636, %max3A_638 : vector<192x128xf32>
    %max3A_640 = arith.constant 0.000000e+00 : f32
    %max3A_641 = vector.broadcast %max3A_640 : f32 to vector<192x128xf32>
    %max3A_642 = arith.maximumf %sub3A_639, %max3A_641 : vector<192x128xf32>
    %mul3A_643 = arith.mulf %max3A_634, %max3A_642 : vector<192x128xf32>
    %sub3A_644 = arith.subf %slice3A_625, %slice3A_623 : vector<1x1xf32>
    %sub3A_645 = arith.subf %slice3A_626, %slice3A_624 : vector<1x1xf32>
    %mul3A_646 = arith.mulf %sub3A_644, %sub3A_645 : vector<1x1xf32>
    %add3A_647 = vector.broadcast %mul3A_646 : vector<1x1xf32> to vector<192x128xf32>
    %add3A_648 = arith.addf %add3A_647, %mul3A_40 : vector<192x128xf32>
    %sub3A_649 = arith.subf %add3A_648, %mul3A_643 : vector<192x128xf32>
    %div3A_650 = arith.divf %mul3A_643, %sub3A_649 : vector<192x128xf32>
    %jit3A_651 = arith.constant -1.000000e+00 : f32
    %broadcast_in_dim3A_652 = vector.broadcast %jit3A_651 : f32 to vector<192x128xf32>
    %select_n3A_653 = arith.select %lt3A_4, %div3A_650, %broadcast_in_dim3A_652 : vector<192x128xi1>, vector<192x128xf32>
    %gt3A_654 = arith.cmpf ogt, %select_n3A_653, %select_n3A_605 : vector<192x128xf32>
    %jit3A_655 = arith.constant 11 : i32
    %broadcast_in_dim3A_656 = vector.broadcast %jit3A_655 : i32 to vector<192x128xi32>
    %select_n3A_657 = arith.select %gt3A_654, %broadcast_in_dim3A_656, %select_n3A_604 : vector<192x128xi1>, vector<192x128xi32>
    %select_n3A_658 = arith.select %gt3A_654, %select_n3A_653, %select_n3A_605 : vector<192x128xi1>, vector<192x128xf32>
    %reduce_max3A_659 = vector.shape_cast %select_n3A_653 : vector<192x128xf32> to vector<1x192x128xf32>
    %reduce_max3A_660 = arith.constant dense<0xFF800000> : vector<1xf32>
    %reduce_max3A_661 = vector.multi_reduction <maximumf>, %reduce_max3A_659, %reduce_max3A_660 [1, 2] : vector<1x192x128xf32> to vector<1xf32>
    %reduce_max3A_662 = vector.shape_cast %reduce_max3A_661 : vector<1xf32> to vector<1x1x1xf32>
    %reduce_max3A_663 = vector.extract %reduce_max3A_662[0, 0, 0] : f32 from vector<1x1x1xf32>
    %broadcast_in_dim3A_664 = vector.broadcast %reduce_max3A_663 : f32 to vector<1x1xf32>
    %eq3A_665 = vector.broadcast %broadcast_in_dim3A_664 : vector<1x1xf32> to vector<192x128xf32>
    %eq3A_666 = arith.cmpf oeq, %select_n3A_653, %eq3A_665 : vector<192x128xf32>
    %jit3A_667 = arith.constant 1073741824 : i32
    %broadcast_in_dim3A_668 = vector.broadcast %jit3A_667 : i32 to vector<192x128xi32>
    %select_n3A_669 = arith.select %eq3A_666, %add3A, %broadcast_in_dim3A_668 : vector<192x128xi1>, vector<192x128xi32>
    %reduce_min3A_670 = vector.shape_cast %select_n3A_669 : vector<192x128xi32> to vector<1x192x128xi32>
    %reduce_min3A_671 = arith.constant dense<2147483647> : vector<1xi32>
    %reduce_min3A_672 = vector.multi_reduction <minsi>, %reduce_min3A_670, %reduce_min3A_671 [1, 2] : vector<1x192x128xi32> to vector<1xi32>
    %reduce_min3A_673 = vector.shape_cast %reduce_min3A_672 : vector<1xi32> to vector<1x1x1xi32>
    %reduce_min3A_674 = vector.extract %reduce_min3A_673[0, 0, 0] : i32 from vector<1x1x1xi32>
    %broadcast_in_dim3A_675 = vector.broadcast %reduce_min3A_674 : i32 to vector<1x1xi32>
    %slice3A_676 = vector.extract_strided_slice %get3A_45 {offsets = [12, 0], sizes = [1, 1], strides = [1, 1]} : vector<16x5xf32> to vector<1x1xf32>
    %slice3A_677 = vector.extract_strided_slice %get3A_45 {offsets = [12, 1], sizes = [1, 1], strides = [1, 1]} : vector<16x5xf32> to vector<1x1xf32>
    %slice3A_678 = vector.extract_strided_slice %get3A_45 {offsets = [12, 2], sizes = [1, 1], strides = [1, 1]} : vector<16x5xf32> to vector<1x1xf32>
    %slice3A_679 = vector.extract_strided_slice %get3A_45 {offsets = [12, 3], sizes = [1, 1], strides = [1, 1]} : vector<16x5xf32> to vector<1x1xf32>
    %min3A_680 = vector.broadcast %slice3A_678 : vector<1x1xf32> to vector<192x128xf32>
    %min3A_681 = arith.minimumf %min3A_680, %add3A_33 : vector<192x128xf32>
    %max3A_682 = vector.broadcast %slice3A_676 : vector<1x1xf32> to vector<192x128xf32>
    %max3A_683 = arith.maximumf %max3A_682, %sub3A : vector<192x128xf32>
    %sub3A_684 = arith.subf %min3A_681, %max3A_683 : vector<192x128xf32>
    %max3A_685 = arith.constant 0.000000e+00 : f32
    %max3A_686 = vector.broadcast %max3A_685 : f32 to vector<192x128xf32>
    %max3A_687 = arith.maximumf %sub3A_684, %max3A_686 : vector<192x128xf32>
    %min3A_688 = vector.broadcast %slice3A_679 : vector<1x1xf32> to vector<192x128xf32>
    %min3A_689 = arith.minimumf %min3A_688, %add3A_37 : vector<192x128xf32>
    %max3A_690 = vector.broadcast %slice3A_677 : vector<1x1xf32> to vector<192x128xf32>
    %max3A_691 = arith.maximumf %max3A_690, %sub3A_29 : vector<192x128xf32>
    %sub3A_692 = arith.subf %min3A_689, %max3A_691 : vector<192x128xf32>
    %max3A_693 = arith.constant 0.000000e+00 : f32
    %max3A_694 = vector.broadcast %max3A_693 : f32 to vector<192x128xf32>
    %max3A_695 = arith.maximumf %sub3A_692, %max3A_694 : vector<192x128xf32>
    %mul3A_696 = arith.mulf %max3A_687, %max3A_695 : vector<192x128xf32>
    %sub3A_697 = arith.subf %slice3A_678, %slice3A_676 : vector<1x1xf32>
    %sub3A_698 = arith.subf %slice3A_679, %slice3A_677 : vector<1x1xf32>
    %mul3A_699 = arith.mulf %sub3A_697, %sub3A_698 : vector<1x1xf32>
    %add3A_700 = vector.broadcast %mul3A_699 : vector<1x1xf32> to vector<192x128xf32>
    %add3A_701 = arith.addf %add3A_700, %mul3A_40 : vector<192x128xf32>
    %sub3A_702 = arith.subf %add3A_701, %mul3A_696 : vector<192x128xf32>
    %div3A_703 = arith.divf %mul3A_696, %sub3A_702 : vector<192x128xf32>
    %jit3A_704 = arith.constant -1.000000e+00 : f32
    %broadcast_in_dim3A_705 = vector.broadcast %jit3A_704 : f32 to vector<192x128xf32>
    %select_n3A_706 = arith.select %lt3A_4, %div3A_703, %broadcast_in_dim3A_705 : vector<192x128xi1>, vector<192x128xf32>
    %gt3A_707 = arith.cmpf ogt, %select_n3A_706, %select_n3A_658 : vector<192x128xf32>
    %jit3A_708 = arith.constant 12 : i32
    %broadcast_in_dim3A_709 = vector.broadcast %jit3A_708 : i32 to vector<192x128xi32>
    %select_n3A_710 = arith.select %gt3A_707, %broadcast_in_dim3A_709, %select_n3A_657 : vector<192x128xi1>, vector<192x128xi32>
    %select_n3A_711 = arith.select %gt3A_707, %select_n3A_706, %select_n3A_658 : vector<192x128xi1>, vector<192x128xf32>
    %reduce_max3A_712 = vector.shape_cast %select_n3A_706 : vector<192x128xf32> to vector<1x192x128xf32>
    %reduce_max3A_713 = arith.constant dense<0xFF800000> : vector<1xf32>
    %reduce_max3A_714 = vector.multi_reduction <maximumf>, %reduce_max3A_712, %reduce_max3A_713 [1, 2] : vector<1x192x128xf32> to vector<1xf32>
    %reduce_max3A_715 = vector.shape_cast %reduce_max3A_714 : vector<1xf32> to vector<1x1x1xf32>
    %reduce_max3A_716 = vector.extract %reduce_max3A_715[0, 0, 0] : f32 from vector<1x1x1xf32>
    %broadcast_in_dim3A_717 = vector.broadcast %reduce_max3A_716 : f32 to vector<1x1xf32>
    %eq3A_718 = vector.broadcast %broadcast_in_dim3A_717 : vector<1x1xf32> to vector<192x128xf32>
    %eq3A_719 = arith.cmpf oeq, %select_n3A_706, %eq3A_718 : vector<192x128xf32>
    %jit3A_720 = arith.constant 1073741824 : i32
    %broadcast_in_dim3A_721 = vector.broadcast %jit3A_720 : i32 to vector<192x128xi32>
    %select_n3A_722 = arith.select %eq3A_719, %add3A, %broadcast_in_dim3A_721 : vector<192x128xi1>, vector<192x128xi32>
    %reduce_min3A_723 = vector.shape_cast %select_n3A_722 : vector<192x128xi32> to vector<1x192x128xi32>
    %reduce_min3A_724 = arith.constant dense<2147483647> : vector<1xi32>
    %reduce_min3A_725 = vector.multi_reduction <minsi>, %reduce_min3A_723, %reduce_min3A_724 [1, 2] : vector<1x192x128xi32> to vector<1xi32>
    %reduce_min3A_726 = vector.shape_cast %reduce_min3A_725 : vector<1xi32> to vector<1x1x1xi32>
    %reduce_min3A_727 = vector.extract %reduce_min3A_726[0, 0, 0] : i32 from vector<1x1x1xi32>
    %broadcast_in_dim3A_728 = vector.broadcast %reduce_min3A_727 : i32 to vector<1x1xi32>
    %slice3A_729 = vector.extract_strided_slice %get3A_45 {offsets = [13, 0], sizes = [1, 1], strides = [1, 1]} : vector<16x5xf32> to vector<1x1xf32>
    %slice3A_730 = vector.extract_strided_slice %get3A_45 {offsets = [13, 1], sizes = [1, 1], strides = [1, 1]} : vector<16x5xf32> to vector<1x1xf32>
    %slice3A_731 = vector.extract_strided_slice %get3A_45 {offsets = [13, 2], sizes = [1, 1], strides = [1, 1]} : vector<16x5xf32> to vector<1x1xf32>
    %slice3A_732 = vector.extract_strided_slice %get3A_45 {offsets = [13, 3], sizes = [1, 1], strides = [1, 1]} : vector<16x5xf32> to vector<1x1xf32>
    %min3A_733 = vector.broadcast %slice3A_731 : vector<1x1xf32> to vector<192x128xf32>
    %min3A_734 = arith.minimumf %min3A_733, %add3A_33 : vector<192x128xf32>
    %max3A_735 = vector.broadcast %slice3A_729 : vector<1x1xf32> to vector<192x128xf32>
    %max3A_736 = arith.maximumf %max3A_735, %sub3A : vector<192x128xf32>
    %sub3A_737 = arith.subf %min3A_734, %max3A_736 : vector<192x128xf32>
    %max3A_738 = arith.constant 0.000000e+00 : f32
    %max3A_739 = vector.broadcast %max3A_738 : f32 to vector<192x128xf32>
    %max3A_740 = arith.maximumf %sub3A_737, %max3A_739 : vector<192x128xf32>
    %min3A_741 = vector.broadcast %slice3A_732 : vector<1x1xf32> to vector<192x128xf32>
    %min3A_742 = arith.minimumf %min3A_741, %add3A_37 : vector<192x128xf32>
    %max3A_743 = vector.broadcast %slice3A_730 : vector<1x1xf32> to vector<192x128xf32>
    %max3A_744 = arith.maximumf %max3A_743, %sub3A_29 : vector<192x128xf32>
    %sub3A_745 = arith.subf %min3A_742, %max3A_744 : vector<192x128xf32>
    %max3A_746 = arith.constant 0.000000e+00 : f32
    %max3A_747 = vector.broadcast %max3A_746 : f32 to vector<192x128xf32>
    %max3A_748 = arith.maximumf %sub3A_745, %max3A_747 : vector<192x128xf32>
    %mul3A_749 = arith.mulf %max3A_740, %max3A_748 : vector<192x128xf32>
    %sub3A_750 = arith.subf %slice3A_731, %slice3A_729 : vector<1x1xf32>
    %sub3A_751 = arith.subf %slice3A_732, %slice3A_730 : vector<1x1xf32>
    %mul3A_752 = arith.mulf %sub3A_750, %sub3A_751 : vector<1x1xf32>
    %add3A_753 = vector.broadcast %mul3A_752 : vector<1x1xf32> to vector<192x128xf32>
    %add3A_754 = arith.addf %add3A_753, %mul3A_40 : vector<192x128xf32>
    %sub3A_755 = arith.subf %add3A_754, %mul3A_749 : vector<192x128xf32>
    %div3A_756 = arith.divf %mul3A_749, %sub3A_755 : vector<192x128xf32>
    %jit3A_757 = arith.constant -1.000000e+00 : f32
    %broadcast_in_dim3A_758 = vector.broadcast %jit3A_757 : f32 to vector<192x128xf32>
    %select_n3A_759 = arith.select %lt3A_4, %div3A_756, %broadcast_in_dim3A_758 : vector<192x128xi1>, vector<192x128xf32>
    %gt3A_760 = arith.cmpf ogt, %select_n3A_759, %select_n3A_711 : vector<192x128xf32>
    %jit3A_761 = arith.constant 13 : i32
    %broadcast_in_dim3A_762 = vector.broadcast %jit3A_761 : i32 to vector<192x128xi32>
    %select_n3A_763 = arith.select %gt3A_760, %broadcast_in_dim3A_762, %select_n3A_710 : vector<192x128xi1>, vector<192x128xi32>
    %select_n3A_764 = arith.select %gt3A_760, %select_n3A_759, %select_n3A_711 : vector<192x128xi1>, vector<192x128xf32>
    %reduce_max3A_765 = vector.shape_cast %select_n3A_759 : vector<192x128xf32> to vector<1x192x128xf32>
    %reduce_max3A_766 = arith.constant dense<0xFF800000> : vector<1xf32>
    %reduce_max3A_767 = vector.multi_reduction <maximumf>, %reduce_max3A_765, %reduce_max3A_766 [1, 2] : vector<1x192x128xf32> to vector<1xf32>
    %reduce_max3A_768 = vector.shape_cast %reduce_max3A_767 : vector<1xf32> to vector<1x1x1xf32>
    %reduce_max3A_769 = vector.extract %reduce_max3A_768[0, 0, 0] : f32 from vector<1x1x1xf32>
    %broadcast_in_dim3A_770 = vector.broadcast %reduce_max3A_769 : f32 to vector<1x1xf32>
    %eq3A_771 = vector.broadcast %broadcast_in_dim3A_770 : vector<1x1xf32> to vector<192x128xf32>
    %eq3A_772 = arith.cmpf oeq, %select_n3A_759, %eq3A_771 : vector<192x128xf32>
    %jit3A_773 = arith.constant 1073741824 : i32
    %broadcast_in_dim3A_774 = vector.broadcast %jit3A_773 : i32 to vector<192x128xi32>
    %select_n3A_775 = arith.select %eq3A_772, %add3A, %broadcast_in_dim3A_774 : vector<192x128xi1>, vector<192x128xi32>
    %reduce_min3A_776 = vector.shape_cast %select_n3A_775 : vector<192x128xi32> to vector<1x192x128xi32>
    %reduce_min3A_777 = arith.constant dense<2147483647> : vector<1xi32>
    %reduce_min3A_778 = vector.multi_reduction <minsi>, %reduce_min3A_776, %reduce_min3A_777 [1, 2] : vector<1x192x128xi32> to vector<1xi32>
    %reduce_min3A_779 = vector.shape_cast %reduce_min3A_778 : vector<1xi32> to vector<1x1x1xi32>
    %reduce_min3A_780 = vector.extract %reduce_min3A_779[0, 0, 0] : i32 from vector<1x1x1xi32>
    %broadcast_in_dim3A_781 = vector.broadcast %reduce_min3A_780 : i32 to vector<1x1xi32>
    %slice3A_782 = vector.extract_strided_slice %get3A_45 {offsets = [14, 0], sizes = [1, 1], strides = [1, 1]} : vector<16x5xf32> to vector<1x1xf32>
    %slice3A_783 = vector.extract_strided_slice %get3A_45 {offsets = [14, 1], sizes = [1, 1], strides = [1, 1]} : vector<16x5xf32> to vector<1x1xf32>
    %slice3A_784 = vector.extract_strided_slice %get3A_45 {offsets = [14, 2], sizes = [1, 1], strides = [1, 1]} : vector<16x5xf32> to vector<1x1xf32>
    %slice3A_785 = vector.extract_strided_slice %get3A_45 {offsets = [14, 3], sizes = [1, 1], strides = [1, 1]} : vector<16x5xf32> to vector<1x1xf32>
    %min3A_786 = vector.broadcast %slice3A_784 : vector<1x1xf32> to vector<192x128xf32>
    %min3A_787 = arith.minimumf %min3A_786, %add3A_33 : vector<192x128xf32>
    %max3A_788 = vector.broadcast %slice3A_782 : vector<1x1xf32> to vector<192x128xf32>
    %max3A_789 = arith.maximumf %max3A_788, %sub3A : vector<192x128xf32>
    %sub3A_790 = arith.subf %min3A_787, %max3A_789 : vector<192x128xf32>
    %max3A_791 = arith.constant 0.000000e+00 : f32
    %max3A_792 = vector.broadcast %max3A_791 : f32 to vector<192x128xf32>
    %max3A_793 = arith.maximumf %sub3A_790, %max3A_792 : vector<192x128xf32>
    %min3A_794 = vector.broadcast %slice3A_785 : vector<1x1xf32> to vector<192x128xf32>
    %min3A_795 = arith.minimumf %min3A_794, %add3A_37 : vector<192x128xf32>
    %max3A_796 = vector.broadcast %slice3A_783 : vector<1x1xf32> to vector<192x128xf32>
    %max3A_797 = arith.maximumf %max3A_796, %sub3A_29 : vector<192x128xf32>
    %sub3A_798 = arith.subf %min3A_795, %max3A_797 : vector<192x128xf32>
    %max3A_799 = arith.constant 0.000000e+00 : f32
    %max3A_800 = vector.broadcast %max3A_799 : f32 to vector<192x128xf32>
    %max3A_801 = arith.maximumf %sub3A_798, %max3A_800 : vector<192x128xf32>
    %mul3A_802 = arith.mulf %max3A_793, %max3A_801 : vector<192x128xf32>
    %sub3A_803 = arith.subf %slice3A_784, %slice3A_782 : vector<1x1xf32>
    %sub3A_804 = arith.subf %slice3A_785, %slice3A_783 : vector<1x1xf32>
    %mul3A_805 = arith.mulf %sub3A_803, %sub3A_804 : vector<1x1xf32>
    %add3A_806 = vector.broadcast %mul3A_805 : vector<1x1xf32> to vector<192x128xf32>
    %add3A_807 = arith.addf %add3A_806, %mul3A_40 : vector<192x128xf32>
    %sub3A_808 = arith.subf %add3A_807, %mul3A_802 : vector<192x128xf32>
    %div3A_809 = arith.divf %mul3A_802, %sub3A_808 : vector<192x128xf32>
    %jit3A_810 = arith.constant -1.000000e+00 : f32
    %broadcast_in_dim3A_811 = vector.broadcast %jit3A_810 : f32 to vector<192x128xf32>
    %select_n3A_812 = arith.select %lt3A_4, %div3A_809, %broadcast_in_dim3A_811 : vector<192x128xi1>, vector<192x128xf32>
    %gt3A_813 = arith.cmpf ogt, %select_n3A_812, %select_n3A_764 : vector<192x128xf32>
    %jit3A_814 = arith.constant 14 : i32
    %broadcast_in_dim3A_815 = vector.broadcast %jit3A_814 : i32 to vector<192x128xi32>
    %select_n3A_816 = arith.select %gt3A_813, %broadcast_in_dim3A_815, %select_n3A_763 : vector<192x128xi1>, vector<192x128xi32>
    %select_n3A_817 = arith.select %gt3A_813, %select_n3A_812, %select_n3A_764 : vector<192x128xi1>, vector<192x128xf32>
    %reduce_max3A_818 = vector.shape_cast %select_n3A_812 : vector<192x128xf32> to vector<1x192x128xf32>
    %reduce_max3A_819 = arith.constant dense<0xFF800000> : vector<1xf32>
    %reduce_max3A_820 = vector.multi_reduction <maximumf>, %reduce_max3A_818, %reduce_max3A_819 [1, 2] : vector<1x192x128xf32> to vector<1xf32>
    %reduce_max3A_821 = vector.shape_cast %reduce_max3A_820 : vector<1xf32> to vector<1x1x1xf32>
    %reduce_max3A_822 = vector.extract %reduce_max3A_821[0, 0, 0] : f32 from vector<1x1x1xf32>
    %broadcast_in_dim3A_823 = vector.broadcast %reduce_max3A_822 : f32 to vector<1x1xf32>
    %eq3A_824 = vector.broadcast %broadcast_in_dim3A_823 : vector<1x1xf32> to vector<192x128xf32>
    %eq3A_825 = arith.cmpf oeq, %select_n3A_812, %eq3A_824 : vector<192x128xf32>
    %jit3A_826 = arith.constant 1073741824 : i32
    %broadcast_in_dim3A_827 = vector.broadcast %jit3A_826 : i32 to vector<192x128xi32>
    %select_n3A_828 = arith.select %eq3A_825, %add3A, %broadcast_in_dim3A_827 : vector<192x128xi1>, vector<192x128xi32>
    %reduce_min3A_829 = vector.shape_cast %select_n3A_828 : vector<192x128xi32> to vector<1x192x128xi32>
    %reduce_min3A_830 = arith.constant dense<2147483647> : vector<1xi32>
    %reduce_min3A_831 = vector.multi_reduction <minsi>, %reduce_min3A_829, %reduce_min3A_830 [1, 2] : vector<1x192x128xi32> to vector<1xi32>
    %reduce_min3A_832 = vector.shape_cast %reduce_min3A_831 : vector<1xi32> to vector<1x1x1xi32>
    %reduce_min3A_833 = vector.extract %reduce_min3A_832[0, 0, 0] : i32 from vector<1x1x1xi32>
    %broadcast_in_dim3A_834 = vector.broadcast %reduce_min3A_833 : i32 to vector<1x1xi32>
    %slice3A_835 = vector.extract_strided_slice %get3A_45 {offsets = [15, 0], sizes = [1, 1], strides = [1, 1]} : vector<16x5xf32> to vector<1x1xf32>
    %slice3A_836 = vector.extract_strided_slice %get3A_45 {offsets = [15, 1], sizes = [1, 1], strides = [1, 1]} : vector<16x5xf32> to vector<1x1xf32>
    %slice3A_837 = vector.extract_strided_slice %get3A_45 {offsets = [15, 2], sizes = [1, 1], strides = [1, 1]} : vector<16x5xf32> to vector<1x1xf32>
    %slice3A_838 = vector.extract_strided_slice %get3A_45 {offsets = [15, 3], sizes = [1, 1], strides = [1, 1]} : vector<16x5xf32> to vector<1x1xf32>
    %min3A_839 = vector.broadcast %slice3A_837 : vector<1x1xf32> to vector<192x128xf32>
    %min3A_840 = arith.minimumf %min3A_839, %add3A_33 : vector<192x128xf32>
    %max3A_841 = vector.broadcast %slice3A_835 : vector<1x1xf32> to vector<192x128xf32>
    %max3A_842 = arith.maximumf %max3A_841, %sub3A : vector<192x128xf32>
    %sub3A_843 = arith.subf %min3A_840, %max3A_842 : vector<192x128xf32>
    %max3A_844 = arith.constant 0.000000e+00 : f32
    %max3A_845 = vector.broadcast %max3A_844 : f32 to vector<192x128xf32>
    %max3A_846 = arith.maximumf %sub3A_843, %max3A_845 : vector<192x128xf32>
    %min3A_847 = vector.broadcast %slice3A_838 : vector<1x1xf32> to vector<192x128xf32>
    %min3A_848 = arith.minimumf %min3A_847, %add3A_37 : vector<192x128xf32>
    %max3A_849 = vector.broadcast %slice3A_836 : vector<1x1xf32> to vector<192x128xf32>
    %max3A_850 = arith.maximumf %max3A_849, %sub3A_29 : vector<192x128xf32>
    %sub3A_851 = arith.subf %min3A_848, %max3A_850 : vector<192x128xf32>
    %max3A_852 = arith.constant 0.000000e+00 : f32
    %max3A_853 = vector.broadcast %max3A_852 : f32 to vector<192x128xf32>
    %max3A_854 = arith.maximumf %sub3A_851, %max3A_853 : vector<192x128xf32>
    %mul3A_855 = arith.mulf %max3A_846, %max3A_854 : vector<192x128xf32>
    %sub3A_856 = arith.subf %slice3A_837, %slice3A_835 : vector<1x1xf32>
    %sub3A_857 = arith.subf %slice3A_838, %slice3A_836 : vector<1x1xf32>
    %mul3A_858 = arith.mulf %sub3A_856, %sub3A_857 : vector<1x1xf32>
    %add3A_859 = vector.broadcast %mul3A_858 : vector<1x1xf32> to vector<192x128xf32>
    %add3A_860 = arith.addf %add3A_859, %mul3A_40 : vector<192x128xf32>
    %sub3A_861 = arith.subf %add3A_860, %mul3A_855 : vector<192x128xf32>
    %div3A_862 = arith.divf %mul3A_855, %sub3A_861 : vector<192x128xf32>
    %jit3A_863 = arith.constant -1.000000e+00 : f32
    %broadcast_in_dim3A_864 = vector.broadcast %jit3A_863 : f32 to vector<192x128xf32>
    %select_n3A_865 = arith.select %lt3A_4, %div3A_862, %broadcast_in_dim3A_864 : vector<192x128xi1>, vector<192x128xf32>
    %gt3A_866 = arith.cmpf ogt, %select_n3A_865, %select_n3A_817 : vector<192x128xf32>
    %jit3A_867 = arith.constant 15 : i32
    %broadcast_in_dim3A_868 = vector.broadcast %jit3A_867 : i32 to vector<192x128xi32>
    %select_n3A_869 = arith.select %gt3A_866, %broadcast_in_dim3A_868, %select_n3A_816 : vector<192x128xi1>, vector<192x128xi32>
    %select_n3A_870 = arith.select %gt3A_866, %select_n3A_865, %select_n3A_817 : vector<192x128xi1>, vector<192x128xf32>
    %reduce_max3A_871 = vector.shape_cast %select_n3A_865 : vector<192x128xf32> to vector<1x192x128xf32>
    %reduce_max3A_872 = arith.constant dense<0xFF800000> : vector<1xf32>
    %reduce_max3A_873 = vector.multi_reduction <maximumf>, %reduce_max3A_871, %reduce_max3A_872 [1, 2] : vector<1x192x128xf32> to vector<1xf32>
    %reduce_max3A_874 = vector.shape_cast %reduce_max3A_873 : vector<1xf32> to vector<1x1x1xf32>
    %reduce_max3A_875 = vector.extract %reduce_max3A_874[0, 0, 0] : f32 from vector<1x1x1xf32>
    %broadcast_in_dim3A_876 = vector.broadcast %reduce_max3A_875 : f32 to vector<1x1xf32>
    %eq3A_877 = vector.broadcast %broadcast_in_dim3A_876 : vector<1x1xf32> to vector<192x128xf32>
    %eq3A_878 = arith.cmpf oeq, %select_n3A_865, %eq3A_877 : vector<192x128xf32>
    %jit3A_879 = arith.constant 1073741824 : i32
    %broadcast_in_dim3A_880 = vector.broadcast %jit3A_879 : i32 to vector<192x128xi32>
    %select_n3A_881 = arith.select %eq3A_878, %add3A, %broadcast_in_dim3A_880 : vector<192x128xi1>, vector<192x128xi32>
    %reduce_min3A_882 = vector.shape_cast %select_n3A_881 : vector<192x128xi32> to vector<1x192x128xi32>
    %reduce_min3A_883 = arith.constant dense<2147483647> : vector<1xi32>
    %reduce_min3A_884 = vector.multi_reduction <minsi>, %reduce_min3A_882, %reduce_min3A_883 [1, 2] : vector<1x192x128xi32> to vector<1xi32>
    %reduce_min3A_885 = vector.shape_cast %reduce_min3A_884 : vector<1xi32> to vector<1x1x1xi32>
    %reduce_min3A_886 = vector.extract %reduce_min3A_885[0, 0, 0] : i32 from vector<1x1x1xi32>
    %broadcast_in_dim3A_887 = vector.broadcast %reduce_min3A_886 : i32 to vector<1x1xi32>
    %eq3A_888 = vector.broadcast %broadcast_in_dim3A_92 : vector<1x1xi32> to vector<192x128xi32>
    %eq3A_889 = arith.cmpi eq, %add3A, %eq3A_888 : vector<192x128xi32>
    %jit3A_890 = arith.constant 2.000000e+00 : f32
    %broadcast_in_dim3A_891 = vector.broadcast %jit3A_890 : f32 to vector<192x128xf32>
    %select_n3A_892 = arith.select %eq3A_889, %broadcast_in_dim3A_891, %select_n3A_870 : vector<192x128xi1>, vector<192x128xf32>
    %jit3A_893 = arith.constant 0 : i32
    %broadcast_in_dim3A_894 = vector.broadcast %jit3A_893 : i32 to vector<192x128xi32>
    %select_n3A_895 = arith.select %eq3A_889, %broadcast_in_dim3A_894, %select_n3A_869 : vector<192x128xi1>, vector<192x128xi32>
    %eq3A_896 = vector.broadcast %broadcast_in_dim3A_145 : vector<1x1xi32> to vector<192x128xi32>
    %eq3A_897 = arith.cmpi eq, %add3A, %eq3A_896 : vector<192x128xi32>
    %jit3A_898 = arith.constant 2.000000e+00 : f32
    %broadcast_in_dim3A_899 = vector.broadcast %jit3A_898 : f32 to vector<192x128xf32>
    %select_n3A_900 = arith.select %eq3A_897, %broadcast_in_dim3A_899, %select_n3A_892 : vector<192x128xi1>, vector<192x128xf32>
    %jit3A_901 = arith.constant 1 : i32
    %broadcast_in_dim3A_902 = vector.broadcast %jit3A_901 : i32 to vector<192x128xi32>
    %select_n3A_903 = arith.select %eq3A_897, %broadcast_in_dim3A_902, %select_n3A_895 : vector<192x128xi1>, vector<192x128xi32>
    %eq3A_904 = vector.broadcast %broadcast_in_dim3A_198 : vector<1x1xi32> to vector<192x128xi32>
    %eq3A_905 = arith.cmpi eq, %add3A, %eq3A_904 : vector<192x128xi32>
    %jit3A_906 = arith.constant 2.000000e+00 : f32
    %broadcast_in_dim3A_907 = vector.broadcast %jit3A_906 : f32 to vector<192x128xf32>
    %select_n3A_908 = arith.select %eq3A_905, %broadcast_in_dim3A_907, %select_n3A_900 : vector<192x128xi1>, vector<192x128xf32>
    %jit3A_909 = arith.constant 2 : i32
    %broadcast_in_dim3A_910 = vector.broadcast %jit3A_909 : i32 to vector<192x128xi32>
    %select_n3A_911 = arith.select %eq3A_905, %broadcast_in_dim3A_910, %select_n3A_903 : vector<192x128xi1>, vector<192x128xi32>
    %eq3A_912 = vector.broadcast %broadcast_in_dim3A_251 : vector<1x1xi32> to vector<192x128xi32>
    %eq3A_913 = arith.cmpi eq, %add3A, %eq3A_912 : vector<192x128xi32>
    %jit3A_914 = arith.constant 2.000000e+00 : f32
    %broadcast_in_dim3A_915 = vector.broadcast %jit3A_914 : f32 to vector<192x128xf32>
    %select_n3A_916 = arith.select %eq3A_913, %broadcast_in_dim3A_915, %select_n3A_908 : vector<192x128xi1>, vector<192x128xf32>
    %jit3A_917 = arith.constant 3 : i32
    %broadcast_in_dim3A_918 = vector.broadcast %jit3A_917 : i32 to vector<192x128xi32>
    %select_n3A_919 = arith.select %eq3A_913, %broadcast_in_dim3A_918, %select_n3A_911 : vector<192x128xi1>, vector<192x128xi32>
    %eq3A_920 = vector.broadcast %broadcast_in_dim3A_304 : vector<1x1xi32> to vector<192x128xi32>
    %eq3A_921 = arith.cmpi eq, %add3A, %eq3A_920 : vector<192x128xi32>
    %jit3A_922 = arith.constant 2.000000e+00 : f32
    %broadcast_in_dim3A_923 = vector.broadcast %jit3A_922 : f32 to vector<192x128xf32>
    %select_n3A_924 = arith.select %eq3A_921, %broadcast_in_dim3A_923, %select_n3A_916 : vector<192x128xi1>, vector<192x128xf32>
    %jit3A_925 = arith.constant 4 : i32
    %broadcast_in_dim3A_926 = vector.broadcast %jit3A_925 : i32 to vector<192x128xi32>
    %select_n3A_927 = arith.select %eq3A_921, %broadcast_in_dim3A_926, %select_n3A_919 : vector<192x128xi1>, vector<192x128xi32>
    %eq3A_928 = vector.broadcast %broadcast_in_dim3A_357 : vector<1x1xi32> to vector<192x128xi32>
    %eq3A_929 = arith.cmpi eq, %add3A, %eq3A_928 : vector<192x128xi32>
    %jit3A_930 = arith.constant 2.000000e+00 : f32
    %broadcast_in_dim3A_931 = vector.broadcast %jit3A_930 : f32 to vector<192x128xf32>
    %select_n3A_932 = arith.select %eq3A_929, %broadcast_in_dim3A_931, %select_n3A_924 : vector<192x128xi1>, vector<192x128xf32>
    %jit3A_933 = arith.constant 5 : i32
    %broadcast_in_dim3A_934 = vector.broadcast %jit3A_933 : i32 to vector<192x128xi32>
    %select_n3A_935 = arith.select %eq3A_929, %broadcast_in_dim3A_934, %select_n3A_927 : vector<192x128xi1>, vector<192x128xi32>
    %eq3A_936 = vector.broadcast %broadcast_in_dim3A_410 : vector<1x1xi32> to vector<192x128xi32>
    %eq3A_937 = arith.cmpi eq, %add3A, %eq3A_936 : vector<192x128xi32>
    %jit3A_938 = arith.constant 2.000000e+00 : f32
    %broadcast_in_dim3A_939 = vector.broadcast %jit3A_938 : f32 to vector<192x128xf32>
    %select_n3A_940 = arith.select %eq3A_937, %broadcast_in_dim3A_939, %select_n3A_932 : vector<192x128xi1>, vector<192x128xf32>
    %jit3A_941 = arith.constant 6 : i32
    %broadcast_in_dim3A_942 = vector.broadcast %jit3A_941 : i32 to vector<192x128xi32>
    %select_n3A_943 = arith.select %eq3A_937, %broadcast_in_dim3A_942, %select_n3A_935 : vector<192x128xi1>, vector<192x128xi32>
    %eq3A_944 = vector.broadcast %broadcast_in_dim3A_463 : vector<1x1xi32> to vector<192x128xi32>
    %eq3A_945 = arith.cmpi eq, %add3A, %eq3A_944 : vector<192x128xi32>
    %jit3A_946 = arith.constant 2.000000e+00 : f32
    %broadcast_in_dim3A_947 = vector.broadcast %jit3A_946 : f32 to vector<192x128xf32>
    %select_n3A_948 = arith.select %eq3A_945, %broadcast_in_dim3A_947, %select_n3A_940 : vector<192x128xi1>, vector<192x128xf32>
    %jit3A_949 = arith.constant 7 : i32
    %broadcast_in_dim3A_950 = vector.broadcast %jit3A_949 : i32 to vector<192x128xi32>
    %select_n3A_951 = arith.select %eq3A_945, %broadcast_in_dim3A_950, %select_n3A_943 : vector<192x128xi1>, vector<192x128xi32>
    %eq3A_952 = vector.broadcast %broadcast_in_dim3A_516 : vector<1x1xi32> to vector<192x128xi32>
    %eq3A_953 = arith.cmpi eq, %add3A, %eq3A_952 : vector<192x128xi32>
    %jit3A_954 = arith.constant 2.000000e+00 : f32
    %broadcast_in_dim3A_955 = vector.broadcast %jit3A_954 : f32 to vector<192x128xf32>
    %select_n3A_956 = arith.select %eq3A_953, %broadcast_in_dim3A_955, %select_n3A_948 : vector<192x128xi1>, vector<192x128xf32>
    %jit3A_957 = arith.constant 8 : i32
    %broadcast_in_dim3A_958 = vector.broadcast %jit3A_957 : i32 to vector<192x128xi32>
    %select_n3A_959 = arith.select %eq3A_953, %broadcast_in_dim3A_958, %select_n3A_951 : vector<192x128xi1>, vector<192x128xi32>
    %eq3A_960 = vector.broadcast %broadcast_in_dim3A_569 : vector<1x1xi32> to vector<192x128xi32>
    %eq3A_961 = arith.cmpi eq, %add3A, %eq3A_960 : vector<192x128xi32>
    %jit3A_962 = arith.constant 2.000000e+00 : f32
    %broadcast_in_dim3A_963 = vector.broadcast %jit3A_962 : f32 to vector<192x128xf32>
    %select_n3A_964 = arith.select %eq3A_961, %broadcast_in_dim3A_963, %select_n3A_956 : vector<192x128xi1>, vector<192x128xf32>
    %jit3A_965 = arith.constant 9 : i32
    %broadcast_in_dim3A_966 = vector.broadcast %jit3A_965 : i32 to vector<192x128xi32>
    %select_n3A_967 = arith.select %eq3A_961, %broadcast_in_dim3A_966, %select_n3A_959 : vector<192x128xi1>, vector<192x128xi32>
    %eq3A_968 = vector.broadcast %broadcast_in_dim3A_622 : vector<1x1xi32> to vector<192x128xi32>
    %eq3A_969 = arith.cmpi eq, %add3A, %eq3A_968 : vector<192x128xi32>
    %jit3A_970 = arith.constant 2.000000e+00 : f32
    %broadcast_in_dim3A_971 = vector.broadcast %jit3A_970 : f32 to vector<192x128xf32>
    %select_n3A_972 = arith.select %eq3A_969, %broadcast_in_dim3A_971, %select_n3A_964 : vector<192x128xi1>, vector<192x128xf32>
    %jit3A_973 = arith.constant 10 : i32
    %broadcast_in_dim3A_974 = vector.broadcast %jit3A_973 : i32 to vector<192x128xi32>
    %select_n3A_975 = arith.select %eq3A_969, %broadcast_in_dim3A_974, %select_n3A_967 : vector<192x128xi1>, vector<192x128xi32>
    %eq3A_976 = vector.broadcast %broadcast_in_dim3A_675 : vector<1x1xi32> to vector<192x128xi32>
    %eq3A_977 = arith.cmpi eq, %add3A, %eq3A_976 : vector<192x128xi32>
    %jit3A_978 = arith.constant 2.000000e+00 : f32
    %broadcast_in_dim3A_979 = vector.broadcast %jit3A_978 : f32 to vector<192x128xf32>
    %select_n3A_980 = arith.select %eq3A_977, %broadcast_in_dim3A_979, %select_n3A_972 : vector<192x128xi1>, vector<192x128xf32>
    %jit3A_981 = arith.constant 11 : i32
    %broadcast_in_dim3A_982 = vector.broadcast %jit3A_981 : i32 to vector<192x128xi32>
    %select_n3A_983 = arith.select %eq3A_977, %broadcast_in_dim3A_982, %select_n3A_975 : vector<192x128xi1>, vector<192x128xi32>
    %eq3A_984 = vector.broadcast %broadcast_in_dim3A_728 : vector<1x1xi32> to vector<192x128xi32>
    %eq3A_985 = arith.cmpi eq, %add3A, %eq3A_984 : vector<192x128xi32>
    %jit3A_986 = arith.constant 2.000000e+00 : f32
    %broadcast_in_dim3A_987 = vector.broadcast %jit3A_986 : f32 to vector<192x128xf32>
    %select_n3A_988 = arith.select %eq3A_985, %broadcast_in_dim3A_987, %select_n3A_980 : vector<192x128xi1>, vector<192x128xf32>
    %jit3A_989 = arith.constant 12 : i32
    %broadcast_in_dim3A_990 = vector.broadcast %jit3A_989 : i32 to vector<192x128xi32>
    %select_n3A_991 = arith.select %eq3A_985, %broadcast_in_dim3A_990, %select_n3A_983 : vector<192x128xi1>, vector<192x128xi32>
    %eq3A_992 = vector.broadcast %broadcast_in_dim3A_781 : vector<1x1xi32> to vector<192x128xi32>
    %eq3A_993 = arith.cmpi eq, %add3A, %eq3A_992 : vector<192x128xi32>
    %jit3A_994 = arith.constant 2.000000e+00 : f32
    %broadcast_in_dim3A_995 = vector.broadcast %jit3A_994 : f32 to vector<192x128xf32>
    %select_n3A_996 = arith.select %eq3A_993, %broadcast_in_dim3A_995, %select_n3A_988 : vector<192x128xi1>, vector<192x128xf32>
    %jit3A_997 = arith.constant 13 : i32
    %broadcast_in_dim3A_998 = vector.broadcast %jit3A_997 : i32 to vector<192x128xi32>
    %select_n3A_999 = arith.select %eq3A_993, %broadcast_in_dim3A_998, %select_n3A_991 : vector<192x128xi1>, vector<192x128xi32>
    %eq3A_1000 = vector.broadcast %broadcast_in_dim3A_834 : vector<1x1xi32> to vector<192x128xi32>
    %eq3A_1001 = arith.cmpi eq, %add3A, %eq3A_1000 : vector<192x128xi32>
    %jit3A_1002 = arith.constant 2.000000e+00 : f32
    %broadcast_in_dim3A_1003 = vector.broadcast %jit3A_1002 : f32 to vector<192x128xf32>
    %select_n3A_1004 = arith.select %eq3A_1001, %broadcast_in_dim3A_1003, %select_n3A_996 : vector<192x128xi1>, vector<192x128xf32>
    %jit3A_1005 = arith.constant 14 : i32
    %broadcast_in_dim3A_1006 = vector.broadcast %jit3A_1005 : i32 to vector<192x128xi32>
    %select_n3A_1007 = arith.select %eq3A_1001, %broadcast_in_dim3A_1006, %select_n3A_999 : vector<192x128xi1>, vector<192x128xi32>
    %eq3A_1008 = vector.broadcast %broadcast_in_dim3A_887 : vector<1x1xi32> to vector<192x128xi32>
    %eq3A_1009 = arith.cmpi eq, %add3A, %eq3A_1008 : vector<192x128xi32>
    %jit3A_1010 = arith.constant 2.000000e+00 : f32
    %broadcast_in_dim3A_1011 = vector.broadcast %jit3A_1010 : f32 to vector<192x128xf32>
    %select_n3A_1012 = arith.select %eq3A_1009, %broadcast_in_dim3A_1011, %select_n3A_1004 : vector<192x128xi1>, vector<192x128xf32>
    %jit3A_1013 = arith.constant 15 : i32
    %broadcast_in_dim3A_1014 = vector.broadcast %jit3A_1013 : i32 to vector<192x128xi32>
    %select_n3A_1015 = arith.select %eq3A_1009, %broadcast_in_dim3A_1014, %select_n3A_1007 : vector<192x128xi1>, vector<192x128xi32>
    %broadcast_in_dim3A_1016 = arith.constant 0.000000e+00 : f32
    %broadcast_in_dim3A_1017 = vector.broadcast %broadcast_in_dim3A_1016 : f32 to vector<192x128xf32>
    %eq3A_1018 = arith.constant 0 : i32
    %eq3A_1019 = vector.broadcast %eq3A_1018 : i32 to vector<192x128xi32>
    %eq3A_1020 = arith.cmpi eq, %select_n3A_1015, %eq3A_1019 : vector<192x128xi32>
    %slice3A_1021 = vector.extract_strided_slice %get3A_45 {offsets = [0, 0], sizes = [1, 1], strides = [1, 1]} : vector<16x5xf32> to vector<1x1xf32>
    %broadcast_in_dim3A_1022 = vector.shape_cast %slice3A_1021 : vector<1x1xf32> to vector<1x1xf32>
    %broadcast_in_dim3A_1023 = vector.broadcast %broadcast_in_dim3A_1022 : vector<1x1xf32> to vector<192x128xf32>
    %select_n3A_1024 = arith.select %eq3A_1020, %broadcast_in_dim3A_1023, %broadcast_in_dim3A_1017 : vector<192x128xi1>, vector<192x128xf32>
    %slice3A_1025 = vector.extract_strided_slice %get3A_45 {offsets = [0, 1], sizes = [1, 1], strides = [1, 1]} : vector<16x5xf32> to vector<1x1xf32>
    %broadcast_in_dim3A_1026 = vector.shape_cast %slice3A_1025 : vector<1x1xf32> to vector<1x1xf32>
    %broadcast_in_dim3A_1027 = vector.broadcast %broadcast_in_dim3A_1026 : vector<1x1xf32> to vector<192x128xf32>
    %select_n3A_1028 = arith.select %eq3A_1020, %broadcast_in_dim3A_1027, %broadcast_in_dim3A_1017 : vector<192x128xi1>, vector<192x128xf32>
    %slice3A_1029 = vector.extract_strided_slice %get3A_45 {offsets = [0, 2], sizes = [1, 1], strides = [1, 1]} : vector<16x5xf32> to vector<1x1xf32>
    %broadcast_in_dim3A_1030 = vector.shape_cast %slice3A_1029 : vector<1x1xf32> to vector<1x1xf32>
    %broadcast_in_dim3A_1031 = vector.broadcast %broadcast_in_dim3A_1030 : vector<1x1xf32> to vector<192x128xf32>
    %select_n3A_1032 = arith.select %eq3A_1020, %broadcast_in_dim3A_1031, %broadcast_in_dim3A_1017 : vector<192x128xi1>, vector<192x128xf32>
    %slice3A_1033 = vector.extract_strided_slice %get3A_45 {offsets = [0, 3], sizes = [1, 1], strides = [1, 1]} : vector<16x5xf32> to vector<1x1xf32>
    %broadcast_in_dim3A_1034 = vector.shape_cast %slice3A_1033 : vector<1x1xf32> to vector<1x1xf32>
    %broadcast_in_dim3A_1035 = vector.broadcast %broadcast_in_dim3A_1034 : vector<1x1xf32> to vector<192x128xf32>
    %select_n3A_1036 = arith.select %eq3A_1020, %broadcast_in_dim3A_1035, %broadcast_in_dim3A_1017 : vector<192x128xi1>, vector<192x128xf32>
    %slice3A_1037 = vector.extract_strided_slice %get3A_45 {offsets = [0, 4], sizes = [1, 1], strides = [1, 1]} : vector<16x5xf32> to vector<1x1xf32>
    %broadcast_in_dim3A_1038 = vector.shape_cast %slice3A_1037 : vector<1x1xf32> to vector<1x1xf32>
    %broadcast_in_dim3A_1039 = vector.broadcast %broadcast_in_dim3A_1038 : vector<1x1xf32> to vector<192x128xf32>
    %select_n3A_1040 = arith.select %eq3A_1020, %broadcast_in_dim3A_1039, %broadcast_in_dim3A_1017 : vector<192x128xi1>, vector<192x128xf32>
    %eq3A_1041 = arith.constant 1 : i32
    %eq3A_1042 = vector.broadcast %eq3A_1041 : i32 to vector<192x128xi32>
    %eq3A_1043 = arith.cmpi eq, %select_n3A_1015, %eq3A_1042 : vector<192x128xi32>
    %slice3A_1044 = vector.extract_strided_slice %get3A_45 {offsets = [1, 0], sizes = [1, 1], strides = [1, 1]} : vector<16x5xf32> to vector<1x1xf32>
    %broadcast_in_dim3A_1045 = vector.shape_cast %slice3A_1044 : vector<1x1xf32> to vector<1x1xf32>
    %broadcast_in_dim3A_1046 = vector.broadcast %broadcast_in_dim3A_1045 : vector<1x1xf32> to vector<192x128xf32>
    %select_n3A_1047 = arith.select %eq3A_1043, %broadcast_in_dim3A_1046, %select_n3A_1024 : vector<192x128xi1>, vector<192x128xf32>
    %slice3A_1048 = vector.extract_strided_slice %get3A_45 {offsets = [1, 1], sizes = [1, 1], strides = [1, 1]} : vector<16x5xf32> to vector<1x1xf32>
    %broadcast_in_dim3A_1049 = vector.shape_cast %slice3A_1048 : vector<1x1xf32> to vector<1x1xf32>
    %broadcast_in_dim3A_1050 = vector.broadcast %broadcast_in_dim3A_1049 : vector<1x1xf32> to vector<192x128xf32>
    %select_n3A_1051 = arith.select %eq3A_1043, %broadcast_in_dim3A_1050, %select_n3A_1028 : vector<192x128xi1>, vector<192x128xf32>
    %slice3A_1052 = vector.extract_strided_slice %get3A_45 {offsets = [1, 2], sizes = [1, 1], strides = [1, 1]} : vector<16x5xf32> to vector<1x1xf32>
    %broadcast_in_dim3A_1053 = vector.shape_cast %slice3A_1052 : vector<1x1xf32> to vector<1x1xf32>
    %broadcast_in_dim3A_1054 = vector.broadcast %broadcast_in_dim3A_1053 : vector<1x1xf32> to vector<192x128xf32>
    %select_n3A_1055 = arith.select %eq3A_1043, %broadcast_in_dim3A_1054, %select_n3A_1032 : vector<192x128xi1>, vector<192x128xf32>
    %slice3A_1056 = vector.extract_strided_slice %get3A_45 {offsets = [1, 3], sizes = [1, 1], strides = [1, 1]} : vector<16x5xf32> to vector<1x1xf32>
    %broadcast_in_dim3A_1057 = vector.shape_cast %slice3A_1056 : vector<1x1xf32> to vector<1x1xf32>
    %broadcast_in_dim3A_1058 = vector.broadcast %broadcast_in_dim3A_1057 : vector<1x1xf32> to vector<192x128xf32>
    %select_n3A_1059 = arith.select %eq3A_1043, %broadcast_in_dim3A_1058, %select_n3A_1036 : vector<192x128xi1>, vector<192x128xf32>
    %slice3A_1060 = vector.extract_strided_slice %get3A_45 {offsets = [1, 4], sizes = [1, 1], strides = [1, 1]} : vector<16x5xf32> to vector<1x1xf32>
    %broadcast_in_dim3A_1061 = vector.shape_cast %slice3A_1060 : vector<1x1xf32> to vector<1x1xf32>
    %broadcast_in_dim3A_1062 = vector.broadcast %broadcast_in_dim3A_1061 : vector<1x1xf32> to vector<192x128xf32>
    %select_n3A_1063 = arith.select %eq3A_1043, %broadcast_in_dim3A_1062, %select_n3A_1040 : vector<192x128xi1>, vector<192x128xf32>
    %eq3A_1064 = arith.constant 2 : i32
    %eq3A_1065 = vector.broadcast %eq3A_1064 : i32 to vector<192x128xi32>
    %eq3A_1066 = arith.cmpi eq, %select_n3A_1015, %eq3A_1065 : vector<192x128xi32>
    %slice3A_1067 = vector.extract_strided_slice %get3A_45 {offsets = [2, 0], sizes = [1, 1], strides = [1, 1]} : vector<16x5xf32> to vector<1x1xf32>
    %broadcast_in_dim3A_1068 = vector.shape_cast %slice3A_1067 : vector<1x1xf32> to vector<1x1xf32>
    %broadcast_in_dim3A_1069 = vector.broadcast %broadcast_in_dim3A_1068 : vector<1x1xf32> to vector<192x128xf32>
    %select_n3A_1070 = arith.select %eq3A_1066, %broadcast_in_dim3A_1069, %select_n3A_1047 : vector<192x128xi1>, vector<192x128xf32>
    %slice3A_1071 = vector.extract_strided_slice %get3A_45 {offsets = [2, 1], sizes = [1, 1], strides = [1, 1]} : vector<16x5xf32> to vector<1x1xf32>
    %broadcast_in_dim3A_1072 = vector.shape_cast %slice3A_1071 : vector<1x1xf32> to vector<1x1xf32>
    %broadcast_in_dim3A_1073 = vector.broadcast %broadcast_in_dim3A_1072 : vector<1x1xf32> to vector<192x128xf32>
    %select_n3A_1074 = arith.select %eq3A_1066, %broadcast_in_dim3A_1073, %select_n3A_1051 : vector<192x128xi1>, vector<192x128xf32>
    %slice3A_1075 = vector.extract_strided_slice %get3A_45 {offsets = [2, 2], sizes = [1, 1], strides = [1, 1]} : vector<16x5xf32> to vector<1x1xf32>
    %broadcast_in_dim3A_1076 = vector.shape_cast %slice3A_1075 : vector<1x1xf32> to vector<1x1xf32>
    %broadcast_in_dim3A_1077 = vector.broadcast %broadcast_in_dim3A_1076 : vector<1x1xf32> to vector<192x128xf32>
    %select_n3A_1078 = arith.select %eq3A_1066, %broadcast_in_dim3A_1077, %select_n3A_1055 : vector<192x128xi1>, vector<192x128xf32>
    %slice3A_1079 = vector.extract_strided_slice %get3A_45 {offsets = [2, 3], sizes = [1, 1], strides = [1, 1]} : vector<16x5xf32> to vector<1x1xf32>
    %broadcast_in_dim3A_1080 = vector.shape_cast %slice3A_1079 : vector<1x1xf32> to vector<1x1xf32>
    %broadcast_in_dim3A_1081 = vector.broadcast %broadcast_in_dim3A_1080 : vector<1x1xf32> to vector<192x128xf32>
    %select_n3A_1082 = arith.select %eq3A_1066, %broadcast_in_dim3A_1081, %select_n3A_1059 : vector<192x128xi1>, vector<192x128xf32>
    %slice3A_1083 = vector.extract_strided_slice %get3A_45 {offsets = [2, 4], sizes = [1, 1], strides = [1, 1]} : vector<16x5xf32> to vector<1x1xf32>
    %broadcast_in_dim3A_1084 = vector.shape_cast %slice3A_1083 : vector<1x1xf32> to vector<1x1xf32>
    %broadcast_in_dim3A_1085 = vector.broadcast %broadcast_in_dim3A_1084 : vector<1x1xf32> to vector<192x128xf32>
    %select_n3A_1086 = arith.select %eq3A_1066, %broadcast_in_dim3A_1085, %select_n3A_1063 : vector<192x128xi1>, vector<192x128xf32>
    %eq3A_1087 = arith.constant 3 : i32
    %eq3A_1088 = vector.broadcast %eq3A_1087 : i32 to vector<192x128xi32>
    %eq3A_1089 = arith.cmpi eq, %select_n3A_1015, %eq3A_1088 : vector<192x128xi32>
    %slice3A_1090 = vector.extract_strided_slice %get3A_45 {offsets = [3, 0], sizes = [1, 1], strides = [1, 1]} : vector<16x5xf32> to vector<1x1xf32>
    %broadcast_in_dim3A_1091 = vector.shape_cast %slice3A_1090 : vector<1x1xf32> to vector<1x1xf32>
    %broadcast_in_dim3A_1092 = vector.broadcast %broadcast_in_dim3A_1091 : vector<1x1xf32> to vector<192x128xf32>
    %select_n3A_1093 = arith.select %eq3A_1089, %broadcast_in_dim3A_1092, %select_n3A_1070 : vector<192x128xi1>, vector<192x128xf32>
    %slice3A_1094 = vector.extract_strided_slice %get3A_45 {offsets = [3, 1], sizes = [1, 1], strides = [1, 1]} : vector<16x5xf32> to vector<1x1xf32>
    %broadcast_in_dim3A_1095 = vector.shape_cast %slice3A_1094 : vector<1x1xf32> to vector<1x1xf32>
    %broadcast_in_dim3A_1096 = vector.broadcast %broadcast_in_dim3A_1095 : vector<1x1xf32> to vector<192x128xf32>
    %select_n3A_1097 = arith.select %eq3A_1089, %broadcast_in_dim3A_1096, %select_n3A_1074 : vector<192x128xi1>, vector<192x128xf32>
    %slice3A_1098 = vector.extract_strided_slice %get3A_45 {offsets = [3, 2], sizes = [1, 1], strides = [1, 1]} : vector<16x5xf32> to vector<1x1xf32>
    %broadcast_in_dim3A_1099 = vector.shape_cast %slice3A_1098 : vector<1x1xf32> to vector<1x1xf32>
    %broadcast_in_dim3A_1100 = vector.broadcast %broadcast_in_dim3A_1099 : vector<1x1xf32> to vector<192x128xf32>
    %select_n3A_1101 = arith.select %eq3A_1089, %broadcast_in_dim3A_1100, %select_n3A_1078 : vector<192x128xi1>, vector<192x128xf32>
    %slice3A_1102 = vector.extract_strided_slice %get3A_45 {offsets = [3, 3], sizes = [1, 1], strides = [1, 1]} : vector<16x5xf32> to vector<1x1xf32>
    %broadcast_in_dim3A_1103 = vector.shape_cast %slice3A_1102 : vector<1x1xf32> to vector<1x1xf32>
    %broadcast_in_dim3A_1104 = vector.broadcast %broadcast_in_dim3A_1103 : vector<1x1xf32> to vector<192x128xf32>
    %select_n3A_1105 = arith.select %eq3A_1089, %broadcast_in_dim3A_1104, %select_n3A_1082 : vector<192x128xi1>, vector<192x128xf32>
    %slice3A_1106 = vector.extract_strided_slice %get3A_45 {offsets = [3, 4], sizes = [1, 1], strides = [1, 1]} : vector<16x5xf32> to vector<1x1xf32>
    %broadcast_in_dim3A_1107 = vector.shape_cast %slice3A_1106 : vector<1x1xf32> to vector<1x1xf32>
    %broadcast_in_dim3A_1108 = vector.broadcast %broadcast_in_dim3A_1107 : vector<1x1xf32> to vector<192x128xf32>
    %select_n3A_1109 = arith.select %eq3A_1089, %broadcast_in_dim3A_1108, %select_n3A_1086 : vector<192x128xi1>, vector<192x128xf32>
    %eq3A_1110 = arith.constant 4 : i32
    %eq3A_1111 = vector.broadcast %eq3A_1110 : i32 to vector<192x128xi32>
    %eq3A_1112 = arith.cmpi eq, %select_n3A_1015, %eq3A_1111 : vector<192x128xi32>
    %slice3A_1113 = vector.extract_strided_slice %get3A_45 {offsets = [4, 0], sizes = [1, 1], strides = [1, 1]} : vector<16x5xf32> to vector<1x1xf32>
    %broadcast_in_dim3A_1114 = vector.shape_cast %slice3A_1113 : vector<1x1xf32> to vector<1x1xf32>
    %broadcast_in_dim3A_1115 = vector.broadcast %broadcast_in_dim3A_1114 : vector<1x1xf32> to vector<192x128xf32>
    %select_n3A_1116 = arith.select %eq3A_1112, %broadcast_in_dim3A_1115, %select_n3A_1093 : vector<192x128xi1>, vector<192x128xf32>
    %slice3A_1117 = vector.extract_strided_slice %get3A_45 {offsets = [4, 1], sizes = [1, 1], strides = [1, 1]} : vector<16x5xf32> to vector<1x1xf32>
    %broadcast_in_dim3A_1118 = vector.shape_cast %slice3A_1117 : vector<1x1xf32> to vector<1x1xf32>
    %broadcast_in_dim3A_1119 = vector.broadcast %broadcast_in_dim3A_1118 : vector<1x1xf32> to vector<192x128xf32>
    %select_n3A_1120 = arith.select %eq3A_1112, %broadcast_in_dim3A_1119, %select_n3A_1097 : vector<192x128xi1>, vector<192x128xf32>
    %slice3A_1121 = vector.extract_strided_slice %get3A_45 {offsets = [4, 2], sizes = [1, 1], strides = [1, 1]} : vector<16x5xf32> to vector<1x1xf32>
    %broadcast_in_dim3A_1122 = vector.shape_cast %slice3A_1121 : vector<1x1xf32> to vector<1x1xf32>
    %broadcast_in_dim3A_1123 = vector.broadcast %broadcast_in_dim3A_1122 : vector<1x1xf32> to vector<192x128xf32>
    %select_n3A_1124 = arith.select %eq3A_1112, %broadcast_in_dim3A_1123, %select_n3A_1101 : vector<192x128xi1>, vector<192x128xf32>
    %slice3A_1125 = vector.extract_strided_slice %get3A_45 {offsets = [4, 3], sizes = [1, 1], strides = [1, 1]} : vector<16x5xf32> to vector<1x1xf32>
    %broadcast_in_dim3A_1126 = vector.shape_cast %slice3A_1125 : vector<1x1xf32> to vector<1x1xf32>
    %broadcast_in_dim3A_1127 = vector.broadcast %broadcast_in_dim3A_1126 : vector<1x1xf32> to vector<192x128xf32>
    %select_n3A_1128 = arith.select %eq3A_1112, %broadcast_in_dim3A_1127, %select_n3A_1105 : vector<192x128xi1>, vector<192x128xf32>
    %slice3A_1129 = vector.extract_strided_slice %get3A_45 {offsets = [4, 4], sizes = [1, 1], strides = [1, 1]} : vector<16x5xf32> to vector<1x1xf32>
    %broadcast_in_dim3A_1130 = vector.shape_cast %slice3A_1129 : vector<1x1xf32> to vector<1x1xf32>
    %broadcast_in_dim3A_1131 = vector.broadcast %broadcast_in_dim3A_1130 : vector<1x1xf32> to vector<192x128xf32>
    %select_n3A_1132 = arith.select %eq3A_1112, %broadcast_in_dim3A_1131, %select_n3A_1109 : vector<192x128xi1>, vector<192x128xf32>
    %eq3A_1133 = arith.constant 5 : i32
    %eq3A_1134 = vector.broadcast %eq3A_1133 : i32 to vector<192x128xi32>
    %eq3A_1135 = arith.cmpi eq, %select_n3A_1015, %eq3A_1134 : vector<192x128xi32>
    %slice3A_1136 = vector.extract_strided_slice %get3A_45 {offsets = [5, 0], sizes = [1, 1], strides = [1, 1]} : vector<16x5xf32> to vector<1x1xf32>
    %broadcast_in_dim3A_1137 = vector.shape_cast %slice3A_1136 : vector<1x1xf32> to vector<1x1xf32>
    %broadcast_in_dim3A_1138 = vector.broadcast %broadcast_in_dim3A_1137 : vector<1x1xf32> to vector<192x128xf32>
    %select_n3A_1139 = arith.select %eq3A_1135, %broadcast_in_dim3A_1138, %select_n3A_1116 : vector<192x128xi1>, vector<192x128xf32>
    %slice3A_1140 = vector.extract_strided_slice %get3A_45 {offsets = [5, 1], sizes = [1, 1], strides = [1, 1]} : vector<16x5xf32> to vector<1x1xf32>
    %broadcast_in_dim3A_1141 = vector.shape_cast %slice3A_1140 : vector<1x1xf32> to vector<1x1xf32>
    %broadcast_in_dim3A_1142 = vector.broadcast %broadcast_in_dim3A_1141 : vector<1x1xf32> to vector<192x128xf32>
    %select_n3A_1143 = arith.select %eq3A_1135, %broadcast_in_dim3A_1142, %select_n3A_1120 : vector<192x128xi1>, vector<192x128xf32>
    %slice3A_1144 = vector.extract_strided_slice %get3A_45 {offsets = [5, 2], sizes = [1, 1], strides = [1, 1]} : vector<16x5xf32> to vector<1x1xf32>
    %broadcast_in_dim3A_1145 = vector.shape_cast %slice3A_1144 : vector<1x1xf32> to vector<1x1xf32>
    %broadcast_in_dim3A_1146 = vector.broadcast %broadcast_in_dim3A_1145 : vector<1x1xf32> to vector<192x128xf32>
    %select_n3A_1147 = arith.select %eq3A_1135, %broadcast_in_dim3A_1146, %select_n3A_1124 : vector<192x128xi1>, vector<192x128xf32>
    %slice3A_1148 = vector.extract_strided_slice %get3A_45 {offsets = [5, 3], sizes = [1, 1], strides = [1, 1]} : vector<16x5xf32> to vector<1x1xf32>
    %broadcast_in_dim3A_1149 = vector.shape_cast %slice3A_1148 : vector<1x1xf32> to vector<1x1xf32>
    %broadcast_in_dim3A_1150 = vector.broadcast %broadcast_in_dim3A_1149 : vector<1x1xf32> to vector<192x128xf32>
    %select_n3A_1151 = arith.select %eq3A_1135, %broadcast_in_dim3A_1150, %select_n3A_1128 : vector<192x128xi1>, vector<192x128xf32>
    %slice3A_1152 = vector.extract_strided_slice %get3A_45 {offsets = [5, 4], sizes = [1, 1], strides = [1, 1]} : vector<16x5xf32> to vector<1x1xf32>
    %broadcast_in_dim3A_1153 = vector.shape_cast %slice3A_1152 : vector<1x1xf32> to vector<1x1xf32>
    %broadcast_in_dim3A_1154 = vector.broadcast %broadcast_in_dim3A_1153 : vector<1x1xf32> to vector<192x128xf32>
    %select_n3A_1155 = arith.select %eq3A_1135, %broadcast_in_dim3A_1154, %select_n3A_1132 : vector<192x128xi1>, vector<192x128xf32>
    %eq3A_1156 = arith.constant 6 : i32
    %eq3A_1157 = vector.broadcast %eq3A_1156 : i32 to vector<192x128xi32>
    %eq3A_1158 = arith.cmpi eq, %select_n3A_1015, %eq3A_1157 : vector<192x128xi32>
    %slice3A_1159 = vector.extract_strided_slice %get3A_45 {offsets = [6, 0], sizes = [1, 1], strides = [1, 1]} : vector<16x5xf32> to vector<1x1xf32>
    %broadcast_in_dim3A_1160 = vector.shape_cast %slice3A_1159 : vector<1x1xf32> to vector<1x1xf32>
    %broadcast_in_dim3A_1161 = vector.broadcast %broadcast_in_dim3A_1160 : vector<1x1xf32> to vector<192x128xf32>
    %select_n3A_1162 = arith.select %eq3A_1158, %broadcast_in_dim3A_1161, %select_n3A_1139 : vector<192x128xi1>, vector<192x128xf32>
    %slice3A_1163 = vector.extract_strided_slice %get3A_45 {offsets = [6, 1], sizes = [1, 1], strides = [1, 1]} : vector<16x5xf32> to vector<1x1xf32>
    %broadcast_in_dim3A_1164 = vector.shape_cast %slice3A_1163 : vector<1x1xf32> to vector<1x1xf32>
    %broadcast_in_dim3A_1165 = vector.broadcast %broadcast_in_dim3A_1164 : vector<1x1xf32> to vector<192x128xf32>
    %select_n3A_1166 = arith.select %eq3A_1158, %broadcast_in_dim3A_1165, %select_n3A_1143 : vector<192x128xi1>, vector<192x128xf32>
    %slice3A_1167 = vector.extract_strided_slice %get3A_45 {offsets = [6, 2], sizes = [1, 1], strides = [1, 1]} : vector<16x5xf32> to vector<1x1xf32>
    %broadcast_in_dim3A_1168 = vector.shape_cast %slice3A_1167 : vector<1x1xf32> to vector<1x1xf32>
    %broadcast_in_dim3A_1169 = vector.broadcast %broadcast_in_dim3A_1168 : vector<1x1xf32> to vector<192x128xf32>
    %select_n3A_1170 = arith.select %eq3A_1158, %broadcast_in_dim3A_1169, %select_n3A_1147 : vector<192x128xi1>, vector<192x128xf32>
    %slice3A_1171 = vector.extract_strided_slice %get3A_45 {offsets = [6, 3], sizes = [1, 1], strides = [1, 1]} : vector<16x5xf32> to vector<1x1xf32>
    %broadcast_in_dim3A_1172 = vector.shape_cast %slice3A_1171 : vector<1x1xf32> to vector<1x1xf32>
    %broadcast_in_dim3A_1173 = vector.broadcast %broadcast_in_dim3A_1172 : vector<1x1xf32> to vector<192x128xf32>
    %select_n3A_1174 = arith.select %eq3A_1158, %broadcast_in_dim3A_1173, %select_n3A_1151 : vector<192x128xi1>, vector<192x128xf32>
    %slice3A_1175 = vector.extract_strided_slice %get3A_45 {offsets = [6, 4], sizes = [1, 1], strides = [1, 1]} : vector<16x5xf32> to vector<1x1xf32>
    %broadcast_in_dim3A_1176 = vector.shape_cast %slice3A_1175 : vector<1x1xf32> to vector<1x1xf32>
    %broadcast_in_dim3A_1177 = vector.broadcast %broadcast_in_dim3A_1176 : vector<1x1xf32> to vector<192x128xf32>
    %select_n3A_1178 = arith.select %eq3A_1158, %broadcast_in_dim3A_1177, %select_n3A_1155 : vector<192x128xi1>, vector<192x128xf32>
    %eq3A_1179 = arith.constant 7 : i32
    %eq3A_1180 = vector.broadcast %eq3A_1179 : i32 to vector<192x128xi32>
    %eq3A_1181 = arith.cmpi eq, %select_n3A_1015, %eq3A_1180 : vector<192x128xi32>
    %slice3A_1182 = vector.extract_strided_slice %get3A_45 {offsets = [7, 0], sizes = [1, 1], strides = [1, 1]} : vector<16x5xf32> to vector<1x1xf32>
    %broadcast_in_dim3A_1183 = vector.shape_cast %slice3A_1182 : vector<1x1xf32> to vector<1x1xf32>
    %broadcast_in_dim3A_1184 = vector.broadcast %broadcast_in_dim3A_1183 : vector<1x1xf32> to vector<192x128xf32>
    %select_n3A_1185 = arith.select %eq3A_1181, %broadcast_in_dim3A_1184, %select_n3A_1162 : vector<192x128xi1>, vector<192x128xf32>
    %slice3A_1186 = vector.extract_strided_slice %get3A_45 {offsets = [7, 1], sizes = [1, 1], strides = [1, 1]} : vector<16x5xf32> to vector<1x1xf32>
    %broadcast_in_dim3A_1187 = vector.shape_cast %slice3A_1186 : vector<1x1xf32> to vector<1x1xf32>
    %broadcast_in_dim3A_1188 = vector.broadcast %broadcast_in_dim3A_1187 : vector<1x1xf32> to vector<192x128xf32>
    %select_n3A_1189 = arith.select %eq3A_1181, %broadcast_in_dim3A_1188, %select_n3A_1166 : vector<192x128xi1>, vector<192x128xf32>
    %slice3A_1190 = vector.extract_strided_slice %get3A_45 {offsets = [7, 2], sizes = [1, 1], strides = [1, 1]} : vector<16x5xf32> to vector<1x1xf32>
    %broadcast_in_dim3A_1191 = vector.shape_cast %slice3A_1190 : vector<1x1xf32> to vector<1x1xf32>
    %broadcast_in_dim3A_1192 = vector.broadcast %broadcast_in_dim3A_1191 : vector<1x1xf32> to vector<192x128xf32>
    %select_n3A_1193 = arith.select %eq3A_1181, %broadcast_in_dim3A_1192, %select_n3A_1170 : vector<192x128xi1>, vector<192x128xf32>
    %slice3A_1194 = vector.extract_strided_slice %get3A_45 {offsets = [7, 3], sizes = [1, 1], strides = [1, 1]} : vector<16x5xf32> to vector<1x1xf32>
    %broadcast_in_dim3A_1195 = vector.shape_cast %slice3A_1194 : vector<1x1xf32> to vector<1x1xf32>
    %broadcast_in_dim3A_1196 = vector.broadcast %broadcast_in_dim3A_1195 : vector<1x1xf32> to vector<192x128xf32>
    %select_n3A_1197 = arith.select %eq3A_1181, %broadcast_in_dim3A_1196, %select_n3A_1174 : vector<192x128xi1>, vector<192x128xf32>
    %slice3A_1198 = vector.extract_strided_slice %get3A_45 {offsets = [7, 4], sizes = [1, 1], strides = [1, 1]} : vector<16x5xf32> to vector<1x1xf32>
    %broadcast_in_dim3A_1199 = vector.shape_cast %slice3A_1198 : vector<1x1xf32> to vector<1x1xf32>
    %broadcast_in_dim3A_1200 = vector.broadcast %broadcast_in_dim3A_1199 : vector<1x1xf32> to vector<192x128xf32>
    %select_n3A_1201 = arith.select %eq3A_1181, %broadcast_in_dim3A_1200, %select_n3A_1178 : vector<192x128xi1>, vector<192x128xf32>
    %eq3A_1202 = arith.constant 8 : i32
    %eq3A_1203 = vector.broadcast %eq3A_1202 : i32 to vector<192x128xi32>
    %eq3A_1204 = arith.cmpi eq, %select_n3A_1015, %eq3A_1203 : vector<192x128xi32>
    %slice3A_1205 = vector.extract_strided_slice %get3A_45 {offsets = [8, 0], sizes = [1, 1], strides = [1, 1]} : vector<16x5xf32> to vector<1x1xf32>
    %broadcast_in_dim3A_1206 = vector.shape_cast %slice3A_1205 : vector<1x1xf32> to vector<1x1xf32>
    %broadcast_in_dim3A_1207 = vector.broadcast %broadcast_in_dim3A_1206 : vector<1x1xf32> to vector<192x128xf32>
    %select_n3A_1208 = arith.select %eq3A_1204, %broadcast_in_dim3A_1207, %select_n3A_1185 : vector<192x128xi1>, vector<192x128xf32>
    %slice3A_1209 = vector.extract_strided_slice %get3A_45 {offsets = [8, 1], sizes = [1, 1], strides = [1, 1]} : vector<16x5xf32> to vector<1x1xf32>
    %broadcast_in_dim3A_1210 = vector.shape_cast %slice3A_1209 : vector<1x1xf32> to vector<1x1xf32>
    %broadcast_in_dim3A_1211 = vector.broadcast %broadcast_in_dim3A_1210 : vector<1x1xf32> to vector<192x128xf32>
    %select_n3A_1212 = arith.select %eq3A_1204, %broadcast_in_dim3A_1211, %select_n3A_1189 : vector<192x128xi1>, vector<192x128xf32>
    %slice3A_1213 = vector.extract_strided_slice %get3A_45 {offsets = [8, 2], sizes = [1, 1], strides = [1, 1]} : vector<16x5xf32> to vector<1x1xf32>
    %broadcast_in_dim3A_1214 = vector.shape_cast %slice3A_1213 : vector<1x1xf32> to vector<1x1xf32>
    %broadcast_in_dim3A_1215 = vector.broadcast %broadcast_in_dim3A_1214 : vector<1x1xf32> to vector<192x128xf32>
    %select_n3A_1216 = arith.select %eq3A_1204, %broadcast_in_dim3A_1215, %select_n3A_1193 : vector<192x128xi1>, vector<192x128xf32>
    %slice3A_1217 = vector.extract_strided_slice %get3A_45 {offsets = [8, 3], sizes = [1, 1], strides = [1, 1]} : vector<16x5xf32> to vector<1x1xf32>
    %broadcast_in_dim3A_1218 = vector.shape_cast %slice3A_1217 : vector<1x1xf32> to vector<1x1xf32>
    %broadcast_in_dim3A_1219 = vector.broadcast %broadcast_in_dim3A_1218 : vector<1x1xf32> to vector<192x128xf32>
    %select_n3A_1220 = arith.select %eq3A_1204, %broadcast_in_dim3A_1219, %select_n3A_1197 : vector<192x128xi1>, vector<192x128xf32>
    %slice3A_1221 = vector.extract_strided_slice %get3A_45 {offsets = [8, 4], sizes = [1, 1], strides = [1, 1]} : vector<16x5xf32> to vector<1x1xf32>
    %broadcast_in_dim3A_1222 = vector.shape_cast %slice3A_1221 : vector<1x1xf32> to vector<1x1xf32>
    %broadcast_in_dim3A_1223 = vector.broadcast %broadcast_in_dim3A_1222 : vector<1x1xf32> to vector<192x128xf32>
    %select_n3A_1224 = arith.select %eq3A_1204, %broadcast_in_dim3A_1223, %select_n3A_1201 : vector<192x128xi1>, vector<192x128xf32>
    %eq3A_1225 = arith.constant 9 : i32
    %eq3A_1226 = vector.broadcast %eq3A_1225 : i32 to vector<192x128xi32>
    %eq3A_1227 = arith.cmpi eq, %select_n3A_1015, %eq3A_1226 : vector<192x128xi32>
    %slice3A_1228 = vector.extract_strided_slice %get3A_45 {offsets = [9, 0], sizes = [1, 1], strides = [1, 1]} : vector<16x5xf32> to vector<1x1xf32>
    %broadcast_in_dim3A_1229 = vector.shape_cast %slice3A_1228 : vector<1x1xf32> to vector<1x1xf32>
    %broadcast_in_dim3A_1230 = vector.broadcast %broadcast_in_dim3A_1229 : vector<1x1xf32> to vector<192x128xf32>
    %select_n3A_1231 = arith.select %eq3A_1227, %broadcast_in_dim3A_1230, %select_n3A_1208 : vector<192x128xi1>, vector<192x128xf32>
    %slice3A_1232 = vector.extract_strided_slice %get3A_45 {offsets = [9, 1], sizes = [1, 1], strides = [1, 1]} : vector<16x5xf32> to vector<1x1xf32>
    %broadcast_in_dim3A_1233 = vector.shape_cast %slice3A_1232 : vector<1x1xf32> to vector<1x1xf32>
    %broadcast_in_dim3A_1234 = vector.broadcast %broadcast_in_dim3A_1233 : vector<1x1xf32> to vector<192x128xf32>
    %select_n3A_1235 = arith.select %eq3A_1227, %broadcast_in_dim3A_1234, %select_n3A_1212 : vector<192x128xi1>, vector<192x128xf32>
    %slice3A_1236 = vector.extract_strided_slice %get3A_45 {offsets = [9, 2], sizes = [1, 1], strides = [1, 1]} : vector<16x5xf32> to vector<1x1xf32>
    %broadcast_in_dim3A_1237 = vector.shape_cast %slice3A_1236 : vector<1x1xf32> to vector<1x1xf32>
    %broadcast_in_dim3A_1238 = vector.broadcast %broadcast_in_dim3A_1237 : vector<1x1xf32> to vector<192x128xf32>
    %select_n3A_1239 = arith.select %eq3A_1227, %broadcast_in_dim3A_1238, %select_n3A_1216 : vector<192x128xi1>, vector<192x128xf32>
    %slice3A_1240 = vector.extract_strided_slice %get3A_45 {offsets = [9, 3], sizes = [1, 1], strides = [1, 1]} : vector<16x5xf32> to vector<1x1xf32>
    %broadcast_in_dim3A_1241 = vector.shape_cast %slice3A_1240 : vector<1x1xf32> to vector<1x1xf32>
    %broadcast_in_dim3A_1242 = vector.broadcast %broadcast_in_dim3A_1241 : vector<1x1xf32> to vector<192x128xf32>
    %select_n3A_1243 = arith.select %eq3A_1227, %broadcast_in_dim3A_1242, %select_n3A_1220 : vector<192x128xi1>, vector<192x128xf32>
    %slice3A_1244 = vector.extract_strided_slice %get3A_45 {offsets = [9, 4], sizes = [1, 1], strides = [1, 1]} : vector<16x5xf32> to vector<1x1xf32>
    %broadcast_in_dim3A_1245 = vector.shape_cast %slice3A_1244 : vector<1x1xf32> to vector<1x1xf32>
    %broadcast_in_dim3A_1246 = vector.broadcast %broadcast_in_dim3A_1245 : vector<1x1xf32> to vector<192x128xf32>
    %select_n3A_1247 = arith.select %eq3A_1227, %broadcast_in_dim3A_1246, %select_n3A_1224 : vector<192x128xi1>, vector<192x128xf32>
    %eq3A_1248 = arith.constant 10 : i32
    %eq3A_1249 = vector.broadcast %eq3A_1248 : i32 to vector<192x128xi32>
    %eq3A_1250 = arith.cmpi eq, %select_n3A_1015, %eq3A_1249 : vector<192x128xi32>
    %slice3A_1251 = vector.extract_strided_slice %get3A_45 {offsets = [10, 0], sizes = [1, 1], strides = [1, 1]} : vector<16x5xf32> to vector<1x1xf32>
    %broadcast_in_dim3A_1252 = vector.shape_cast %slice3A_1251 : vector<1x1xf32> to vector<1x1xf32>
    %broadcast_in_dim3A_1253 = vector.broadcast %broadcast_in_dim3A_1252 : vector<1x1xf32> to vector<192x128xf32>
    %select_n3A_1254 = arith.select %eq3A_1250, %broadcast_in_dim3A_1253, %select_n3A_1231 : vector<192x128xi1>, vector<192x128xf32>
    %slice3A_1255 = vector.extract_strided_slice %get3A_45 {offsets = [10, 1], sizes = [1, 1], strides = [1, 1]} : vector<16x5xf32> to vector<1x1xf32>
    %broadcast_in_dim3A_1256 = vector.shape_cast %slice3A_1255 : vector<1x1xf32> to vector<1x1xf32>
    %broadcast_in_dim3A_1257 = vector.broadcast %broadcast_in_dim3A_1256 : vector<1x1xf32> to vector<192x128xf32>
    %select_n3A_1258 = arith.select %eq3A_1250, %broadcast_in_dim3A_1257, %select_n3A_1235 : vector<192x128xi1>, vector<192x128xf32>
    %slice3A_1259 = vector.extract_strided_slice %get3A_45 {offsets = [10, 2], sizes = [1, 1], strides = [1, 1]} : vector<16x5xf32> to vector<1x1xf32>
    %broadcast_in_dim3A_1260 = vector.shape_cast %slice3A_1259 : vector<1x1xf32> to vector<1x1xf32>
    %broadcast_in_dim3A_1261 = vector.broadcast %broadcast_in_dim3A_1260 : vector<1x1xf32> to vector<192x128xf32>
    %select_n3A_1262 = arith.select %eq3A_1250, %broadcast_in_dim3A_1261, %select_n3A_1239 : vector<192x128xi1>, vector<192x128xf32>
    %slice3A_1263 = vector.extract_strided_slice %get3A_45 {offsets = [10, 3], sizes = [1, 1], strides = [1, 1]} : vector<16x5xf32> to vector<1x1xf32>
    %broadcast_in_dim3A_1264 = vector.shape_cast %slice3A_1263 : vector<1x1xf32> to vector<1x1xf32>
    %broadcast_in_dim3A_1265 = vector.broadcast %broadcast_in_dim3A_1264 : vector<1x1xf32> to vector<192x128xf32>
    %select_n3A_1266 = arith.select %eq3A_1250, %broadcast_in_dim3A_1265, %select_n3A_1243 : vector<192x128xi1>, vector<192x128xf32>
    %slice3A_1267 = vector.extract_strided_slice %get3A_45 {offsets = [10, 4], sizes = [1, 1], strides = [1, 1]} : vector<16x5xf32> to vector<1x1xf32>
    %broadcast_in_dim3A_1268 = vector.shape_cast %slice3A_1267 : vector<1x1xf32> to vector<1x1xf32>
    %broadcast_in_dim3A_1269 = vector.broadcast %broadcast_in_dim3A_1268 : vector<1x1xf32> to vector<192x128xf32>
    %select_n3A_1270 = arith.select %eq3A_1250, %broadcast_in_dim3A_1269, %select_n3A_1247 : vector<192x128xi1>, vector<192x128xf32>
    %eq3A_1271 = arith.constant 11 : i32
    %eq3A_1272 = vector.broadcast %eq3A_1271 : i32 to vector<192x128xi32>
    %eq3A_1273 = arith.cmpi eq, %select_n3A_1015, %eq3A_1272 : vector<192x128xi32>
    %slice3A_1274 = vector.extract_strided_slice %get3A_45 {offsets = [11, 0], sizes = [1, 1], strides = [1, 1]} : vector<16x5xf32> to vector<1x1xf32>
    %broadcast_in_dim3A_1275 = vector.shape_cast %slice3A_1274 : vector<1x1xf32> to vector<1x1xf32>
    %broadcast_in_dim3A_1276 = vector.broadcast %broadcast_in_dim3A_1275 : vector<1x1xf32> to vector<192x128xf32>
    %select_n3A_1277 = arith.select %eq3A_1273, %broadcast_in_dim3A_1276, %select_n3A_1254 : vector<192x128xi1>, vector<192x128xf32>
    %slice3A_1278 = vector.extract_strided_slice %get3A_45 {offsets = [11, 1], sizes = [1, 1], strides = [1, 1]} : vector<16x5xf32> to vector<1x1xf32>
    %broadcast_in_dim3A_1279 = vector.shape_cast %slice3A_1278 : vector<1x1xf32> to vector<1x1xf32>
    %broadcast_in_dim3A_1280 = vector.broadcast %broadcast_in_dim3A_1279 : vector<1x1xf32> to vector<192x128xf32>
    %select_n3A_1281 = arith.select %eq3A_1273, %broadcast_in_dim3A_1280, %select_n3A_1258 : vector<192x128xi1>, vector<192x128xf32>
    %slice3A_1282 = vector.extract_strided_slice %get3A_45 {offsets = [11, 2], sizes = [1, 1], strides = [1, 1]} : vector<16x5xf32> to vector<1x1xf32>
    %broadcast_in_dim3A_1283 = vector.shape_cast %slice3A_1282 : vector<1x1xf32> to vector<1x1xf32>
    %broadcast_in_dim3A_1284 = vector.broadcast %broadcast_in_dim3A_1283 : vector<1x1xf32> to vector<192x128xf32>
    %select_n3A_1285 = arith.select %eq3A_1273, %broadcast_in_dim3A_1284, %select_n3A_1262 : vector<192x128xi1>, vector<192x128xf32>
    %slice3A_1286 = vector.extract_strided_slice %get3A_45 {offsets = [11, 3], sizes = [1, 1], strides = [1, 1]} : vector<16x5xf32> to vector<1x1xf32>
    %broadcast_in_dim3A_1287 = vector.shape_cast %slice3A_1286 : vector<1x1xf32> to vector<1x1xf32>
    %broadcast_in_dim3A_1288 = vector.broadcast %broadcast_in_dim3A_1287 : vector<1x1xf32> to vector<192x128xf32>
    %select_n3A_1289 = arith.select %eq3A_1273, %broadcast_in_dim3A_1288, %select_n3A_1266 : vector<192x128xi1>, vector<192x128xf32>
    %slice3A_1290 = vector.extract_strided_slice %get3A_45 {offsets = [11, 4], sizes = [1, 1], strides = [1, 1]} : vector<16x5xf32> to vector<1x1xf32>
    %broadcast_in_dim3A_1291 = vector.shape_cast %slice3A_1290 : vector<1x1xf32> to vector<1x1xf32>
    %broadcast_in_dim3A_1292 = vector.broadcast %broadcast_in_dim3A_1291 : vector<1x1xf32> to vector<192x128xf32>
    %select_n3A_1293 = arith.select %eq3A_1273, %broadcast_in_dim3A_1292, %select_n3A_1270 : vector<192x128xi1>, vector<192x128xf32>
    %eq3A_1294 = arith.constant 12 : i32
    %eq3A_1295 = vector.broadcast %eq3A_1294 : i32 to vector<192x128xi32>
    %eq3A_1296 = arith.cmpi eq, %select_n3A_1015, %eq3A_1295 : vector<192x128xi32>
    %slice3A_1297 = vector.extract_strided_slice %get3A_45 {offsets = [12, 0], sizes = [1, 1], strides = [1, 1]} : vector<16x5xf32> to vector<1x1xf32>
    %broadcast_in_dim3A_1298 = vector.shape_cast %slice3A_1297 : vector<1x1xf32> to vector<1x1xf32>
    %broadcast_in_dim3A_1299 = vector.broadcast %broadcast_in_dim3A_1298 : vector<1x1xf32> to vector<192x128xf32>
    %select_n3A_1300 = arith.select %eq3A_1296, %broadcast_in_dim3A_1299, %select_n3A_1277 : vector<192x128xi1>, vector<192x128xf32>
    %slice3A_1301 = vector.extract_strided_slice %get3A_45 {offsets = [12, 1], sizes = [1, 1], strides = [1, 1]} : vector<16x5xf32> to vector<1x1xf32>
    %broadcast_in_dim3A_1302 = vector.shape_cast %slice3A_1301 : vector<1x1xf32> to vector<1x1xf32>
    %broadcast_in_dim3A_1303 = vector.broadcast %broadcast_in_dim3A_1302 : vector<1x1xf32> to vector<192x128xf32>
    %select_n3A_1304 = arith.select %eq3A_1296, %broadcast_in_dim3A_1303, %select_n3A_1281 : vector<192x128xi1>, vector<192x128xf32>
    %slice3A_1305 = vector.extract_strided_slice %get3A_45 {offsets = [12, 2], sizes = [1, 1], strides = [1, 1]} : vector<16x5xf32> to vector<1x1xf32>
    %broadcast_in_dim3A_1306 = vector.shape_cast %slice3A_1305 : vector<1x1xf32> to vector<1x1xf32>
    %broadcast_in_dim3A_1307 = vector.broadcast %broadcast_in_dim3A_1306 : vector<1x1xf32> to vector<192x128xf32>
    %select_n3A_1308 = arith.select %eq3A_1296, %broadcast_in_dim3A_1307, %select_n3A_1285 : vector<192x128xi1>, vector<192x128xf32>
    %slice3A_1309 = vector.extract_strided_slice %get3A_45 {offsets = [12, 3], sizes = [1, 1], strides = [1, 1]} : vector<16x5xf32> to vector<1x1xf32>
    %broadcast_in_dim3A_1310 = vector.shape_cast %slice3A_1309 : vector<1x1xf32> to vector<1x1xf32>
    %broadcast_in_dim3A_1311 = vector.broadcast %broadcast_in_dim3A_1310 : vector<1x1xf32> to vector<192x128xf32>
    %select_n3A_1312 = arith.select %eq3A_1296, %broadcast_in_dim3A_1311, %select_n3A_1289 : vector<192x128xi1>, vector<192x128xf32>
    %slice3A_1313 = vector.extract_strided_slice %get3A_45 {offsets = [12, 4], sizes = [1, 1], strides = [1, 1]} : vector<16x5xf32> to vector<1x1xf32>
    %broadcast_in_dim3A_1314 = vector.shape_cast %slice3A_1313 : vector<1x1xf32> to vector<1x1xf32>
    %broadcast_in_dim3A_1315 = vector.broadcast %broadcast_in_dim3A_1314 : vector<1x1xf32> to vector<192x128xf32>
    %select_n3A_1316 = arith.select %eq3A_1296, %broadcast_in_dim3A_1315, %select_n3A_1293 : vector<192x128xi1>, vector<192x128xf32>
    %eq3A_1317 = arith.constant 13 : i32
    %eq3A_1318 = vector.broadcast %eq3A_1317 : i32 to vector<192x128xi32>
    %eq3A_1319 = arith.cmpi eq, %select_n3A_1015, %eq3A_1318 : vector<192x128xi32>
    %slice3A_1320 = vector.extract_strided_slice %get3A_45 {offsets = [13, 0], sizes = [1, 1], strides = [1, 1]} : vector<16x5xf32> to vector<1x1xf32>
    %broadcast_in_dim3A_1321 = vector.shape_cast %slice3A_1320 : vector<1x1xf32> to vector<1x1xf32>
    %broadcast_in_dim3A_1322 = vector.broadcast %broadcast_in_dim3A_1321 : vector<1x1xf32> to vector<192x128xf32>
    %select_n3A_1323 = arith.select %eq3A_1319, %broadcast_in_dim3A_1322, %select_n3A_1300 : vector<192x128xi1>, vector<192x128xf32>
    %slice3A_1324 = vector.extract_strided_slice %get3A_45 {offsets = [13, 1], sizes = [1, 1], strides = [1, 1]} : vector<16x5xf32> to vector<1x1xf32>
    %broadcast_in_dim3A_1325 = vector.shape_cast %slice3A_1324 : vector<1x1xf32> to vector<1x1xf32>
    %broadcast_in_dim3A_1326 = vector.broadcast %broadcast_in_dim3A_1325 : vector<1x1xf32> to vector<192x128xf32>
    %select_n3A_1327 = arith.select %eq3A_1319, %broadcast_in_dim3A_1326, %select_n3A_1304 : vector<192x128xi1>, vector<192x128xf32>
    %slice3A_1328 = vector.extract_strided_slice %get3A_45 {offsets = [13, 2], sizes = [1, 1], strides = [1, 1]} : vector<16x5xf32> to vector<1x1xf32>
    %broadcast_in_dim3A_1329 = vector.shape_cast %slice3A_1328 : vector<1x1xf32> to vector<1x1xf32>
    %broadcast_in_dim3A_1330 = vector.broadcast %broadcast_in_dim3A_1329 : vector<1x1xf32> to vector<192x128xf32>
    %select_n3A_1331 = arith.select %eq3A_1319, %broadcast_in_dim3A_1330, %select_n3A_1308 : vector<192x128xi1>, vector<192x128xf32>
    %slice3A_1332 = vector.extract_strided_slice %get3A_45 {offsets = [13, 3], sizes = [1, 1], strides = [1, 1]} : vector<16x5xf32> to vector<1x1xf32>
    %broadcast_in_dim3A_1333 = vector.shape_cast %slice3A_1332 : vector<1x1xf32> to vector<1x1xf32>
    %broadcast_in_dim3A_1334 = vector.broadcast %broadcast_in_dim3A_1333 : vector<1x1xf32> to vector<192x128xf32>
    %select_n3A_1335 = arith.select %eq3A_1319, %broadcast_in_dim3A_1334, %select_n3A_1312 : vector<192x128xi1>, vector<192x128xf32>
    %slice3A_1336 = vector.extract_strided_slice %get3A_45 {offsets = [13, 4], sizes = [1, 1], strides = [1, 1]} : vector<16x5xf32> to vector<1x1xf32>
    %broadcast_in_dim3A_1337 = vector.shape_cast %slice3A_1336 : vector<1x1xf32> to vector<1x1xf32>
    %broadcast_in_dim3A_1338 = vector.broadcast %broadcast_in_dim3A_1337 : vector<1x1xf32> to vector<192x128xf32>
    %select_n3A_1339 = arith.select %eq3A_1319, %broadcast_in_dim3A_1338, %select_n3A_1316 : vector<192x128xi1>, vector<192x128xf32>
    %eq3A_1340 = arith.constant 14 : i32
    %eq3A_1341 = vector.broadcast %eq3A_1340 : i32 to vector<192x128xi32>
    %eq3A_1342 = arith.cmpi eq, %select_n3A_1015, %eq3A_1341 : vector<192x128xi32>
    %slice3A_1343 = vector.extract_strided_slice %get3A_45 {offsets = [14, 0], sizes = [1, 1], strides = [1, 1]} : vector<16x5xf32> to vector<1x1xf32>
    %broadcast_in_dim3A_1344 = vector.shape_cast %slice3A_1343 : vector<1x1xf32> to vector<1x1xf32>
    %broadcast_in_dim3A_1345 = vector.broadcast %broadcast_in_dim3A_1344 : vector<1x1xf32> to vector<192x128xf32>
    %select_n3A_1346 = arith.select %eq3A_1342, %broadcast_in_dim3A_1345, %select_n3A_1323 : vector<192x128xi1>, vector<192x128xf32>
    %slice3A_1347 = vector.extract_strided_slice %get3A_45 {offsets = [14, 1], sizes = [1, 1], strides = [1, 1]} : vector<16x5xf32> to vector<1x1xf32>
    %broadcast_in_dim3A_1348 = vector.shape_cast %slice3A_1347 : vector<1x1xf32> to vector<1x1xf32>
    %broadcast_in_dim3A_1349 = vector.broadcast %broadcast_in_dim3A_1348 : vector<1x1xf32> to vector<192x128xf32>
    %select_n3A_1350 = arith.select %eq3A_1342, %broadcast_in_dim3A_1349, %select_n3A_1327 : vector<192x128xi1>, vector<192x128xf32>
    %slice3A_1351 = vector.extract_strided_slice %get3A_45 {offsets = [14, 2], sizes = [1, 1], strides = [1, 1]} : vector<16x5xf32> to vector<1x1xf32>
    %broadcast_in_dim3A_1352 = vector.shape_cast %slice3A_1351 : vector<1x1xf32> to vector<1x1xf32>
    %broadcast_in_dim3A_1353 = vector.broadcast %broadcast_in_dim3A_1352 : vector<1x1xf32> to vector<192x128xf32>
    %select_n3A_1354 = arith.select %eq3A_1342, %broadcast_in_dim3A_1353, %select_n3A_1331 : vector<192x128xi1>, vector<192x128xf32>
    %slice3A_1355 = vector.extract_strided_slice %get3A_45 {offsets = [14, 3], sizes = [1, 1], strides = [1, 1]} : vector<16x5xf32> to vector<1x1xf32>
    %broadcast_in_dim3A_1356 = vector.shape_cast %slice3A_1355 : vector<1x1xf32> to vector<1x1xf32>
    %broadcast_in_dim3A_1357 = vector.broadcast %broadcast_in_dim3A_1356 : vector<1x1xf32> to vector<192x128xf32>
    %select_n3A_1358 = arith.select %eq3A_1342, %broadcast_in_dim3A_1357, %select_n3A_1335 : vector<192x128xi1>, vector<192x128xf32>
    %slice3A_1359 = vector.extract_strided_slice %get3A_45 {offsets = [14, 4], sizes = [1, 1], strides = [1, 1]} : vector<16x5xf32> to vector<1x1xf32>
    %broadcast_in_dim3A_1360 = vector.shape_cast %slice3A_1359 : vector<1x1xf32> to vector<1x1xf32>
    %broadcast_in_dim3A_1361 = vector.broadcast %broadcast_in_dim3A_1360 : vector<1x1xf32> to vector<192x128xf32>
    %select_n3A_1362 = arith.select %eq3A_1342, %broadcast_in_dim3A_1361, %select_n3A_1339 : vector<192x128xi1>, vector<192x128xf32>
    %eq3A_1363 = arith.constant 15 : i32
    %eq3A_1364 = vector.broadcast %eq3A_1363 : i32 to vector<192x128xi32>
    %eq3A_1365 = arith.cmpi eq, %select_n3A_1015, %eq3A_1364 : vector<192x128xi32>
    %slice3A_1366 = vector.extract_strided_slice %get3A_45 {offsets = [15, 0], sizes = [1, 1], strides = [1, 1]} : vector<16x5xf32> to vector<1x1xf32>
    %broadcast_in_dim3A_1367 = vector.shape_cast %slice3A_1366 : vector<1x1xf32> to vector<1x1xf32>
    %broadcast_in_dim3A_1368 = vector.broadcast %broadcast_in_dim3A_1367 : vector<1x1xf32> to vector<192x128xf32>
    %select_n3A_1369 = arith.select %eq3A_1365, %broadcast_in_dim3A_1368, %select_n3A_1346 : vector<192x128xi1>, vector<192x128xf32>
    %slice3A_1370 = vector.extract_strided_slice %get3A_45 {offsets = [15, 1], sizes = [1, 1], strides = [1, 1]} : vector<16x5xf32> to vector<1x1xf32>
    %broadcast_in_dim3A_1371 = vector.shape_cast %slice3A_1370 : vector<1x1xf32> to vector<1x1xf32>
    %broadcast_in_dim3A_1372 = vector.broadcast %broadcast_in_dim3A_1371 : vector<1x1xf32> to vector<192x128xf32>
    %select_n3A_1373 = arith.select %eq3A_1365, %broadcast_in_dim3A_1372, %select_n3A_1350 : vector<192x128xi1>, vector<192x128xf32>
    %slice3A_1374 = vector.extract_strided_slice %get3A_45 {offsets = [15, 2], sizes = [1, 1], strides = [1, 1]} : vector<16x5xf32> to vector<1x1xf32>
    %broadcast_in_dim3A_1375 = vector.shape_cast %slice3A_1374 : vector<1x1xf32> to vector<1x1xf32>
    %broadcast_in_dim3A_1376 = vector.broadcast %broadcast_in_dim3A_1375 : vector<1x1xf32> to vector<192x128xf32>
    %select_n3A_1377 = arith.select %eq3A_1365, %broadcast_in_dim3A_1376, %select_n3A_1354 : vector<192x128xi1>, vector<192x128xf32>
    %slice3A_1378 = vector.extract_strided_slice %get3A_45 {offsets = [15, 3], sizes = [1, 1], strides = [1, 1]} : vector<16x5xf32> to vector<1x1xf32>
    %broadcast_in_dim3A_1379 = vector.shape_cast %slice3A_1378 : vector<1x1xf32> to vector<1x1xf32>
    %broadcast_in_dim3A_1380 = vector.broadcast %broadcast_in_dim3A_1379 : vector<1x1xf32> to vector<192x128xf32>
    %select_n3A_1381 = arith.select %eq3A_1365, %broadcast_in_dim3A_1380, %select_n3A_1358 : vector<192x128xi1>, vector<192x128xf32>
    %slice3A_1382 = vector.extract_strided_slice %get3A_45 {offsets = [15, 4], sizes = [1, 1], strides = [1, 1]} : vector<16x5xf32> to vector<1x1xf32>
    %broadcast_in_dim3A_1383 = vector.shape_cast %slice3A_1382 : vector<1x1xf32> to vector<1x1xf32>
    %broadcast_in_dim3A_1384 = vector.broadcast %broadcast_in_dim3A_1383 : vector<1x1xf32> to vector<192x128xf32>
    %select_n3A_1385 = arith.select %eq3A_1365, %broadcast_in_dim3A_1384, %select_n3A_1362 : vector<192x128xi1>, vector<192x128xf32>
    %lt3A_1386 = arith.constant 5.000000e-01 : f32
    %lt3A_1387 = vector.broadcast %lt3A_1386 : f32 to vector<192x128xf32>
    %lt3A_1388 = arith.cmpf olt, %select_n3A_1012, %lt3A_1387 : vector<192x128xf32>
    %add3A_1389 = arith.constant 1.000000e+00 : f32
    %add3A_1390 = vector.broadcast %add3A_1389 : f32 to vector<192x128xf32>
    %add3A_1391 = arith.addf %select_n3A_1385, %add3A_1390 : vector<192x128xf32>
    %jit3A_1392 = arith.constant 0.000000e+00 : f32
    %broadcast_in_dim3A_1393 = vector.broadcast %jit3A_1392 : f32 to vector<192x128xf32>
    %select_n3A_1394 = arith.select %lt3A_1388, %broadcast_in_dim3A_1393, %add3A_1391 : vector<192x128xi1>, vector<192x128xf32>
    %gt3A_1395 = arith.constant 0.000000e+00 : f32
    %gt3A_1396 = vector.broadcast %gt3A_1395 : f32 to vector<192x128xf32>
    %gt3A_1397 = arith.cmpf ogt, %select_n3A_1394, %gt3A_1396 : vector<192x128xf32>
    %add3A_1398 = arith.addf %select_n3A_1369, %select_n3A_1377 : vector<192x128xf32>
    %div3A_1399 = arith.constant 2.000000e+00 : f32
    %div3A_1400 = vector.broadcast %div3A_1399 : f32 to vector<192x128xf32>
    %div3A_1401 = arith.divf %add3A_1398, %div3A_1400 : vector<192x128xf32>
    %sub3A_1402 = arith.subf %div3A_1401, %get3A_8 : vector<192x128xf32>
    %mul3A_1403 = arith.constant 1.000000e-01 : f32
    %mul3A_1404 = vector.broadcast %mul3A_1403 : f32 to vector<192x128xf32>
    %mul3A_1405 = arith.mulf %mul3A_1404, %get3A_18 : vector<192x128xf32>
    %div3A_1406 = arith.divf %sub3A_1402, %mul3A_1405 : vector<192x128xf32>
    %add3A_1407 = arith.addf %select_n3A_1373, %select_n3A_1381 : vector<192x128xf32>
    %div3A_1408 = arith.constant 2.000000e+00 : f32
    %div3A_1409 = vector.broadcast %div3A_1408 : f32 to vector<192x128xf32>
    %div3A_1410 = arith.divf %add3A_1407, %div3A_1409 : vector<192x128xf32>
    %sub3A_1411 = arith.subf %div3A_1410, %get3A_13 : vector<192x128xf32>
    %mul3A_1412 = arith.constant 1.000000e-01 : f32
    %mul3A_1413 = vector.broadcast %mul3A_1412 : f32 to vector<192x128xf32>
    %mul3A_1414 = arith.mulf %mul3A_1413, %get3A_23 : vector<192x128xf32>
    %div3A_1415 = arith.divf %sub3A_1411, %mul3A_1414 : vector<192x128xf32>
    %sub3A_1416 = arith.subf %select_n3A_1377, %select_n3A_1369 : vector<192x128xf32>
    %div3A_1417 = arith.divf %sub3A_1416, %get3A_18 : vector<192x128xf32>
    %log3A = math.log %div3A_1417 : vector<192x128xf32>
    %div3A_1418 = arith.constant 2.000000e-01 : f32
    %div3A_1419 = vector.broadcast %div3A_1418 : f32 to vector<192x128xf32>
    %div3A_1420 = arith.divf %log3A, %div3A_1419 : vector<192x128xf32>
    %sub3A_1421 = arith.subf %select_n3A_1381, %select_n3A_1373 : vector<192x128xf32>
    %div3A_1422 = arith.divf %sub3A_1421, %get3A_23 : vector<192x128xf32>
    %log3A_1423 = math.log %div3A_1422 : vector<192x128xf32>
    %div3A_1424 = arith.constant 2.000000e-01 : f32
    %div3A_1425 = vector.broadcast %div3A_1424 : f32 to vector<192x128xf32>
    %div3A_1426 = arith.divf %log3A_1423, %div3A_1425 : vector<192x128xf32>
    %get3A_1427 = arith.constant 0 : index
    %get3A_1428 = arith.constant 0 : index
    %get3A_1429 = arith.constant 0 : index
    %get3A_1430 = arith.constant 0 : index
    %get3A_1431 = vector.load %arg1[%get3A_1427, %get3A_1428, %get3A_1429, %get3A_1430] : memref<1x4x192x128xf32, #tpu.memory_space<vmem>>, vector<1x1x192x128xf32>
    %get3A_1432 = vector.shape_cast %get3A_1431 : vector<1x1x192x128xf32> to vector<192x128xf32>
    %sub3A_1433 = arith.subf %get3A_1432, %div3A_1406 : vector<192x128xf32>
    %abs3A = math.absf %sub3A_1433 : vector<192x128xf32>
    %lt3A_1434 = arith.constant 1.000000e+00 : f32
    %lt3A_1435 = vector.broadcast %lt3A_1434 : f32 to vector<192x128xf32>
    %lt3A_1436 = arith.cmpf olt, %abs3A, %lt3A_1435 : vector<192x128xf32>
    %mul3A_1437 = arith.constant 5.000000e-01 : f32
    %mul3A_1438 = vector.broadcast %mul3A_1437 : f32 to vector<192x128xf32>
    %mul3A_1439 = arith.mulf %mul3A_1438, %sub3A_1433 : vector<192x128xf32>
    %mul3A_1440 = arith.mulf %mul3A_1439, %sub3A_1433 : vector<192x128xf32>
    %sub3A_1441 = arith.constant 5.000000e-01 : f32
    %sub3A_1442 = vector.broadcast %sub3A_1441 : f32 to vector<192x128xf32>
    %sub3A_1443 = arith.subf %abs3A, %sub3A_1442 : vector<192x128xf32>
    %select_n3A_1444 = arith.select %lt3A_1436, %mul3A_1440, %sub3A_1443 : vector<192x128xi1>, vector<192x128xf32>
    %add3A_1445 = arith.addf %broadcast_in_dim3A_1017, %select_n3A_1444 : vector<192x128xf32>
    %get3A_1446 = arith.constant 0 : index
    %get3A_1447 = arith.constant 1 : index
    %get3A_1448 = arith.constant 0 : index
    %get3A_1449 = arith.constant 0 : index
    %get3A_1450 = vector.load %arg1[%get3A_1446, %get3A_1447, %get3A_1448, %get3A_1449] : memref<1x4x192x128xf32, #tpu.memory_space<vmem>>, vector<1x1x192x128xf32>
    %get3A_1451 = vector.shape_cast %get3A_1450 : vector<1x1x192x128xf32> to vector<192x128xf32>
    %sub3A_1452 = arith.subf %get3A_1451, %div3A_1415 : vector<192x128xf32>
    %abs3A_1453 = math.absf %sub3A_1452 : vector<192x128xf32>
    %lt3A_1454 = arith.constant 1.000000e+00 : f32
    %lt3A_1455 = vector.broadcast %lt3A_1454 : f32 to vector<192x128xf32>
    %lt3A_1456 = arith.cmpf olt, %abs3A_1453, %lt3A_1455 : vector<192x128xf32>
    %mul3A_1457 = arith.constant 5.000000e-01 : f32
    %mul3A_1458 = vector.broadcast %mul3A_1457 : f32 to vector<192x128xf32>
    %mul3A_1459 = arith.mulf %mul3A_1458, %sub3A_1452 : vector<192x128xf32>
    %mul3A_1460 = arith.mulf %mul3A_1459, %sub3A_1452 : vector<192x128xf32>
    %sub3A_1461 = arith.constant 5.000000e-01 : f32
    %sub3A_1462 = vector.broadcast %sub3A_1461 : f32 to vector<192x128xf32>
    %sub3A_1463 = arith.subf %abs3A_1453, %sub3A_1462 : vector<192x128xf32>
    %select_n3A_1464 = arith.select %lt3A_1456, %mul3A_1460, %sub3A_1463 : vector<192x128xi1>, vector<192x128xf32>
    %add3A_1465 = arith.addf %add3A_1445, %select_n3A_1464 : vector<192x128xf32>
    %get3A_1466 = arith.constant 0 : index
    %get3A_1467 = arith.constant 2 : index
    %get3A_1468 = arith.constant 0 : index
    %get3A_1469 = arith.constant 0 : index
    %get3A_1470 = vector.load %arg1[%get3A_1466, %get3A_1467, %get3A_1468, %get3A_1469] : memref<1x4x192x128xf32, #tpu.memory_space<vmem>>, vector<1x1x192x128xf32>
    %get3A_1471 = vector.shape_cast %get3A_1470 : vector<1x1x192x128xf32> to vector<192x128xf32>
    %sub3A_1472 = arith.subf %get3A_1471, %div3A_1420 : vector<192x128xf32>
    %abs3A_1473 = math.absf %sub3A_1472 : vector<192x128xf32>
    %lt3A_1474 = arith.constant 1.000000e+00 : f32
    %lt3A_1475 = vector.broadcast %lt3A_1474 : f32 to vector<192x128xf32>
    %lt3A_1476 = arith.cmpf olt, %abs3A_1473, %lt3A_1475 : vector<192x128xf32>
    %mul3A_1477 = arith.constant 5.000000e-01 : f32
    %mul3A_1478 = vector.broadcast %mul3A_1477 : f32 to vector<192x128xf32>
    %mul3A_1479 = arith.mulf %mul3A_1478, %sub3A_1472 : vector<192x128xf32>
    %mul3A_1480 = arith.mulf %mul3A_1479, %sub3A_1472 : vector<192x128xf32>
    %sub3A_1481 = arith.constant 5.000000e-01 : f32
    %sub3A_1482 = vector.broadcast %sub3A_1481 : f32 to vector<192x128xf32>
    %sub3A_1483 = arith.subf %abs3A_1473, %sub3A_1482 : vector<192x128xf32>
    %select_n3A_1484 = arith.select %lt3A_1476, %mul3A_1480, %sub3A_1483 : vector<192x128xi1>, vector<192x128xf32>
    %add3A_1485 = arith.addf %add3A_1465, %select_n3A_1484 : vector<192x128xf32>
    %get3A_1486 = arith.constant 0 : index
    %get3A_1487 = arith.constant 3 : index
    %get3A_1488 = arith.constant 0 : index
    %get3A_1489 = arith.constant 0 : index
    %get3A_1490 = vector.load %arg1[%get3A_1486, %get3A_1487, %get3A_1488, %get3A_1489] : memref<1x4x192x128xf32, #tpu.memory_space<vmem>>, vector<1x1x192x128xf32>
    %get3A_1491 = vector.shape_cast %get3A_1490 : vector<1x1x192x128xf32> to vector<192x128xf32>
    %sub3A_1492 = arith.subf %get3A_1491, %div3A_1426 : vector<192x128xf32>
    %abs3A_1493 = math.absf %sub3A_1492 : vector<192x128xf32>
    %lt3A_1494 = arith.constant 1.000000e+00 : f32
    %lt3A_1495 = vector.broadcast %lt3A_1494 : f32 to vector<192x128xf32>
    %lt3A_1496 = arith.cmpf olt, %abs3A_1493, %lt3A_1495 : vector<192x128xf32>
    %mul3A_1497 = arith.constant 5.000000e-01 : f32
    %mul3A_1498 = vector.broadcast %mul3A_1497 : f32 to vector<192x128xf32>
    %mul3A_1499 = arith.mulf %mul3A_1498, %sub3A_1492 : vector<192x128xf32>
    %mul3A_1500 = arith.mulf %mul3A_1499, %sub3A_1492 : vector<192x128xf32>
    %sub3A_1501 = arith.constant 5.000000e-01 : f32
    %sub3A_1502 = vector.broadcast %sub3A_1501 : f32 to vector<192x128xf32>
    %sub3A_1503 = arith.subf %abs3A_1493, %sub3A_1502 : vector<192x128xf32>
    %select_n3A_1504 = arith.select %lt3A_1496, %mul3A_1500, %sub3A_1503 : vector<192x128xi1>, vector<192x128xf32>
    %add3A_1505 = arith.addf %add3A_1485, %select_n3A_1504 : vector<192x128xf32>
    %jit3A_1506 = arith.constant 0.000000e+00 : f32
    %broadcast_in_dim3A_1507 = vector.broadcast %jit3A_1506 : f32 to vector<192x128xf32>
    %select_n3A_1508 = arith.select %gt3A_1397, %add3A_1505, %broadcast_in_dim3A_1507 : vector<192x128xi1>, vector<192x128xf32>
    %reduce_sum3A = vector.shape_cast %select_n3A_1508 : vector<192x128xf32> to vector<1x192x128xf32>
    %reduce_sum3A_1509 = arith.constant dense<0.000000e+00> : vector<1xf32>
    %reduce_sum3A_1510 = vector.multi_reduction <add>, %reduce_sum3A, %reduce_sum3A_1509 [1, 2] : vector<1x192x128xf32> to vector<1xf32>
    %reduce_sum3A_1511 = vector.shape_cast %reduce_sum3A_1510 : vector<1xf32> to vector<1x1x1xf32>
    %reduce_sum3A_1512 = vector.extract %reduce_sum3A_1511[0, 0, 0] : f32 from vector<1x1x1xf32>
    %broadcast_in_dim3A_1513 = vector.broadcast %reduce_sum3A_1512 : f32 to vector<1x1xf32>
    %get3A_1514 = arith.constant 0 : index
    %get3A_1515 = arith.constant 0 : index
    %get3A_1516 = arith.constant 0 : index
    %get3A_1517 = arith.constant 0 : index
    %get3A_1518 = vector.load %arg3[%get3A_1514, %get3A_1515, %get3A_1516, %get3A_1517] : memref<1x2x192x128xf32, #tpu.memory_space<vmem>>, vector<1x1x192x128xf32>
    %get3A_1519 = vector.shape_cast %get3A_1518 : vector<1x1x192x128xf32> to vector<192x128xf32>
    %get3A_1520 = arith.constant 0 : index
    %get3A_1521 = arith.constant 1 : index
    %get3A_1522 = arith.constant 0 : index
    %get3A_1523 = arith.constant 0 : index
    %get3A_1524 = vector.load %arg3[%get3A_1520, %get3A_1521, %get3A_1522, %get3A_1523] : memref<1x2x192x128xf32, #tpu.memory_space<vmem>>, vector<1x1x192x128xf32>
    %get3A_1525 = vector.shape_cast %get3A_1524 : vector<1x1x192x128xf32> to vector<192x128xf32>
    %max3A_1526 = arith.maximumf %get3A_1519, %get3A_1525 : vector<192x128xf32>
    %sub3A_1527 = arith.subf %get3A_1519, %max3A_1526 : vector<192x128xf32>
    %exp3A = math.exp %sub3A_1527 : vector<192x128xf32>
    %sub3A_1528 = arith.subf %get3A_1525, %max3A_1526 : vector<192x128xf32>
    %exp3A_1529 = math.exp %sub3A_1528 : vector<192x128xf32>
    %add3A_1530 = arith.addf %exp3A, %exp3A_1529 : vector<192x128xf32>
    %log3A_1531 = math.log %add3A_1530 : vector<192x128xf32>
    %add3A_1532 = arith.addf %max3A_1526, %log3A_1531 : vector<192x128xf32>
    %select_n3A_1533 = arith.select %gt3A_1397, %get3A_1525, %get3A_1519 : vector<192x128xi1>, vector<192x128xf32>
    %sub3A_1534 = arith.subf %add3A_1532, %select_n3A_1533 : vector<192x128xf32>
    %jit3A_1535 = arith.constant 0.000000e+00 : f32
    %broadcast_in_dim3A_1536 = vector.broadcast %jit3A_1535 : f32 to vector<192x128xf32>
    %select_n3A_1537 = arith.select %gt3A_1397, %sub3A_1534, %broadcast_in_dim3A_1536 : vector<192x128xi1>, vector<192x128xf32>
    %reduce_sum3A_1538 = vector.shape_cast %select_n3A_1537 : vector<192x128xf32> to vector<1x192x128xf32>
    %reduce_sum3A_1539 = arith.constant dense<0.000000e+00> : vector<1xf32>
    %reduce_sum3A_1540 = vector.multi_reduction <add>, %reduce_sum3A_1538, %reduce_sum3A_1539 [1, 2] : vector<1x192x128xf32> to vector<1xf32>
    %reduce_sum3A_1541 = vector.shape_cast %reduce_sum3A_1540 : vector<1xf32> to vector<1x1x1xf32>
    %reduce_sum3A_1542 = vector.extract %reduce_sum3A_1541[0, 0, 0] : f32 from vector<1x1x1xf32>
    %broadcast_in_dim3A_1543 = vector.broadcast %reduce_sum3A_1542 : f32 to vector<1x1xf32>
    %not3A = arith.constant dense<true> : vector<192x128xi1>
    %not3A_1544 = arith.xori %lt3A_4, %not3A : vector<192x128xi1>
    %or3A = arith.ori %gt3A_1397, %not3A_1544 : vector<192x128xi1>
    %jit3A_1545 = arith.constant 0.000000e+00 : f32
    %broadcast_in_dim3A_1546 = vector.broadcast %jit3A_1545 : f32 to vector<192x128xf32>
    %select_n3A_1547 = arith.select %or3A, %broadcast_in_dim3A_1546, %sub3A_1534 : vector<192x128xi1>, vector<192x128xf32>
    %get3A_1548 = arith.constant 0 : index
    %get3A_1549 = arith.constant 0 : index
    %get3A_1550 = arith.constant 0 : index
    %get3A_1551 = arith.constant 0 : index
    %get3A_1552 = vector.load %arg2[%get3A_1548, %get3A_1549, %get3A_1550, %get3A_1551] : memref<1x20x192x128xf32, #tpu.memory_space<vmem>>, vector<1x1x192x128xf32>
    %get3A_1553 = vector.shape_cast %get3A_1552 : vector<1x1x192x128xf32> to vector<192x128xf32>
    %get3A_1554 = arith.constant 0 : index
    %get3A_1555 = arith.constant 1 : index
    %get3A_1556 = arith.constant 0 : index
    %get3A_1557 = arith.constant 0 : index
    %get3A_1558 = vector.load %arg2[%get3A_1554, %get3A_1555, %get3A_1556, %get3A_1557] : memref<1x20x192x128xf32, #tpu.memory_space<vmem>>, vector<1x1x192x128xf32>
    %get3A_1559 = vector.shape_cast %get3A_1558 : vector<1x1x192x128xf32> to vector<192x128xf32>
    %max3A_1560 = arith.maximumf %get3A_1553, %get3A_1559 : vector<192x128xf32>
    %get3A_1561 = arith.constant 0 : index
    %get3A_1562 = arith.constant 2 : index
    %get3A_1563 = arith.constant 0 : index
    %get3A_1564 = arith.constant 0 : index
    %get3A_1565 = vector.load %arg2[%get3A_1561, %get3A_1562, %get3A_1563, %get3A_1564] : memref<1x20x192x128xf32, #tpu.memory_space<vmem>>, vector<1x1x192x128xf32>
    %get3A_1566 = vector.shape_cast %get3A_1565 : vector<1x1x192x128xf32> to vector<192x128xf32>
    %max3A_1567 = arith.maximumf %max3A_1560, %get3A_1566 : vector<192x128xf32>
    %get3A_1568 = arith.constant 0 : index
    %get3A_1569 = arith.constant 3 : index
    %get3A_1570 = arith.constant 0 : index
    %get3A_1571 = arith.constant 0 : index
    %get3A_1572 = vector.load %arg2[%get3A_1568, %get3A_1569, %get3A_1570, %get3A_1571] : memref<1x20x192x128xf32, #tpu.memory_space<vmem>>, vector<1x1x192x128xf32>
    %get3A_1573 = vector.shape_cast %get3A_1572 : vector<1x1x192x128xf32> to vector<192x128xf32>
    %max3A_1574 = arith.maximumf %max3A_1567, %get3A_1573 : vector<192x128xf32>
    %get3A_1575 = arith.constant 0 : index
    %get3A_1576 = arith.constant 4 : index
    %get3A_1577 = arith.constant 0 : index
    %get3A_1578 = arith.constant 0 : index
    %get3A_1579 = vector.load %arg2[%get3A_1575, %get3A_1576, %get3A_1577, %get3A_1578] : memref<1x20x192x128xf32, #tpu.memory_space<vmem>>, vector<1x1x192x128xf32>
    %get3A_1580 = vector.shape_cast %get3A_1579 : vector<1x1x192x128xf32> to vector<192x128xf32>
    %max3A_1581 = arith.maximumf %max3A_1574, %get3A_1580 : vector<192x128xf32>
    %get3A_1582 = arith.constant 0 : index
    %get3A_1583 = arith.constant 5 : index
    %get3A_1584 = arith.constant 0 : index
    %get3A_1585 = arith.constant 0 : index
    %get3A_1586 = vector.load %arg2[%get3A_1582, %get3A_1583, %get3A_1584, %get3A_1585] : memref<1x20x192x128xf32, #tpu.memory_space<vmem>>, vector<1x1x192x128xf32>
    %get3A_1587 = vector.shape_cast %get3A_1586 : vector<1x1x192x128xf32> to vector<192x128xf32>
    %max3A_1588 = arith.maximumf %max3A_1581, %get3A_1587 : vector<192x128xf32>
    %get3A_1589 = arith.constant 0 : index
    %get3A_1590 = arith.constant 6 : index
    %get3A_1591 = arith.constant 0 : index
    %get3A_1592 = arith.constant 0 : index
    %get3A_1593 = vector.load %arg2[%get3A_1589, %get3A_1590, %get3A_1591, %get3A_1592] : memref<1x20x192x128xf32, #tpu.memory_space<vmem>>, vector<1x1x192x128xf32>
    %get3A_1594 = vector.shape_cast %get3A_1593 : vector<1x1x192x128xf32> to vector<192x128xf32>
    %max3A_1595 = arith.maximumf %max3A_1588, %get3A_1594 : vector<192x128xf32>
    %get3A_1596 = arith.constant 0 : index
    %get3A_1597 = arith.constant 7 : index
    %get3A_1598 = arith.constant 0 : index
    %get3A_1599 = arith.constant 0 : index
    %get3A_1600 = vector.load %arg2[%get3A_1596, %get3A_1597, %get3A_1598, %get3A_1599] : memref<1x20x192x128xf32, #tpu.memory_space<vmem>>, vector<1x1x192x128xf32>
    %get3A_1601 = vector.shape_cast %get3A_1600 : vector<1x1x192x128xf32> to vector<192x128xf32>
    %max3A_1602 = arith.maximumf %max3A_1595, %get3A_1601 : vector<192x128xf32>
    %get3A_1603 = arith.constant 0 : index
    %get3A_1604 = arith.constant 8 : index
    %get3A_1605 = arith.constant 0 : index
    %get3A_1606 = arith.constant 0 : index
    %get3A_1607 = vector.load %arg2[%get3A_1603, %get3A_1604, %get3A_1605, %get3A_1606] : memref<1x20x192x128xf32, #tpu.memory_space<vmem>>, vector<1x1x192x128xf32>
    %get3A_1608 = vector.shape_cast %get3A_1607 : vector<1x1x192x128xf32> to vector<192x128xf32>
    %max3A_1609 = arith.maximumf %max3A_1602, %get3A_1608 : vector<192x128xf32>
    %get3A_1610 = arith.constant 0 : index
    %get3A_1611 = arith.constant 9 : index
    %get3A_1612 = arith.constant 0 : index
    %get3A_1613 = arith.constant 0 : index
    %get3A_1614 = vector.load %arg2[%get3A_1610, %get3A_1611, %get3A_1612, %get3A_1613] : memref<1x20x192x128xf32, #tpu.memory_space<vmem>>, vector<1x1x192x128xf32>
    %get3A_1615 = vector.shape_cast %get3A_1614 : vector<1x1x192x128xf32> to vector<192x128xf32>
    %max3A_1616 = arith.maximumf %max3A_1609, %get3A_1615 : vector<192x128xf32>
    %get3A_1617 = arith.constant 0 : index
    %get3A_1618 = arith.constant 10 : index
    %get3A_1619 = arith.constant 0 : index
    %get3A_1620 = arith.constant 0 : index
    %get3A_1621 = vector.load %arg2[%get3A_1617, %get3A_1618, %get3A_1619, %get3A_1620] : memref<1x20x192x128xf32, #tpu.memory_space<vmem>>, vector<1x1x192x128xf32>
    %get3A_1622 = vector.shape_cast %get3A_1621 : vector<1x1x192x128xf32> to vector<192x128xf32>
    %max3A_1623 = arith.maximumf %max3A_1616, %get3A_1622 : vector<192x128xf32>
    %get3A_1624 = arith.constant 0 : index
    %get3A_1625 = arith.constant 11 : index
    %get3A_1626 = arith.constant 0 : index
    %get3A_1627 = arith.constant 0 : index
    %get3A_1628 = vector.load %arg2[%get3A_1624, %get3A_1625, %get3A_1626, %get3A_1627] : memref<1x20x192x128xf32, #tpu.memory_space<vmem>>, vector<1x1x192x128xf32>
    %get3A_1629 = vector.shape_cast %get3A_1628 : vector<1x1x192x128xf32> to vector<192x128xf32>
    %max3A_1630 = arith.maximumf %max3A_1623, %get3A_1629 : vector<192x128xf32>
    %get3A_1631 = arith.constant 0 : index
    %get3A_1632 = arith.constant 12 : index
    %get3A_1633 = arith.constant 0 : index
    %get3A_1634 = arith.constant 0 : index
    %get3A_1635 = vector.load %arg2[%get3A_1631, %get3A_1632, %get3A_1633, %get3A_1634] : memref<1x20x192x128xf32, #tpu.memory_space<vmem>>, vector<1x1x192x128xf32>
    %get3A_1636 = vector.shape_cast %get3A_1635 : vector<1x1x192x128xf32> to vector<192x128xf32>
    %max3A_1637 = arith.maximumf %max3A_1630, %get3A_1636 : vector<192x128xf32>
    %get3A_1638 = arith.constant 0 : index
    %get3A_1639 = arith.constant 13 : index
    %get3A_1640 = arith.constant 0 : index
    %get3A_1641 = arith.constant 0 : index
    %get3A_1642 = vector.load %arg2[%get3A_1638, %get3A_1639, %get3A_1640, %get3A_1641] : memref<1x20x192x128xf32, #tpu.memory_space<vmem>>, vector<1x1x192x128xf32>
    %get3A_1643 = vector.shape_cast %get3A_1642 : vector<1x1x192x128xf32> to vector<192x128xf32>
    %max3A_1644 = arith.maximumf %max3A_1637, %get3A_1643 : vector<192x128xf32>
    %get3A_1645 = arith.constant 0 : index
    %get3A_1646 = arith.constant 14 : index
    %get3A_1647 = arith.constant 0 : index
    %get3A_1648 = arith.constant 0 : index
    %get3A_1649 = vector.load %arg2[%get3A_1645, %get3A_1646, %get3A_1647, %get3A_1648] : memref<1x20x192x128xf32, #tpu.memory_space<vmem>>, vector<1x1x192x128xf32>
    %get3A_1650 = vector.shape_cast %get3A_1649 : vector<1x1x192x128xf32> to vector<192x128xf32>
    %max3A_1651 = arith.maximumf %max3A_1644, %get3A_1650 : vector<192x128xf32>
    %get3A_1652 = arith.constant 0 : index
    %get3A_1653 = arith.constant 15 : index
    %get3A_1654 = arith.constant 0 : index
    %get3A_1655 = arith.constant 0 : index
    %get3A_1656 = vector.load %arg2[%get3A_1652, %get3A_1653, %get3A_1654, %get3A_1655] : memref<1x20x192x128xf32, #tpu.memory_space<vmem>>, vector<1x1x192x128xf32>
    %get3A_1657 = vector.shape_cast %get3A_1656 : vector<1x1x192x128xf32> to vector<192x128xf32>
    %max3A_1658 = arith.maximumf %max3A_1651, %get3A_1657 : vector<192x128xf32>
    %get3A_1659 = arith.constant 0 : index
    %get3A_1660 = arith.constant 16 : index
    %get3A_1661 = arith.constant 0 : index
    %get3A_1662 = arith.constant 0 : index
    %get3A_1663 = vector.load %arg2[%get3A_1659, %get3A_1660, %get3A_1661, %get3A_1662] : memref<1x20x192x128xf32, #tpu.memory_space<vmem>>, vector<1x1x192x128xf32>
    %get3A_1664 = vector.shape_cast %get3A_1663 : vector<1x1x192x128xf32> to vector<192x128xf32>
    %max3A_1665 = arith.maximumf %max3A_1658, %get3A_1664 : vector<192x128xf32>
    %get3A_1666 = arith.constant 0 : index
    %get3A_1667 = arith.constant 17 : index
    %get3A_1668 = arith.constant 0 : index
    %get3A_1669 = arith.constant 0 : index
    %get3A_1670 = vector.load %arg2[%get3A_1666, %get3A_1667, %get3A_1668, %get3A_1669] : memref<1x20x192x128xf32, #tpu.memory_space<vmem>>, vector<1x1x192x128xf32>
    %get3A_1671 = vector.shape_cast %get3A_1670 : vector<1x1x192x128xf32> to vector<192x128xf32>
    %max3A_1672 = arith.maximumf %max3A_1665, %get3A_1671 : vector<192x128xf32>
    %get3A_1673 = arith.constant 0 : index
    %get3A_1674 = arith.constant 18 : index
    %get3A_1675 = arith.constant 0 : index
    %get3A_1676 = arith.constant 0 : index
    %get3A_1677 = vector.load %arg2[%get3A_1673, %get3A_1674, %get3A_1675, %get3A_1676] : memref<1x20x192x128xf32, #tpu.memory_space<vmem>>, vector<1x1x192x128xf32>
    %get3A_1678 = vector.shape_cast %get3A_1677 : vector<1x1x192x128xf32> to vector<192x128xf32>
    %max3A_1679 = arith.maximumf %max3A_1672, %get3A_1678 : vector<192x128xf32>
    %get3A_1680 = arith.constant 0 : index
    %get3A_1681 = arith.constant 19 : index
    %get3A_1682 = arith.constant 0 : index
    %get3A_1683 = arith.constant 0 : index
    %get3A_1684 = vector.load %arg2[%get3A_1680, %get3A_1681, %get3A_1682, %get3A_1683] : memref<1x20x192x128xf32, #tpu.memory_space<vmem>>, vector<1x1x192x128xf32>
    %get3A_1685 = vector.shape_cast %get3A_1684 : vector<1x1x192x128xf32> to vector<192x128xf32>
    %max3A_1686 = arith.maximumf %max3A_1679, %get3A_1685 : vector<192x128xf32>
    %get3A_1687 = arith.constant 0 : index
    %get3A_1688 = arith.constant 0 : index
    %get3A_1689 = arith.constant 0 : index
    %get3A_1690 = arith.constant 0 : index
    %get3A_1691 = vector.load %arg2[%get3A_1687, %get3A_1688, %get3A_1689, %get3A_1690] : memref<1x20x192x128xf32, #tpu.memory_space<vmem>>, vector<1x1x192x128xf32>
    %get3A_1692 = vector.shape_cast %get3A_1691 : vector<1x1x192x128xf32> to vector<192x128xf32>
    %sub3A_1693 = arith.subf %get3A_1692, %max3A_1686 : vector<192x128xf32>
    %exp3A_1694 = math.exp %sub3A_1693 : vector<192x128xf32>
    %add3A_1695 = arith.addf %broadcast_in_dim3A_1017, %exp3A_1694 : vector<192x128xf32>
    %eq3A_1696 = arith.constant 1.000000e+00 : f32
    %eq3A_1697 = vector.broadcast %eq3A_1696 : f32 to vector<192x128xf32>
    %eq3A_1698 = arith.cmpf oeq, %select_n3A_1394, %eq3A_1697 : vector<192x128xf32>
    %select_n3A_1699 = arith.select %eq3A_1698, %get3A_1692, %broadcast_in_dim3A_1017 : vector<192x128xi1>, vector<192x128xf32>
    %get3A_1700 = arith.constant 0 : index
    %get3A_1701 = arith.constant 1 : index
    %get3A_1702 = arith.constant 0 : index
    %get3A_1703 = arith.constant 0 : index
    %get3A_1704 = vector.load %arg2[%get3A_1700, %get3A_1701, %get3A_1702, %get3A_1703] : memref<1x20x192x128xf32, #tpu.memory_space<vmem>>, vector<1x1x192x128xf32>
    %get3A_1705 = vector.shape_cast %get3A_1704 : vector<1x1x192x128xf32> to vector<192x128xf32>
    %sub3A_1706 = arith.subf %get3A_1705, %max3A_1686 : vector<192x128xf32>
    %exp3A_1707 = math.exp %sub3A_1706 : vector<192x128xf32>
    %add3A_1708 = arith.addf %add3A_1695, %exp3A_1707 : vector<192x128xf32>
    %eq3A_1709 = arith.constant 2.000000e+00 : f32
    %eq3A_1710 = vector.broadcast %eq3A_1709 : f32 to vector<192x128xf32>
    %eq3A_1711 = arith.cmpf oeq, %select_n3A_1394, %eq3A_1710 : vector<192x128xf32>
    %select_n3A_1712 = arith.select %eq3A_1711, %get3A_1705, %select_n3A_1699 : vector<192x128xi1>, vector<192x128xf32>
    %get3A_1713 = arith.constant 0 : index
    %get3A_1714 = arith.constant 2 : index
    %get3A_1715 = arith.constant 0 : index
    %get3A_1716 = arith.constant 0 : index
    %get3A_1717 = vector.load %arg2[%get3A_1713, %get3A_1714, %get3A_1715, %get3A_1716] : memref<1x20x192x128xf32, #tpu.memory_space<vmem>>, vector<1x1x192x128xf32>
    %get3A_1718 = vector.shape_cast %get3A_1717 : vector<1x1x192x128xf32> to vector<192x128xf32>
    %sub3A_1719 = arith.subf %get3A_1718, %max3A_1686 : vector<192x128xf32>
    %exp3A_1720 = math.exp %sub3A_1719 : vector<192x128xf32>
    %add3A_1721 = arith.addf %add3A_1708, %exp3A_1720 : vector<192x128xf32>
    %eq3A_1722 = arith.constant 3.000000e+00 : f32
    %eq3A_1723 = vector.broadcast %eq3A_1722 : f32 to vector<192x128xf32>
    %eq3A_1724 = arith.cmpf oeq, %select_n3A_1394, %eq3A_1723 : vector<192x128xf32>
    %select_n3A_1725 = arith.select %eq3A_1724, %get3A_1718, %select_n3A_1712 : vector<192x128xi1>, vector<192x128xf32>
    %get3A_1726 = arith.constant 0 : index
    %get3A_1727 = arith.constant 3 : index
    %get3A_1728 = arith.constant 0 : index
    %get3A_1729 = arith.constant 0 : index
    %get3A_1730 = vector.load %arg2[%get3A_1726, %get3A_1727, %get3A_1728, %get3A_1729] : memref<1x20x192x128xf32, #tpu.memory_space<vmem>>, vector<1x1x192x128xf32>
    %get3A_1731 = vector.shape_cast %get3A_1730 : vector<1x1x192x128xf32> to vector<192x128xf32>
    %sub3A_1732 = arith.subf %get3A_1731, %max3A_1686 : vector<192x128xf32>
    %exp3A_1733 = math.exp %sub3A_1732 : vector<192x128xf32>
    %add3A_1734 = arith.addf %add3A_1721, %exp3A_1733 : vector<192x128xf32>
    %eq3A_1735 = arith.constant 4.000000e+00 : f32
    %eq3A_1736 = vector.broadcast %eq3A_1735 : f32 to vector<192x128xf32>
    %eq3A_1737 = arith.cmpf oeq, %select_n3A_1394, %eq3A_1736 : vector<192x128xf32>
    %select_n3A_1738 = arith.select %eq3A_1737, %get3A_1731, %select_n3A_1725 : vector<192x128xi1>, vector<192x128xf32>
    %get3A_1739 = arith.constant 0 : index
    %get3A_1740 = arith.constant 4 : index
    %get3A_1741 = arith.constant 0 : index
    %get3A_1742 = arith.constant 0 : index
    %get3A_1743 = vector.load %arg2[%get3A_1739, %get3A_1740, %get3A_1741, %get3A_1742] : memref<1x20x192x128xf32, #tpu.memory_space<vmem>>, vector<1x1x192x128xf32>
    %get3A_1744 = vector.shape_cast %get3A_1743 : vector<1x1x192x128xf32> to vector<192x128xf32>
    %sub3A_1745 = arith.subf %get3A_1744, %max3A_1686 : vector<192x128xf32>
    %exp3A_1746 = math.exp %sub3A_1745 : vector<192x128xf32>
    %add3A_1747 = arith.addf %add3A_1734, %exp3A_1746 : vector<192x128xf32>
    %eq3A_1748 = arith.constant 5.000000e+00 : f32
    %eq3A_1749 = vector.broadcast %eq3A_1748 : f32 to vector<192x128xf32>
    %eq3A_1750 = arith.cmpf oeq, %select_n3A_1394, %eq3A_1749 : vector<192x128xf32>
    %select_n3A_1751 = arith.select %eq3A_1750, %get3A_1744, %select_n3A_1738 : vector<192x128xi1>, vector<192x128xf32>
    %get3A_1752 = arith.constant 0 : index
    %get3A_1753 = arith.constant 5 : index
    %get3A_1754 = arith.constant 0 : index
    %get3A_1755 = arith.constant 0 : index
    %get3A_1756 = vector.load %arg2[%get3A_1752, %get3A_1753, %get3A_1754, %get3A_1755] : memref<1x20x192x128xf32, #tpu.memory_space<vmem>>, vector<1x1x192x128xf32>
    %get3A_1757 = vector.shape_cast %get3A_1756 : vector<1x1x192x128xf32> to vector<192x128xf32>
    %sub3A_1758 = arith.subf %get3A_1757, %max3A_1686 : vector<192x128xf32>
    %exp3A_1759 = math.exp %sub3A_1758 : vector<192x128xf32>
    %add3A_1760 = arith.addf %add3A_1747, %exp3A_1759 : vector<192x128xf32>
    %eq3A_1761 = arith.constant 6.000000e+00 : f32
    %eq3A_1762 = vector.broadcast %eq3A_1761 : f32 to vector<192x128xf32>
    %eq3A_1763 = arith.cmpf oeq, %select_n3A_1394, %eq3A_1762 : vector<192x128xf32>
    %select_n3A_1764 = arith.select %eq3A_1763, %get3A_1757, %select_n3A_1751 : vector<192x128xi1>, vector<192x128xf32>
    %get3A_1765 = arith.constant 0 : index
    %get3A_1766 = arith.constant 6 : index
    %get3A_1767 = arith.constant 0 : index
    %get3A_1768 = arith.constant 0 : index
    %get3A_1769 = vector.load %arg2[%get3A_1765, %get3A_1766, %get3A_1767, %get3A_1768] : memref<1x20x192x128xf32, #tpu.memory_space<vmem>>, vector<1x1x192x128xf32>
    %get3A_1770 = vector.shape_cast %get3A_1769 : vector<1x1x192x128xf32> to vector<192x128xf32>
    %sub3A_1771 = arith.subf %get3A_1770, %max3A_1686 : vector<192x128xf32>
    %exp3A_1772 = math.exp %sub3A_1771 : vector<192x128xf32>
    %add3A_1773 = arith.addf %add3A_1760, %exp3A_1772 : vector<192x128xf32>
    %eq3A_1774 = arith.constant 7.000000e+00 : f32
    %eq3A_1775 = vector.broadcast %eq3A_1774 : f32 to vector<192x128xf32>
    %eq3A_1776 = arith.cmpf oeq, %select_n3A_1394, %eq3A_1775 : vector<192x128xf32>
    %select_n3A_1777 = arith.select %eq3A_1776, %get3A_1770, %select_n3A_1764 : vector<192x128xi1>, vector<192x128xf32>
    %get3A_1778 = arith.constant 0 : index
    %get3A_1779 = arith.constant 7 : index
    %get3A_1780 = arith.constant 0 : index
    %get3A_1781 = arith.constant 0 : index
    %get3A_1782 = vector.load %arg2[%get3A_1778, %get3A_1779, %get3A_1780, %get3A_1781] : memref<1x20x192x128xf32, #tpu.memory_space<vmem>>, vector<1x1x192x128xf32>
    %get3A_1783 = vector.shape_cast %get3A_1782 : vector<1x1x192x128xf32> to vector<192x128xf32>
    %sub3A_1784 = arith.subf %get3A_1783, %max3A_1686 : vector<192x128xf32>
    %exp3A_1785 = math.exp %sub3A_1784 : vector<192x128xf32>
    %add3A_1786 = arith.addf %add3A_1773, %exp3A_1785 : vector<192x128xf32>
    %eq3A_1787 = arith.constant 8.000000e+00 : f32
    %eq3A_1788 = vector.broadcast %eq3A_1787 : f32 to vector<192x128xf32>
    %eq3A_1789 = arith.cmpf oeq, %select_n3A_1394, %eq3A_1788 : vector<192x128xf32>
    %select_n3A_1790 = arith.select %eq3A_1789, %get3A_1783, %select_n3A_1777 : vector<192x128xi1>, vector<192x128xf32>
    %get3A_1791 = arith.constant 0 : index
    %get3A_1792 = arith.constant 8 : index
    %get3A_1793 = arith.constant 0 : index
    %get3A_1794 = arith.constant 0 : index
    %get3A_1795 = vector.load %arg2[%get3A_1791, %get3A_1792, %get3A_1793, %get3A_1794] : memref<1x20x192x128xf32, #tpu.memory_space<vmem>>, vector<1x1x192x128xf32>
    %get3A_1796 = vector.shape_cast %get3A_1795 : vector<1x1x192x128xf32> to vector<192x128xf32>
    %sub3A_1797 = arith.subf %get3A_1796, %max3A_1686 : vector<192x128xf32>
    %exp3A_1798 = math.exp %sub3A_1797 : vector<192x128xf32>
    %add3A_1799 = arith.addf %add3A_1786, %exp3A_1798 : vector<192x128xf32>
    %eq3A_1800 = arith.constant 9.000000e+00 : f32
    %eq3A_1801 = vector.broadcast %eq3A_1800 : f32 to vector<192x128xf32>
    %eq3A_1802 = arith.cmpf oeq, %select_n3A_1394, %eq3A_1801 : vector<192x128xf32>
    %select_n3A_1803 = arith.select %eq3A_1802, %get3A_1796, %select_n3A_1790 : vector<192x128xi1>, vector<192x128xf32>
    %get3A_1804 = arith.constant 0 : index
    %get3A_1805 = arith.constant 9 : index
    %get3A_1806 = arith.constant 0 : index
    %get3A_1807 = arith.constant 0 : index
    %get3A_1808 = vector.load %arg2[%get3A_1804, %get3A_1805, %get3A_1806, %get3A_1807] : memref<1x20x192x128xf32, #tpu.memory_space<vmem>>, vector<1x1x192x128xf32>
    %get3A_1809 = vector.shape_cast %get3A_1808 : vector<1x1x192x128xf32> to vector<192x128xf32>
    %sub3A_1810 = arith.subf %get3A_1809, %max3A_1686 : vector<192x128xf32>
    %exp3A_1811 = math.exp %sub3A_1810 : vector<192x128xf32>
    %add3A_1812 = arith.addf %add3A_1799, %exp3A_1811 : vector<192x128xf32>
    %eq3A_1813 = arith.constant 1.000000e+01 : f32
    %eq3A_1814 = vector.broadcast %eq3A_1813 : f32 to vector<192x128xf32>
    %eq3A_1815 = arith.cmpf oeq, %select_n3A_1394, %eq3A_1814 : vector<192x128xf32>
    %select_n3A_1816 = arith.select %eq3A_1815, %get3A_1809, %select_n3A_1803 : vector<192x128xi1>, vector<192x128xf32>
    %get3A_1817 = arith.constant 0 : index
    %get3A_1818 = arith.constant 10 : index
    %get3A_1819 = arith.constant 0 : index
    %get3A_1820 = arith.constant 0 : index
    %get3A_1821 = vector.load %arg2[%get3A_1817, %get3A_1818, %get3A_1819, %get3A_1820] : memref<1x20x192x128xf32, #tpu.memory_space<vmem>>, vector<1x1x192x128xf32>
    %get3A_1822 = vector.shape_cast %get3A_1821 : vector<1x1x192x128xf32> to vector<192x128xf32>
    %sub3A_1823 = arith.subf %get3A_1822, %max3A_1686 : vector<192x128xf32>
    %exp3A_1824 = math.exp %sub3A_1823 : vector<192x128xf32>
    %add3A_1825 = arith.addf %add3A_1812, %exp3A_1824 : vector<192x128xf32>
    %eq3A_1826 = arith.constant 1.100000e+01 : f32
    %eq3A_1827 = vector.broadcast %eq3A_1826 : f32 to vector<192x128xf32>
    %eq3A_1828 = arith.cmpf oeq, %select_n3A_1394, %eq3A_1827 : vector<192x128xf32>
    %select_n3A_1829 = arith.select %eq3A_1828, %get3A_1822, %select_n3A_1816 : vector<192x128xi1>, vector<192x128xf32>
    %get3A_1830 = arith.constant 0 : index
    %get3A_1831 = arith.constant 11 : index
    %get3A_1832 = arith.constant 0 : index
    %get3A_1833 = arith.constant 0 : index
    %get3A_1834 = vector.load %arg2[%get3A_1830, %get3A_1831, %get3A_1832, %get3A_1833] : memref<1x20x192x128xf32, #tpu.memory_space<vmem>>, vector<1x1x192x128xf32>
    %get3A_1835 = vector.shape_cast %get3A_1834 : vector<1x1x192x128xf32> to vector<192x128xf32>
    %sub3A_1836 = arith.subf %get3A_1835, %max3A_1686 : vector<192x128xf32>
    %exp3A_1837 = math.exp %sub3A_1836 : vector<192x128xf32>
    %add3A_1838 = arith.addf %add3A_1825, %exp3A_1837 : vector<192x128xf32>
    %eq3A_1839 = arith.constant 1.200000e+01 : f32
    %eq3A_1840 = vector.broadcast %eq3A_1839 : f32 to vector<192x128xf32>
    %eq3A_1841 = arith.cmpf oeq, %select_n3A_1394, %eq3A_1840 : vector<192x128xf32>
    %select_n3A_1842 = arith.select %eq3A_1841, %get3A_1835, %select_n3A_1829 : vector<192x128xi1>, vector<192x128xf32>
    %get3A_1843 = arith.constant 0 : index
    %get3A_1844 = arith.constant 12 : index
    %get3A_1845 = arith.constant 0 : index
    %get3A_1846 = arith.constant 0 : index
    %get3A_1847 = vector.load %arg2[%get3A_1843, %get3A_1844, %get3A_1845, %get3A_1846] : memref<1x20x192x128xf32, #tpu.memory_space<vmem>>, vector<1x1x192x128xf32>
    %get3A_1848 = vector.shape_cast %get3A_1847 : vector<1x1x192x128xf32> to vector<192x128xf32>
    %sub3A_1849 = arith.subf %get3A_1848, %max3A_1686 : vector<192x128xf32>
    %exp3A_1850 = math.exp %sub3A_1849 : vector<192x128xf32>
    %add3A_1851 = arith.addf %add3A_1838, %exp3A_1850 : vector<192x128xf32>
    %eq3A_1852 = arith.constant 1.300000e+01 : f32
    %eq3A_1853 = vector.broadcast %eq3A_1852 : f32 to vector<192x128xf32>
    %eq3A_1854 = arith.cmpf oeq, %select_n3A_1394, %eq3A_1853 : vector<192x128xf32>
    %select_n3A_1855 = arith.select %eq3A_1854, %get3A_1848, %select_n3A_1842 : vector<192x128xi1>, vector<192x128xf32>
    %get3A_1856 = arith.constant 0 : index
    %get3A_1857 = arith.constant 13 : index
    %get3A_1858 = arith.constant 0 : index
    %get3A_1859 = arith.constant 0 : index
    %get3A_1860 = vector.load %arg2[%get3A_1856, %get3A_1857, %get3A_1858, %get3A_1859] : memref<1x20x192x128xf32, #tpu.memory_space<vmem>>, vector<1x1x192x128xf32>
    %get3A_1861 = vector.shape_cast %get3A_1860 : vector<1x1x192x128xf32> to vector<192x128xf32>
    %sub3A_1862 = arith.subf %get3A_1861, %max3A_1686 : vector<192x128xf32>
    %exp3A_1863 = math.exp %sub3A_1862 : vector<192x128xf32>
    %add3A_1864 = arith.addf %add3A_1851, %exp3A_1863 : vector<192x128xf32>
    %eq3A_1865 = arith.constant 1.400000e+01 : f32
    %eq3A_1866 = vector.broadcast %eq3A_1865 : f32 to vector<192x128xf32>
    %eq3A_1867 = arith.cmpf oeq, %select_n3A_1394, %eq3A_1866 : vector<192x128xf32>
    %select_n3A_1868 = arith.select %eq3A_1867, %get3A_1861, %select_n3A_1855 : vector<192x128xi1>, vector<192x128xf32>
    %get3A_1869 = arith.constant 0 : index
    %get3A_1870 = arith.constant 14 : index
    %get3A_1871 = arith.constant 0 : index
    %get3A_1872 = arith.constant 0 : index
    %get3A_1873 = vector.load %arg2[%get3A_1869, %get3A_1870, %get3A_1871, %get3A_1872] : memref<1x20x192x128xf32, #tpu.memory_space<vmem>>, vector<1x1x192x128xf32>
    %get3A_1874 = vector.shape_cast %get3A_1873 : vector<1x1x192x128xf32> to vector<192x128xf32>
    %sub3A_1875 = arith.subf %get3A_1874, %max3A_1686 : vector<192x128xf32>
    %exp3A_1876 = math.exp %sub3A_1875 : vector<192x128xf32>
    %add3A_1877 = arith.addf %add3A_1864, %exp3A_1876 : vector<192x128xf32>
    %eq3A_1878 = arith.constant 1.500000e+01 : f32
    %eq3A_1879 = vector.broadcast %eq3A_1878 : f32 to vector<192x128xf32>
    %eq3A_1880 = arith.cmpf oeq, %select_n3A_1394, %eq3A_1879 : vector<192x128xf32>
    %select_n3A_1881 = arith.select %eq3A_1880, %get3A_1874, %select_n3A_1868 : vector<192x128xi1>, vector<192x128xf32>
    %get3A_1882 = arith.constant 0 : index
    %get3A_1883 = arith.constant 15 : index
    %get3A_1884 = arith.constant 0 : index
    %get3A_1885 = arith.constant 0 : index
    %get3A_1886 = vector.load %arg2[%get3A_1882, %get3A_1883, %get3A_1884, %get3A_1885] : memref<1x20x192x128xf32, #tpu.memory_space<vmem>>, vector<1x1x192x128xf32>
    %get3A_1887 = vector.shape_cast %get3A_1886 : vector<1x1x192x128xf32> to vector<192x128xf32>
    %sub3A_1888 = arith.subf %get3A_1887, %max3A_1686 : vector<192x128xf32>
    %exp3A_1889 = math.exp %sub3A_1888 : vector<192x128xf32>
    %add3A_1890 = arith.addf %add3A_1877, %exp3A_1889 : vector<192x128xf32>
    %eq3A_1891 = arith.constant 1.600000e+01 : f32
    %eq3A_1892 = vector.broadcast %eq3A_1891 : f32 to vector<192x128xf32>
    %eq3A_1893 = arith.cmpf oeq, %select_n3A_1394, %eq3A_1892 : vector<192x128xf32>
    %select_n3A_1894 = arith.select %eq3A_1893, %get3A_1887, %select_n3A_1881 : vector<192x128xi1>, vector<192x128xf32>
    %get3A_1895 = arith.constant 0 : index
    %get3A_1896 = arith.constant 16 : index
    %get3A_1897 = arith.constant 0 : index
    %get3A_1898 = arith.constant 0 : index
    %get3A_1899 = vector.load %arg2[%get3A_1895, %get3A_1896, %get3A_1897, %get3A_1898] : memref<1x20x192x128xf32, #tpu.memory_space<vmem>>, vector<1x1x192x128xf32>
    %get3A_1900 = vector.shape_cast %get3A_1899 : vector<1x1x192x128xf32> to vector<192x128xf32>
    %sub3A_1901 = arith.subf %get3A_1900, %max3A_1686 : vector<192x128xf32>
    %exp3A_1902 = math.exp %sub3A_1901 : vector<192x128xf32>
    %add3A_1903 = arith.addf %add3A_1890, %exp3A_1902 : vector<192x128xf32>
    %eq3A_1904 = arith.constant 1.700000e+01 : f32
    %eq3A_1905 = vector.broadcast %eq3A_1904 : f32 to vector<192x128xf32>
    %eq3A_1906 = arith.cmpf oeq, %select_n3A_1394, %eq3A_1905 : vector<192x128xf32>
    %select_n3A_1907 = arith.select %eq3A_1906, %get3A_1900, %select_n3A_1894 : vector<192x128xi1>, vector<192x128xf32>
    %get3A_1908 = arith.constant 0 : index
    %get3A_1909 = arith.constant 17 : index
    %get3A_1910 = arith.constant 0 : index
    %get3A_1911 = arith.constant 0 : index
    %get3A_1912 = vector.load %arg2[%get3A_1908, %get3A_1909, %get3A_1910, %get3A_1911] : memref<1x20x192x128xf32, #tpu.memory_space<vmem>>, vector<1x1x192x128xf32>
    %get3A_1913 = vector.shape_cast %get3A_1912 : vector<1x1x192x128xf32> to vector<192x128xf32>
    %sub3A_1914 = arith.subf %get3A_1913, %max3A_1686 : vector<192x128xf32>
    %exp3A_1915 = math.exp %sub3A_1914 : vector<192x128xf32>
    %add3A_1916 = arith.addf %add3A_1903, %exp3A_1915 : vector<192x128xf32>
    %eq3A_1917 = arith.constant 1.800000e+01 : f32
    %eq3A_1918 = vector.broadcast %eq3A_1917 : f32 to vector<192x128xf32>
    %eq3A_1919 = arith.cmpf oeq, %select_n3A_1394, %eq3A_1918 : vector<192x128xf32>
    %select_n3A_1920 = arith.select %eq3A_1919, %get3A_1913, %select_n3A_1907 : vector<192x128xi1>, vector<192x128xf32>
    %get3A_1921 = arith.constant 0 : index
    %get3A_1922 = arith.constant 18 : index
    %get3A_1923 = arith.constant 0 : index
    %get3A_1924 = arith.constant 0 : index
    %get3A_1925 = vector.load %arg2[%get3A_1921, %get3A_1922, %get3A_1923, %get3A_1924] : memref<1x20x192x128xf32, #tpu.memory_space<vmem>>, vector<1x1x192x128xf32>
    %get3A_1926 = vector.shape_cast %get3A_1925 : vector<1x1x192x128xf32> to vector<192x128xf32>
    %sub3A_1927 = arith.subf %get3A_1926, %max3A_1686 : vector<192x128xf32>
    %exp3A_1928 = math.exp %sub3A_1927 : vector<192x128xf32>
    %add3A_1929 = arith.addf %add3A_1916, %exp3A_1928 : vector<192x128xf32>
    %eq3A_1930 = arith.constant 1.900000e+01 : f32
    %eq3A_1931 = vector.broadcast %eq3A_1930 : f32 to vector<192x128xf32>
    %eq3A_1932 = arith.cmpf oeq, %select_n3A_1394, %eq3A_1931 : vector<192x128xf32>
    %select_n3A_1933 = arith.select %eq3A_1932, %get3A_1926, %select_n3A_1920 : vector<192x128xi1>, vector<192x128xf32>
    %get3A_1934 = arith.constant 0 : index
    %get3A_1935 = arith.constant 19 : index
    %get3A_1936 = arith.constant 0 : index
    %get3A_1937 = arith.constant 0 : index
    %get3A_1938 = vector.load %arg2[%get3A_1934, %get3A_1935, %get3A_1936, %get3A_1937] : memref<1x20x192x128xf32, #tpu.memory_space<vmem>>, vector<1x1x192x128xf32>
    %get3A_1939 = vector.shape_cast %get3A_1938 : vector<1x1x192x128xf32> to vector<192x128xf32>
    %sub3A_1940 = arith.subf %get3A_1939, %max3A_1686 : vector<192x128xf32>
    %exp3A_1941 = math.exp %sub3A_1940 : vector<192x128xf32>
    %add3A_1942 = arith.addf %add3A_1929, %exp3A_1941 : vector<192x128xf32>
    %eq3A_1943 = arith.constant 2.000000e+01 : f32
    %eq3A_1944 = vector.broadcast %eq3A_1943 : f32 to vector<192x128xf32>
    %eq3A_1945 = arith.cmpf oeq, %select_n3A_1394, %eq3A_1944 : vector<192x128xf32>
    %select_n3A_1946 = arith.select %eq3A_1945, %get3A_1939, %select_n3A_1933 : vector<192x128xi1>, vector<192x128xf32>
    %log3A_1947 = math.log %add3A_1942 : vector<192x128xf32>
    %add3A_1948 = arith.addf %max3A_1686, %log3A_1947 : vector<192x128xf32>
    %add3A_1949 = arith.addf %add3A_1948, %add3A_1532 : vector<192x128xf32>
    %sub3A_1950 = arith.subf %add3A_1949, %get3A_1525 : vector<192x128xf32>
    %sub3A_1951 = arith.subf %sub3A_1950, %select_n3A_1946 : vector<192x128xf32>
    %jit3A_1952 = arith.constant 0.000000e+00 : f32
    %broadcast_in_dim3A_1953 = vector.broadcast %jit3A_1952 : f32 to vector<192x128xf32>
    %select_n3A_1954 = arith.select %gt3A_1397, %sub3A_1951, %broadcast_in_dim3A_1953 : vector<192x128xi1>, vector<192x128xf32>
    %reduce_sum3A_1955 = vector.shape_cast %select_n3A_1954 : vector<192x128xf32> to vector<1x192x128xf32>
    %reduce_sum3A_1956 = arith.constant dense<0.000000e+00> : vector<1xf32>
    %reduce_sum3A_1957 = vector.multi_reduction <add>, %reduce_sum3A_1955, %reduce_sum3A_1956 [1, 2] : vector<1x192x128xf32> to vector<1xf32>
    %reduce_sum3A_1958 = vector.shape_cast %reduce_sum3A_1957 : vector<1xf32> to vector<1x1x1xf32>
    %reduce_sum3A_1959 = vector.extract %reduce_sum3A_1958[0, 0, 0] : f32 from vector<1x1x1xf32>
    %broadcast_in_dim3A_1960 = vector.broadcast %reduce_sum3A_1959 : f32 to vector<1x1xf32>
    %convert_element_type3A = arith.extui %gt3A_1397 : vector<192x128xi1> to vector<192x128xi32>
    %reduce_sum3A_1961 = vector.shape_cast %convert_element_type3A : vector<192x128xi32> to vector<1x192x128xi32>
    %reduce_sum3A_1962 = arith.constant dense<0> : vector<1xi32>
    %reduce_sum3A_1963 = vector.multi_reduction <add>, %reduce_sum3A_1961, %reduce_sum3A_1962 [1, 2] : vector<1x192x128xi32> to vector<1xi32>
    %reduce_sum3A_1964 = vector.shape_cast %reduce_sum3A_1963 : vector<1xi32> to vector<1x1x1xi32>
    %reduce_sum3A_1965 = vector.extract %reduce_sum3A_1964[0, 0, 0] : i32 from vector<1x1x1xi32>
    %broadcast_in_dim3A_1966 = vector.broadcast %reduce_sum3A_1965 : i32 to vector<1x1xi32>
    %mul3A_1967 = arith.constant 3 : i32
    %mul3A_1968 = vector.broadcast %mul3A_1967 : i32 to vector<1x1xi32>
    %mul3A_1969 = arith.muli %mul3A_1968, %broadcast_in_dim3A_1966 : vector<1x1xi32>
    %min3A_1970 = arith.constant 24563 : i32
    %min3A_1971 = vector.broadcast %min3A_1970 : i32 to vector<1x1xi32>
    %min3A_1972 = arith.minsi %mul3A_1969, %min3A_1971 : vector<1x1xi32>
    %bitcast_convert_type3A = tpu.bitcast %select_n3A_1547 : vector<192x128xf32> -> vector<192x128xi32>
    %broadcast_in_dim3A_1973 = arith.constant 0 : i32
    %broadcast_in_dim3A_1974 = vector.broadcast %broadcast_in_dim3A_1973 : i32 to vector<1x1xi32>
    %broadcast_in_dim3A_1975 = arith.constant 2139095040 : i32
    %broadcast_in_dim3A_1976 = vector.broadcast %broadcast_in_dim3A_1975 : i32 to vector<1x1xi32>
    %sub3A_1977 = arith.subi %broadcast_in_dim3A_1976, %broadcast_in_dim3A_1974 : vector<1x1xi32>
    %add3A_1978 = arith.constant 1 : i32
    %add3A_1979 = vector.broadcast %add3A_1978 : i32 to vector<1x1xi32>
    %add3A_1980 = arith.addi %sub3A_1977, %add3A_1979 : vector<1x1xi32>
    %shift_right_arithmetic3A = arith.constant 1 : i32
    %shift_right_arithmetic3A_1981 = vector.broadcast %shift_right_arithmetic3A : i32 to vector<1x1xi32>
    %shift_right_arithmetic3A_1982 = arith.shrsi %add3A_1980, %shift_right_arithmetic3A_1981 : vector<1x1xi32>
    %add3A_1983 = arith.addi %broadcast_in_dim3A_1974, %shift_right_arithmetic3A_1982 : vector<1x1xi32>
    %ge3A = vector.broadcast %add3A_1983 : vector<1x1xi32> to vector<192x128xi32>
    %ge3A_1984 = arith.cmpi sge, %bitcast_convert_type3A, %ge3A : vector<192x128xi32>
    %convert_element_type3A_1985 = arith.extui %ge3A_1984 : vector<192x128xi1> to vector<192x128xi32>
    %reduce_sum3A_1986 = vector.shape_cast %convert_element_type3A_1985 : vector<192x128xi32> to vector<1x192x128xi32>
    %reduce_sum3A_1987 = arith.constant dense<0> : vector<1xi32>
    %reduce_sum3A_1988 = vector.multi_reduction <add>, %reduce_sum3A_1986, %reduce_sum3A_1987 [1, 2] : vector<1x192x128xi32> to vector<1xi32>
    %reduce_sum3A_1989 = vector.shape_cast %reduce_sum3A_1988 : vector<1xi32> to vector<1x1x1xi32>
    %reduce_sum3A_1990 = vector.extract %reduce_sum3A_1989[0, 0, 0] : i32 from vector<1x1x1xi32>
    %broadcast_in_dim3A_1991 = vector.broadcast %reduce_sum3A_1990 : i32 to vector<1x1xi32>
    %ge3A_1992 = arith.cmpi sge, %broadcast_in_dim3A_1991, %min3A_1972 : vector<1x1xi32>
    %select_n3A_1993 = arith.select %ge3A_1992, %add3A_1983, %broadcast_in_dim3A_1974 : vector<1x1xi1>, vector<1x1xi32>
    %sub3A_1994 = arith.constant 1 : i32
    %sub3A_1995 = vector.broadcast %sub3A_1994 : i32 to vector<1x1xi32>
    %sub3A_1996 = arith.subi %add3A_1983, %sub3A_1995 : vector<1x1xi32>
    %select_n3A_1997 = arith.select %ge3A_1992, %broadcast_in_dim3A_1976, %sub3A_1996 : vector<1x1xi1>, vector<1x1xi32>
    %sub3A_1998 = arith.subi %select_n3A_1997, %select_n3A_1993 : vector<1x1xi32>
    %add3A_1999 = arith.constant 1 : i32
    %add3A_2000 = vector.broadcast %add3A_1999 : i32 to vector<1x1xi32>
    %add3A_2001 = arith.addi %sub3A_1998, %add3A_2000 : vector<1x1xi32>
    %shift_right_arithmetic3A_2002 = arith.constant 1 : i32
    %shift_right_arithmetic3A_2003 = vector.broadcast %shift_right_arithmetic3A_2002 : i32 to vector<1x1xi32>
    %shift_right_arithmetic3A_2004 = arith.shrsi %add3A_2001, %shift_right_arithmetic3A_2003 : vector<1x1xi32>
    %add3A_2005 = arith.addi %select_n3A_1993, %shift_right_arithmetic3A_2004 : vector<1x1xi32>
    %ge3A_2006 = vector.broadcast %add3A_2005 : vector<1x1xi32> to vector<192x128xi32>
    %ge3A_2007 = arith.cmpi sge, %bitcast_convert_type3A, %ge3A_2006 : vector<192x128xi32>
    %convert_element_type3A_2008 = arith.extui %ge3A_2007 : vector<192x128xi1> to vector<192x128xi32>
    %reduce_sum3A_2009 = vector.shape_cast %convert_element_type3A_2008 : vector<192x128xi32> to vector<1x192x128xi32>
    %reduce_sum3A_2010 = arith.constant dense<0> : vector<1xi32>
    %reduce_sum3A_2011 = vector.multi_reduction <add>, %reduce_sum3A_2009, %reduce_sum3A_2010 [1, 2] : vector<1x192x128xi32> to vector<1xi32>
    %reduce_sum3A_2012 = vector.shape_cast %reduce_sum3A_2011 : vector<1xi32> to vector<1x1x1xi32>
    %reduce_sum3A_2013 = vector.extract %reduce_sum3A_2012[0, 0, 0] : i32 from vector<1x1x1xi32>
    %broadcast_in_dim3A_2014 = vector.broadcast %reduce_sum3A_2013 : i32 to vector<1x1xi32>
    %ge3A_2015 = arith.cmpi sge, %broadcast_in_dim3A_2014, %min3A_1972 : vector<1x1xi32>
    %select_n3A_2016 = arith.select %ge3A_2015, %add3A_2005, %select_n3A_1993 : vector<1x1xi1>, vector<1x1xi32>
    %sub3A_2017 = arith.constant 1 : i32
    %sub3A_2018 = vector.broadcast %sub3A_2017 : i32 to vector<1x1xi32>
    %sub3A_2019 = arith.subi %add3A_2005, %sub3A_2018 : vector<1x1xi32>
    %select_n3A_2020 = arith.select %ge3A_2015, %select_n3A_1997, %sub3A_2019 : vector<1x1xi1>, vector<1x1xi32>
    %sub3A_2021 = arith.subi %select_n3A_2020, %select_n3A_2016 : vector<1x1xi32>
    %add3A_2022 = arith.constant 1 : i32
    %add3A_2023 = vector.broadcast %add3A_2022 : i32 to vector<1x1xi32>
    %add3A_2024 = arith.addi %sub3A_2021, %add3A_2023 : vector<1x1xi32>
    %shift_right_arithmetic3A_2025 = arith.constant 1 : i32
    %shift_right_arithmetic3A_2026 = vector.broadcast %shift_right_arithmetic3A_2025 : i32 to vector<1x1xi32>
    %shift_right_arithmetic3A_2027 = arith.shrsi %add3A_2024, %shift_right_arithmetic3A_2026 : vector<1x1xi32>
    %add3A_2028 = arith.addi %select_n3A_2016, %shift_right_arithmetic3A_2027 : vector<1x1xi32>
    %ge3A_2029 = vector.broadcast %add3A_2028 : vector<1x1xi32> to vector<192x128xi32>
    %ge3A_2030 = arith.cmpi sge, %bitcast_convert_type3A, %ge3A_2029 : vector<192x128xi32>
    %convert_element_type3A_2031 = arith.extui %ge3A_2030 : vector<192x128xi1> to vector<192x128xi32>
    %reduce_sum3A_2032 = vector.shape_cast %convert_element_type3A_2031 : vector<192x128xi32> to vector<1x192x128xi32>
    %reduce_sum3A_2033 = arith.constant dense<0> : vector<1xi32>
    %reduce_sum3A_2034 = vector.multi_reduction <add>, %reduce_sum3A_2032, %reduce_sum3A_2033 [1, 2] : vector<1x192x128xi32> to vector<1xi32>
    %reduce_sum3A_2035 = vector.shape_cast %reduce_sum3A_2034 : vector<1xi32> to vector<1x1x1xi32>
    %reduce_sum3A_2036 = vector.extract %reduce_sum3A_2035[0, 0, 0] : i32 from vector<1x1x1xi32>
    %broadcast_in_dim3A_2037 = vector.broadcast %reduce_sum3A_2036 : i32 to vector<1x1xi32>
    %ge3A_2038 = arith.cmpi sge, %broadcast_in_dim3A_2037, %min3A_1972 : vector<1x1xi32>
    %select_n3A_2039 = arith.select %ge3A_2038, %add3A_2028, %select_n3A_2016 : vector<1x1xi1>, vector<1x1xi32>
    %sub3A_2040 = arith.constant 1 : i32
    %sub3A_2041 = vector.broadcast %sub3A_2040 : i32 to vector<1x1xi32>
    %sub3A_2042 = arith.subi %add3A_2028, %sub3A_2041 : vector<1x1xi32>
    %select_n3A_2043 = arith.select %ge3A_2038, %select_n3A_2020, %sub3A_2042 : vector<1x1xi1>, vector<1x1xi32>
    %sub3A_2044 = arith.subi %select_n3A_2043, %select_n3A_2039 : vector<1x1xi32>
    %add3A_2045 = arith.constant 1 : i32
    %add3A_2046 = vector.broadcast %add3A_2045 : i32 to vector<1x1xi32>
    %add3A_2047 = arith.addi %sub3A_2044, %add3A_2046 : vector<1x1xi32>
    %shift_right_arithmetic3A_2048 = arith.constant 1 : i32
    %shift_right_arithmetic3A_2049 = vector.broadcast %shift_right_arithmetic3A_2048 : i32 to vector<1x1xi32>
    %shift_right_arithmetic3A_2050 = arith.shrsi %add3A_2047, %shift_right_arithmetic3A_2049 : vector<1x1xi32>
    %add3A_2051 = arith.addi %select_n3A_2039, %shift_right_arithmetic3A_2050 : vector<1x1xi32>
    %ge3A_2052 = vector.broadcast %add3A_2051 : vector<1x1xi32> to vector<192x128xi32>
    %ge3A_2053 = arith.cmpi sge, %bitcast_convert_type3A, %ge3A_2052 : vector<192x128xi32>
    %convert_element_type3A_2054 = arith.extui %ge3A_2053 : vector<192x128xi1> to vector<192x128xi32>
    %reduce_sum3A_2055 = vector.shape_cast %convert_element_type3A_2054 : vector<192x128xi32> to vector<1x192x128xi32>
    %reduce_sum3A_2056 = arith.constant dense<0> : vector<1xi32>
    %reduce_sum3A_2057 = vector.multi_reduction <add>, %reduce_sum3A_2055, %reduce_sum3A_2056 [1, 2] : vector<1x192x128xi32> to vector<1xi32>
    %reduce_sum3A_2058 = vector.shape_cast %reduce_sum3A_2057 : vector<1xi32> to vector<1x1x1xi32>
    %reduce_sum3A_2059 = vector.extract %reduce_sum3A_2058[0, 0, 0] : i32 from vector<1x1x1xi32>
    %broadcast_in_dim3A_2060 = vector.broadcast %reduce_sum3A_2059 : i32 to vector<1x1xi32>
    %ge3A_2061 = arith.cmpi sge, %broadcast_in_dim3A_2060, %min3A_1972 : vector<1x1xi32>
    %select_n3A_2062 = arith.select %ge3A_2061, %add3A_2051, %select_n3A_2039 : vector<1x1xi1>, vector<1x1xi32>
    %sub3A_2063 = arith.constant 1 : i32
    %sub3A_2064 = vector.broadcast %sub3A_2063 : i32 to vector<1x1xi32>
    %sub3A_2065 = arith.subi %add3A_2051, %sub3A_2064 : vector<1x1xi32>
    %select_n3A_2066 = arith.select %ge3A_2061, %select_n3A_2043, %sub3A_2065 : vector<1x1xi1>, vector<1x1xi32>
    %sub3A_2067 = arith.subi %select_n3A_2066, %select_n3A_2062 : vector<1x1xi32>
    %add3A_2068 = arith.constant 1 : i32
    %add3A_2069 = vector.broadcast %add3A_2068 : i32 to vector<1x1xi32>
    %add3A_2070 = arith.addi %sub3A_2067, %add3A_2069 : vector<1x1xi32>
    %shift_right_arithmetic3A_2071 = arith.constant 1 : i32
    %shift_right_arithmetic3A_2072 = vector.broadcast %shift_right_arithmetic3A_2071 : i32 to vector<1x1xi32>
    %shift_right_arithmetic3A_2073 = arith.shrsi %add3A_2070, %shift_right_arithmetic3A_2072 : vector<1x1xi32>
    %add3A_2074 = arith.addi %select_n3A_2062, %shift_right_arithmetic3A_2073 : vector<1x1xi32>
    %ge3A_2075 = vector.broadcast %add3A_2074 : vector<1x1xi32> to vector<192x128xi32>
    %ge3A_2076 = arith.cmpi sge, %bitcast_convert_type3A, %ge3A_2075 : vector<192x128xi32>
    %convert_element_type3A_2077 = arith.extui %ge3A_2076 : vector<192x128xi1> to vector<192x128xi32>
    %reduce_sum3A_2078 = vector.shape_cast %convert_element_type3A_2077 : vector<192x128xi32> to vector<1x192x128xi32>
    %reduce_sum3A_2079 = arith.constant dense<0> : vector<1xi32>
    %reduce_sum3A_2080 = vector.multi_reduction <add>, %reduce_sum3A_2078, %reduce_sum3A_2079 [1, 2] : vector<1x192x128xi32> to vector<1xi32>
    %reduce_sum3A_2081 = vector.shape_cast %reduce_sum3A_2080 : vector<1xi32> to vector<1x1x1xi32>
    %reduce_sum3A_2082 = vector.extract %reduce_sum3A_2081[0, 0, 0] : i32 from vector<1x1x1xi32>
    %broadcast_in_dim3A_2083 = vector.broadcast %reduce_sum3A_2082 : i32 to vector<1x1xi32>
    %ge3A_2084 = arith.cmpi sge, %broadcast_in_dim3A_2083, %min3A_1972 : vector<1x1xi32>
    %select_n3A_2085 = arith.select %ge3A_2084, %add3A_2074, %select_n3A_2062 : vector<1x1xi1>, vector<1x1xi32>
    %sub3A_2086 = arith.constant 1 : i32
    %sub3A_2087 = vector.broadcast %sub3A_2086 : i32 to vector<1x1xi32>
    %sub3A_2088 = arith.subi %add3A_2074, %sub3A_2087 : vector<1x1xi32>
    %select_n3A_2089 = arith.select %ge3A_2084, %select_n3A_2066, %sub3A_2088 : vector<1x1xi1>, vector<1x1xi32>
    %sub3A_2090 = arith.subi %select_n3A_2089, %select_n3A_2085 : vector<1x1xi32>
    %add3A_2091 = arith.constant 1 : i32
    %add3A_2092 = vector.broadcast %add3A_2091 : i32 to vector<1x1xi32>
    %add3A_2093 = arith.addi %sub3A_2090, %add3A_2092 : vector<1x1xi32>
    %shift_right_arithmetic3A_2094 = arith.constant 1 : i32
    %shift_right_arithmetic3A_2095 = vector.broadcast %shift_right_arithmetic3A_2094 : i32 to vector<1x1xi32>
    %shift_right_arithmetic3A_2096 = arith.shrsi %add3A_2093, %shift_right_arithmetic3A_2095 : vector<1x1xi32>
    %add3A_2097 = arith.addi %select_n3A_2085, %shift_right_arithmetic3A_2096 : vector<1x1xi32>
    %ge3A_2098 = vector.broadcast %add3A_2097 : vector<1x1xi32> to vector<192x128xi32>
    %ge3A_2099 = arith.cmpi sge, %bitcast_convert_type3A, %ge3A_2098 : vector<192x128xi32>
    %convert_element_type3A_2100 = arith.extui %ge3A_2099 : vector<192x128xi1> to vector<192x128xi32>
    %reduce_sum3A_2101 = vector.shape_cast %convert_element_type3A_2100 : vector<192x128xi32> to vector<1x192x128xi32>
    %reduce_sum3A_2102 = arith.constant dense<0> : vector<1xi32>
    %reduce_sum3A_2103 = vector.multi_reduction <add>, %reduce_sum3A_2101, %reduce_sum3A_2102 [1, 2] : vector<1x192x128xi32> to vector<1xi32>
    %reduce_sum3A_2104 = vector.shape_cast %reduce_sum3A_2103 : vector<1xi32> to vector<1x1x1xi32>
    %reduce_sum3A_2105 = vector.extract %reduce_sum3A_2104[0, 0, 0] : i32 from vector<1x1x1xi32>
    %broadcast_in_dim3A_2106 = vector.broadcast %reduce_sum3A_2105 : i32 to vector<1x1xi32>
    %ge3A_2107 = arith.cmpi sge, %broadcast_in_dim3A_2106, %min3A_1972 : vector<1x1xi32>
    %select_n3A_2108 = arith.select %ge3A_2107, %add3A_2097, %select_n3A_2085 : vector<1x1xi1>, vector<1x1xi32>
    %sub3A_2109 = arith.constant 1 : i32
    %sub3A_2110 = vector.broadcast %sub3A_2109 : i32 to vector<1x1xi32>
    %sub3A_2111 = arith.subi %add3A_2097, %sub3A_2110 : vector<1x1xi32>
    %select_n3A_2112 = arith.select %ge3A_2107, %select_n3A_2089, %sub3A_2111 : vector<1x1xi1>, vector<1x1xi32>
    %sub3A_2113 = arith.subi %select_n3A_2112, %select_n3A_2108 : vector<1x1xi32>
    %add3A_2114 = arith.constant 1 : i32
    %add3A_2115 = vector.broadcast %add3A_2114 : i32 to vector<1x1xi32>
    %add3A_2116 = arith.addi %sub3A_2113, %add3A_2115 : vector<1x1xi32>
    %shift_right_arithmetic3A_2117 = arith.constant 1 : i32
    %shift_right_arithmetic3A_2118 = vector.broadcast %shift_right_arithmetic3A_2117 : i32 to vector<1x1xi32>
    %shift_right_arithmetic3A_2119 = arith.shrsi %add3A_2116, %shift_right_arithmetic3A_2118 : vector<1x1xi32>
    %add3A_2120 = arith.addi %select_n3A_2108, %shift_right_arithmetic3A_2119 : vector<1x1xi32>
    %ge3A_2121 = vector.broadcast %add3A_2120 : vector<1x1xi32> to vector<192x128xi32>
    %ge3A_2122 = arith.cmpi sge, %bitcast_convert_type3A, %ge3A_2121 : vector<192x128xi32>
    %convert_element_type3A_2123 = arith.extui %ge3A_2122 : vector<192x128xi1> to vector<192x128xi32>
    %reduce_sum3A_2124 = vector.shape_cast %convert_element_type3A_2123 : vector<192x128xi32> to vector<1x192x128xi32>
    %reduce_sum3A_2125 = arith.constant dense<0> : vector<1xi32>
    %reduce_sum3A_2126 = vector.multi_reduction <add>, %reduce_sum3A_2124, %reduce_sum3A_2125 [1, 2] : vector<1x192x128xi32> to vector<1xi32>
    %reduce_sum3A_2127 = vector.shape_cast %reduce_sum3A_2126 : vector<1xi32> to vector<1x1x1xi32>
    %reduce_sum3A_2128 = vector.extract %reduce_sum3A_2127[0, 0, 0] : i32 from vector<1x1x1xi32>
    %broadcast_in_dim3A_2129 = vector.broadcast %reduce_sum3A_2128 : i32 to vector<1x1xi32>
    %ge3A_2130 = arith.cmpi sge, %broadcast_in_dim3A_2129, %min3A_1972 : vector<1x1xi32>
    %select_n3A_2131 = arith.select %ge3A_2130, %add3A_2120, %select_n3A_2108 : vector<1x1xi1>, vector<1x1xi32>
    %sub3A_2132 = arith.constant 1 : i32
    %sub3A_2133 = vector.broadcast %sub3A_2132 : i32 to vector<1x1xi32>
    %sub3A_2134 = arith.subi %add3A_2120, %sub3A_2133 : vector<1x1xi32>
    %select_n3A_2135 = arith.select %ge3A_2130, %select_n3A_2112, %sub3A_2134 : vector<1x1xi1>, vector<1x1xi32>
    %sub3A_2136 = arith.subi %select_n3A_2135, %select_n3A_2131 : vector<1x1xi32>
    %add3A_2137 = arith.constant 1 : i32
    %add3A_2138 = vector.broadcast %add3A_2137 : i32 to vector<1x1xi32>
    %add3A_2139 = arith.addi %sub3A_2136, %add3A_2138 : vector<1x1xi32>
    %shift_right_arithmetic3A_2140 = arith.constant 1 : i32
    %shift_right_arithmetic3A_2141 = vector.broadcast %shift_right_arithmetic3A_2140 : i32 to vector<1x1xi32>
    %shift_right_arithmetic3A_2142 = arith.shrsi %add3A_2139, %shift_right_arithmetic3A_2141 : vector<1x1xi32>
    %add3A_2143 = arith.addi %select_n3A_2131, %shift_right_arithmetic3A_2142 : vector<1x1xi32>
    %ge3A_2144 = vector.broadcast %add3A_2143 : vector<1x1xi32> to vector<192x128xi32>
    %ge3A_2145 = arith.cmpi sge, %bitcast_convert_type3A, %ge3A_2144 : vector<192x128xi32>
    %convert_element_type3A_2146 = arith.extui %ge3A_2145 : vector<192x128xi1> to vector<192x128xi32>
    %reduce_sum3A_2147 = vector.shape_cast %convert_element_type3A_2146 : vector<192x128xi32> to vector<1x192x128xi32>
    %reduce_sum3A_2148 = arith.constant dense<0> : vector<1xi32>
    %reduce_sum3A_2149 = vector.multi_reduction <add>, %reduce_sum3A_2147, %reduce_sum3A_2148 [1, 2] : vector<1x192x128xi32> to vector<1xi32>
    %reduce_sum3A_2150 = vector.shape_cast %reduce_sum3A_2149 : vector<1xi32> to vector<1x1x1xi32>
    %reduce_sum3A_2151 = vector.extract %reduce_sum3A_2150[0, 0, 0] : i32 from vector<1x1x1xi32>
    %broadcast_in_dim3A_2152 = vector.broadcast %reduce_sum3A_2151 : i32 to vector<1x1xi32>
    %ge3A_2153 = arith.cmpi sge, %broadcast_in_dim3A_2152, %min3A_1972 : vector<1x1xi32>
    %select_n3A_2154 = arith.select %ge3A_2153, %add3A_2143, %select_n3A_2131 : vector<1x1xi1>, vector<1x1xi32>
    %sub3A_2155 = arith.constant 1 : i32
    %sub3A_2156 = vector.broadcast %sub3A_2155 : i32 to vector<1x1xi32>
    %sub3A_2157 = arith.subi %add3A_2143, %sub3A_2156 : vector<1x1xi32>
    %select_n3A_2158 = arith.select %ge3A_2153, %select_n3A_2135, %sub3A_2157 : vector<1x1xi1>, vector<1x1xi32>
    %sub3A_2159 = arith.subi %select_n3A_2158, %select_n3A_2154 : vector<1x1xi32>
    %add3A_2160 = arith.constant 1 : i32
    %add3A_2161 = vector.broadcast %add3A_2160 : i32 to vector<1x1xi32>
    %add3A_2162 = arith.addi %sub3A_2159, %add3A_2161 : vector<1x1xi32>
    %shift_right_arithmetic3A_2163 = arith.constant 1 : i32
    %shift_right_arithmetic3A_2164 = vector.broadcast %shift_right_arithmetic3A_2163 : i32 to vector<1x1xi32>
    %shift_right_arithmetic3A_2165 = arith.shrsi %add3A_2162, %shift_right_arithmetic3A_2164 : vector<1x1xi32>
    %add3A_2166 = arith.addi %select_n3A_2154, %shift_right_arithmetic3A_2165 : vector<1x1xi32>
    %ge3A_2167 = vector.broadcast %add3A_2166 : vector<1x1xi32> to vector<192x128xi32>
    %ge3A_2168 = arith.cmpi sge, %bitcast_convert_type3A, %ge3A_2167 : vector<192x128xi32>
    %convert_element_type3A_2169 = arith.extui %ge3A_2168 : vector<192x128xi1> to vector<192x128xi32>
    %reduce_sum3A_2170 = vector.shape_cast %convert_element_type3A_2169 : vector<192x128xi32> to vector<1x192x128xi32>
    %reduce_sum3A_2171 = arith.constant dense<0> : vector<1xi32>
    %reduce_sum3A_2172 = vector.multi_reduction <add>, %reduce_sum3A_2170, %reduce_sum3A_2171 [1, 2] : vector<1x192x128xi32> to vector<1xi32>
    %reduce_sum3A_2173 = vector.shape_cast %reduce_sum3A_2172 : vector<1xi32> to vector<1x1x1xi32>
    %reduce_sum3A_2174 = vector.extract %reduce_sum3A_2173[0, 0, 0] : i32 from vector<1x1x1xi32>
    %broadcast_in_dim3A_2175 = vector.broadcast %reduce_sum3A_2174 : i32 to vector<1x1xi32>
    %ge3A_2176 = arith.cmpi sge, %broadcast_in_dim3A_2175, %min3A_1972 : vector<1x1xi32>
    %select_n3A_2177 = arith.select %ge3A_2176, %add3A_2166, %select_n3A_2154 : vector<1x1xi1>, vector<1x1xi32>
    %sub3A_2178 = arith.constant 1 : i32
    %sub3A_2179 = vector.broadcast %sub3A_2178 : i32 to vector<1x1xi32>
    %sub3A_2180 = arith.subi %add3A_2166, %sub3A_2179 : vector<1x1xi32>
    %select_n3A_2181 = arith.select %ge3A_2176, %select_n3A_2158, %sub3A_2180 : vector<1x1xi1>, vector<1x1xi32>
    %sub3A_2182 = arith.subi %select_n3A_2181, %select_n3A_2177 : vector<1x1xi32>
    %add3A_2183 = arith.constant 1 : i32
    %add3A_2184 = vector.broadcast %add3A_2183 : i32 to vector<1x1xi32>
    %add3A_2185 = arith.addi %sub3A_2182, %add3A_2184 : vector<1x1xi32>
    %shift_right_arithmetic3A_2186 = arith.constant 1 : i32
    %shift_right_arithmetic3A_2187 = vector.broadcast %shift_right_arithmetic3A_2186 : i32 to vector<1x1xi32>
    %shift_right_arithmetic3A_2188 = arith.shrsi %add3A_2185, %shift_right_arithmetic3A_2187 : vector<1x1xi32>
    %add3A_2189 = arith.addi %select_n3A_2177, %shift_right_arithmetic3A_2188 : vector<1x1xi32>
    %ge3A_2190 = vector.broadcast %add3A_2189 : vector<1x1xi32> to vector<192x128xi32>
    %ge3A_2191 = arith.cmpi sge, %bitcast_convert_type3A, %ge3A_2190 : vector<192x128xi32>
    %convert_element_type3A_2192 = arith.extui %ge3A_2191 : vector<192x128xi1> to vector<192x128xi32>
    %reduce_sum3A_2193 = vector.shape_cast %convert_element_type3A_2192 : vector<192x128xi32> to vector<1x192x128xi32>
    %reduce_sum3A_2194 = arith.constant dense<0> : vector<1xi32>
    %reduce_sum3A_2195 = vector.multi_reduction <add>, %reduce_sum3A_2193, %reduce_sum3A_2194 [1, 2] : vector<1x192x128xi32> to vector<1xi32>
    %reduce_sum3A_2196 = vector.shape_cast %reduce_sum3A_2195 : vector<1xi32> to vector<1x1x1xi32>
    %reduce_sum3A_2197 = vector.extract %reduce_sum3A_2196[0, 0, 0] : i32 from vector<1x1x1xi32>
    %broadcast_in_dim3A_2198 = vector.broadcast %reduce_sum3A_2197 : i32 to vector<1x1xi32>
    %ge3A_2199 = arith.cmpi sge, %broadcast_in_dim3A_2198, %min3A_1972 : vector<1x1xi32>
    %select_n3A_2200 = arith.select %ge3A_2199, %add3A_2189, %select_n3A_2177 : vector<1x1xi1>, vector<1x1xi32>
    %sub3A_2201 = arith.constant 1 : i32
    %sub3A_2202 = vector.broadcast %sub3A_2201 : i32 to vector<1x1xi32>
    %sub3A_2203 = arith.subi %add3A_2189, %sub3A_2202 : vector<1x1xi32>
    %select_n3A_2204 = arith.select %ge3A_2199, %select_n3A_2181, %sub3A_2203 : vector<1x1xi1>, vector<1x1xi32>
    %sub3A_2205 = arith.subi %select_n3A_2204, %select_n3A_2200 : vector<1x1xi32>
    %add3A_2206 = arith.constant 1 : i32
    %add3A_2207 = vector.broadcast %add3A_2206 : i32 to vector<1x1xi32>
    %add3A_2208 = arith.addi %sub3A_2205, %add3A_2207 : vector<1x1xi32>
    %shift_right_arithmetic3A_2209 = arith.constant 1 : i32
    %shift_right_arithmetic3A_2210 = vector.broadcast %shift_right_arithmetic3A_2209 : i32 to vector<1x1xi32>
    %shift_right_arithmetic3A_2211 = arith.shrsi %add3A_2208, %shift_right_arithmetic3A_2210 : vector<1x1xi32>
    %add3A_2212 = arith.addi %select_n3A_2200, %shift_right_arithmetic3A_2211 : vector<1x1xi32>
    %ge3A_2213 = vector.broadcast %add3A_2212 : vector<1x1xi32> to vector<192x128xi32>
    %ge3A_2214 = arith.cmpi sge, %bitcast_convert_type3A, %ge3A_2213 : vector<192x128xi32>
    %convert_element_type3A_2215 = arith.extui %ge3A_2214 : vector<192x128xi1> to vector<192x128xi32>
    %reduce_sum3A_2216 = vector.shape_cast %convert_element_type3A_2215 : vector<192x128xi32> to vector<1x192x128xi32>
    %reduce_sum3A_2217 = arith.constant dense<0> : vector<1xi32>
    %reduce_sum3A_2218 = vector.multi_reduction <add>, %reduce_sum3A_2216, %reduce_sum3A_2217 [1, 2] : vector<1x192x128xi32> to vector<1xi32>
    %reduce_sum3A_2219 = vector.shape_cast %reduce_sum3A_2218 : vector<1xi32> to vector<1x1x1xi32>
    %reduce_sum3A_2220 = vector.extract %reduce_sum3A_2219[0, 0, 0] : i32 from vector<1x1x1xi32>
    %broadcast_in_dim3A_2221 = vector.broadcast %reduce_sum3A_2220 : i32 to vector<1x1xi32>
    %ge3A_2222 = arith.cmpi sge, %broadcast_in_dim3A_2221, %min3A_1972 : vector<1x1xi32>
    %select_n3A_2223 = arith.select %ge3A_2222, %add3A_2212, %select_n3A_2200 : vector<1x1xi1>, vector<1x1xi32>
    %sub3A_2224 = arith.constant 1 : i32
    %sub3A_2225 = vector.broadcast %sub3A_2224 : i32 to vector<1x1xi32>
    %sub3A_2226 = arith.subi %add3A_2212, %sub3A_2225 : vector<1x1xi32>
    %select_n3A_2227 = arith.select %ge3A_2222, %select_n3A_2204, %sub3A_2226 : vector<1x1xi1>, vector<1x1xi32>
    %sub3A_2228 = arith.subi %select_n3A_2227, %select_n3A_2223 : vector<1x1xi32>
    %add3A_2229 = arith.constant 1 : i32
    %add3A_2230 = vector.broadcast %add3A_2229 : i32 to vector<1x1xi32>
    %add3A_2231 = arith.addi %sub3A_2228, %add3A_2230 : vector<1x1xi32>
    %shift_right_arithmetic3A_2232 = arith.constant 1 : i32
    %shift_right_arithmetic3A_2233 = vector.broadcast %shift_right_arithmetic3A_2232 : i32 to vector<1x1xi32>
    %shift_right_arithmetic3A_2234 = arith.shrsi %add3A_2231, %shift_right_arithmetic3A_2233 : vector<1x1xi32>
    %add3A_2235 = arith.addi %select_n3A_2223, %shift_right_arithmetic3A_2234 : vector<1x1xi32>
    %ge3A_2236 = vector.broadcast %add3A_2235 : vector<1x1xi32> to vector<192x128xi32>
    %ge3A_2237 = arith.cmpi sge, %bitcast_convert_type3A, %ge3A_2236 : vector<192x128xi32>
    %convert_element_type3A_2238 = arith.extui %ge3A_2237 : vector<192x128xi1> to vector<192x128xi32>
    %reduce_sum3A_2239 = vector.shape_cast %convert_element_type3A_2238 : vector<192x128xi32> to vector<1x192x128xi32>
    %reduce_sum3A_2240 = arith.constant dense<0> : vector<1xi32>
    %reduce_sum3A_2241 = vector.multi_reduction <add>, %reduce_sum3A_2239, %reduce_sum3A_2240 [1, 2] : vector<1x192x128xi32> to vector<1xi32>
    %reduce_sum3A_2242 = vector.shape_cast %reduce_sum3A_2241 : vector<1xi32> to vector<1x1x1xi32>
    %reduce_sum3A_2243 = vector.extract %reduce_sum3A_2242[0, 0, 0] : i32 from vector<1x1x1xi32>
    %broadcast_in_dim3A_2244 = vector.broadcast %reduce_sum3A_2243 : i32 to vector<1x1xi32>
    %ge3A_2245 = arith.cmpi sge, %broadcast_in_dim3A_2244, %min3A_1972 : vector<1x1xi32>
    %select_n3A_2246 = arith.select %ge3A_2245, %add3A_2235, %select_n3A_2223 : vector<1x1xi1>, vector<1x1xi32>
    %sub3A_2247 = arith.constant 1 : i32
    %sub3A_2248 = vector.broadcast %sub3A_2247 : i32 to vector<1x1xi32>
    %sub3A_2249 = arith.subi %add3A_2235, %sub3A_2248 : vector<1x1xi32>
    %select_n3A_2250 = arith.select %ge3A_2245, %select_n3A_2227, %sub3A_2249 : vector<1x1xi1>, vector<1x1xi32>
    %sub3A_2251 = arith.subi %select_n3A_2250, %select_n3A_2246 : vector<1x1xi32>
    %add3A_2252 = arith.constant 1 : i32
    %add3A_2253 = vector.broadcast %add3A_2252 : i32 to vector<1x1xi32>
    %add3A_2254 = arith.addi %sub3A_2251, %add3A_2253 : vector<1x1xi32>
    %shift_right_arithmetic3A_2255 = arith.constant 1 : i32
    %shift_right_arithmetic3A_2256 = vector.broadcast %shift_right_arithmetic3A_2255 : i32 to vector<1x1xi32>
    %shift_right_arithmetic3A_2257 = arith.shrsi %add3A_2254, %shift_right_arithmetic3A_2256 : vector<1x1xi32>
    %add3A_2258 = arith.addi %select_n3A_2246, %shift_right_arithmetic3A_2257 : vector<1x1xi32>
    %ge3A_2259 = vector.broadcast %add3A_2258 : vector<1x1xi32> to vector<192x128xi32>
    %ge3A_2260 = arith.cmpi sge, %bitcast_convert_type3A, %ge3A_2259 : vector<192x128xi32>
    %convert_element_type3A_2261 = arith.extui %ge3A_2260 : vector<192x128xi1> to vector<192x128xi32>
    %reduce_sum3A_2262 = vector.shape_cast %convert_element_type3A_2261 : vector<192x128xi32> to vector<1x192x128xi32>
    %reduce_sum3A_2263 = arith.constant dense<0> : vector<1xi32>
    %reduce_sum3A_2264 = vector.multi_reduction <add>, %reduce_sum3A_2262, %reduce_sum3A_2263 [1, 2] : vector<1x192x128xi32> to vector<1xi32>
    %reduce_sum3A_2265 = vector.shape_cast %reduce_sum3A_2264 : vector<1xi32> to vector<1x1x1xi32>
    %reduce_sum3A_2266 = vector.extract %reduce_sum3A_2265[0, 0, 0] : i32 from vector<1x1x1xi32>
    %broadcast_in_dim3A_2267 = vector.broadcast %reduce_sum3A_2266 : i32 to vector<1x1xi32>
    %ge3A_2268 = arith.cmpi sge, %broadcast_in_dim3A_2267, %min3A_1972 : vector<1x1xi32>
    %select_n3A_2269 = arith.select %ge3A_2268, %add3A_2258, %select_n3A_2246 : vector<1x1xi1>, vector<1x1xi32>
    %sub3A_2270 = arith.constant 1 : i32
    %sub3A_2271 = vector.broadcast %sub3A_2270 : i32 to vector<1x1xi32>
    %sub3A_2272 = arith.subi %add3A_2258, %sub3A_2271 : vector<1x1xi32>
    %select_n3A_2273 = arith.select %ge3A_2268, %select_n3A_2250, %sub3A_2272 : vector<1x1xi1>, vector<1x1xi32>
    %sub3A_2274 = arith.subi %select_n3A_2273, %select_n3A_2269 : vector<1x1xi32>
    %add3A_2275 = arith.constant 1 : i32
    %add3A_2276 = vector.broadcast %add3A_2275 : i32 to vector<1x1xi32>
    %add3A_2277 = arith.addi %sub3A_2274, %add3A_2276 : vector<1x1xi32>
    %shift_right_arithmetic3A_2278 = arith.constant 1 : i32
    %shift_right_arithmetic3A_2279 = vector.broadcast %shift_right_arithmetic3A_2278 : i32 to vector<1x1xi32>
    %shift_right_arithmetic3A_2280 = arith.shrsi %add3A_2277, %shift_right_arithmetic3A_2279 : vector<1x1xi32>
    %add3A_2281 = arith.addi %select_n3A_2269, %shift_right_arithmetic3A_2280 : vector<1x1xi32>
    %ge3A_2282 = vector.broadcast %add3A_2281 : vector<1x1xi32> to vector<192x128xi32>
    %ge3A_2283 = arith.cmpi sge, %bitcast_convert_type3A, %ge3A_2282 : vector<192x128xi32>
    %convert_element_type3A_2284 = arith.extui %ge3A_2283 : vector<192x128xi1> to vector<192x128xi32>
    %reduce_sum3A_2285 = vector.shape_cast %convert_element_type3A_2284 : vector<192x128xi32> to vector<1x192x128xi32>
    %reduce_sum3A_2286 = arith.constant dense<0> : vector<1xi32>
    %reduce_sum3A_2287 = vector.multi_reduction <add>, %reduce_sum3A_2285, %reduce_sum3A_2286 [1, 2] : vector<1x192x128xi32> to vector<1xi32>
    %reduce_sum3A_2288 = vector.shape_cast %reduce_sum3A_2287 : vector<1xi32> to vector<1x1x1xi32>
    %reduce_sum3A_2289 = vector.extract %reduce_sum3A_2288[0, 0, 0] : i32 from vector<1x1x1xi32>
    %broadcast_in_dim3A_2290 = vector.broadcast %reduce_sum3A_2289 : i32 to vector<1x1xi32>
    %ge3A_2291 = arith.cmpi sge, %broadcast_in_dim3A_2290, %min3A_1972 : vector<1x1xi32>
    %select_n3A_2292 = arith.select %ge3A_2291, %add3A_2281, %select_n3A_2269 : vector<1x1xi1>, vector<1x1xi32>
    %sub3A_2293 = arith.constant 1 : i32
    %sub3A_2294 = vector.broadcast %sub3A_2293 : i32 to vector<1x1xi32>
    %sub3A_2295 = arith.subi %add3A_2281, %sub3A_2294 : vector<1x1xi32>
    %select_n3A_2296 = arith.select %ge3A_2291, %select_n3A_2273, %sub3A_2295 : vector<1x1xi1>, vector<1x1xi32>
    %sub3A_2297 = arith.subi %select_n3A_2296, %select_n3A_2292 : vector<1x1xi32>
    %add3A_2298 = arith.constant 1 : i32
    %add3A_2299 = vector.broadcast %add3A_2298 : i32 to vector<1x1xi32>
    %add3A_2300 = arith.addi %sub3A_2297, %add3A_2299 : vector<1x1xi32>
    %shift_right_arithmetic3A_2301 = arith.constant 1 : i32
    %shift_right_arithmetic3A_2302 = vector.broadcast %shift_right_arithmetic3A_2301 : i32 to vector<1x1xi32>
    %shift_right_arithmetic3A_2303 = arith.shrsi %add3A_2300, %shift_right_arithmetic3A_2302 : vector<1x1xi32>
    %add3A_2304 = arith.addi %select_n3A_2292, %shift_right_arithmetic3A_2303 : vector<1x1xi32>
    %ge3A_2305 = vector.broadcast %add3A_2304 : vector<1x1xi32> to vector<192x128xi32>
    %ge3A_2306 = arith.cmpi sge, %bitcast_convert_type3A, %ge3A_2305 : vector<192x128xi32>
    %convert_element_type3A_2307 = arith.extui %ge3A_2306 : vector<192x128xi1> to vector<192x128xi32>
    %reduce_sum3A_2308 = vector.shape_cast %convert_element_type3A_2307 : vector<192x128xi32> to vector<1x192x128xi32>
    %reduce_sum3A_2309 = arith.constant dense<0> : vector<1xi32>
    %reduce_sum3A_2310 = vector.multi_reduction <add>, %reduce_sum3A_2308, %reduce_sum3A_2309 [1, 2] : vector<1x192x128xi32> to vector<1xi32>
    %reduce_sum3A_2311 = vector.shape_cast %reduce_sum3A_2310 : vector<1xi32> to vector<1x1x1xi32>
    %reduce_sum3A_2312 = vector.extract %reduce_sum3A_2311[0, 0, 0] : i32 from vector<1x1x1xi32>
    %broadcast_in_dim3A_2313 = vector.broadcast %reduce_sum3A_2312 : i32 to vector<1x1xi32>
    %ge3A_2314 = arith.cmpi sge, %broadcast_in_dim3A_2313, %min3A_1972 : vector<1x1xi32>
    %select_n3A_2315 = arith.select %ge3A_2314, %add3A_2304, %select_n3A_2292 : vector<1x1xi1>, vector<1x1xi32>
    %sub3A_2316 = arith.constant 1 : i32
    %sub3A_2317 = vector.broadcast %sub3A_2316 : i32 to vector<1x1xi32>
    %sub3A_2318 = arith.subi %add3A_2304, %sub3A_2317 : vector<1x1xi32>
    %select_n3A_2319 = arith.select %ge3A_2314, %select_n3A_2296, %sub3A_2318 : vector<1x1xi1>, vector<1x1xi32>
    %sub3A_2320 = arith.subi %select_n3A_2319, %select_n3A_2315 : vector<1x1xi32>
    %add3A_2321 = arith.constant 1 : i32
    %add3A_2322 = vector.broadcast %add3A_2321 : i32 to vector<1x1xi32>
    %add3A_2323 = arith.addi %sub3A_2320, %add3A_2322 : vector<1x1xi32>
    %shift_right_arithmetic3A_2324 = arith.constant 1 : i32
    %shift_right_arithmetic3A_2325 = vector.broadcast %shift_right_arithmetic3A_2324 : i32 to vector<1x1xi32>
    %shift_right_arithmetic3A_2326 = arith.shrsi %add3A_2323, %shift_right_arithmetic3A_2325 : vector<1x1xi32>
    %add3A_2327 = arith.addi %select_n3A_2315, %shift_right_arithmetic3A_2326 : vector<1x1xi32>
    %ge3A_2328 = vector.broadcast %add3A_2327 : vector<1x1xi32> to vector<192x128xi32>
    %ge3A_2329 = arith.cmpi sge, %bitcast_convert_type3A, %ge3A_2328 : vector<192x128xi32>
    %convert_element_type3A_2330 = arith.extui %ge3A_2329 : vector<192x128xi1> to vector<192x128xi32>
    %reduce_sum3A_2331 = vector.shape_cast %convert_element_type3A_2330 : vector<192x128xi32> to vector<1x192x128xi32>
    %reduce_sum3A_2332 = arith.constant dense<0> : vector<1xi32>
    %reduce_sum3A_2333 = vector.multi_reduction <add>, %reduce_sum3A_2331, %reduce_sum3A_2332 [1, 2] : vector<1x192x128xi32> to vector<1xi32>
    %reduce_sum3A_2334 = vector.shape_cast %reduce_sum3A_2333 : vector<1xi32> to vector<1x1x1xi32>
    %reduce_sum3A_2335 = vector.extract %reduce_sum3A_2334[0, 0, 0] : i32 from vector<1x1x1xi32>
    %broadcast_in_dim3A_2336 = vector.broadcast %reduce_sum3A_2335 : i32 to vector<1x1xi32>
    %ge3A_2337 = arith.cmpi sge, %broadcast_in_dim3A_2336, %min3A_1972 : vector<1x1xi32>
    %select_n3A_2338 = arith.select %ge3A_2337, %add3A_2327, %select_n3A_2315 : vector<1x1xi1>, vector<1x1xi32>
    %sub3A_2339 = arith.constant 1 : i32
    %sub3A_2340 = vector.broadcast %sub3A_2339 : i32 to vector<1x1xi32>
    %sub3A_2341 = arith.subi %add3A_2327, %sub3A_2340 : vector<1x1xi32>
    %select_n3A_2342 = arith.select %ge3A_2337, %select_n3A_2319, %sub3A_2341 : vector<1x1xi1>, vector<1x1xi32>
    %sub3A_2343 = arith.subi %select_n3A_2342, %select_n3A_2338 : vector<1x1xi32>
    %add3A_2344 = arith.constant 1 : i32
    %add3A_2345 = vector.broadcast %add3A_2344 : i32 to vector<1x1xi32>
    %add3A_2346 = arith.addi %sub3A_2343, %add3A_2345 : vector<1x1xi32>
    %shift_right_arithmetic3A_2347 = arith.constant 1 : i32
    %shift_right_arithmetic3A_2348 = vector.broadcast %shift_right_arithmetic3A_2347 : i32 to vector<1x1xi32>
    %shift_right_arithmetic3A_2349 = arith.shrsi %add3A_2346, %shift_right_arithmetic3A_2348 : vector<1x1xi32>
    %add3A_2350 = arith.addi %select_n3A_2338, %shift_right_arithmetic3A_2349 : vector<1x1xi32>
    %ge3A_2351 = vector.broadcast %add3A_2350 : vector<1x1xi32> to vector<192x128xi32>
    %ge3A_2352 = arith.cmpi sge, %bitcast_convert_type3A, %ge3A_2351 : vector<192x128xi32>
    %convert_element_type3A_2353 = arith.extui %ge3A_2352 : vector<192x128xi1> to vector<192x128xi32>
    %reduce_sum3A_2354 = vector.shape_cast %convert_element_type3A_2353 : vector<192x128xi32> to vector<1x192x128xi32>
    %reduce_sum3A_2355 = arith.constant dense<0> : vector<1xi32>
    %reduce_sum3A_2356 = vector.multi_reduction <add>, %reduce_sum3A_2354, %reduce_sum3A_2355 [1, 2] : vector<1x192x128xi32> to vector<1xi32>
    %reduce_sum3A_2357 = vector.shape_cast %reduce_sum3A_2356 : vector<1xi32> to vector<1x1x1xi32>
    %reduce_sum3A_2358 = vector.extract %reduce_sum3A_2357[0, 0, 0] : i32 from vector<1x1x1xi32>
    %broadcast_in_dim3A_2359 = vector.broadcast %reduce_sum3A_2358 : i32 to vector<1x1xi32>
    %ge3A_2360 = arith.cmpi sge, %broadcast_in_dim3A_2359, %min3A_1972 : vector<1x1xi32>
    %select_n3A_2361 = arith.select %ge3A_2360, %add3A_2350, %select_n3A_2338 : vector<1x1xi1>, vector<1x1xi32>
    %sub3A_2362 = arith.constant 1 : i32
    %sub3A_2363 = vector.broadcast %sub3A_2362 : i32 to vector<1x1xi32>
    %sub3A_2364 = arith.subi %add3A_2350, %sub3A_2363 : vector<1x1xi32>
    %select_n3A_2365 = arith.select %ge3A_2360, %select_n3A_2342, %sub3A_2364 : vector<1x1xi1>, vector<1x1xi32>
    %sub3A_2366 = arith.subi %select_n3A_2365, %select_n3A_2361 : vector<1x1xi32>
    %add3A_2367 = arith.constant 1 : i32
    %add3A_2368 = vector.broadcast %add3A_2367 : i32 to vector<1x1xi32>
    %add3A_2369 = arith.addi %sub3A_2366, %add3A_2368 : vector<1x1xi32>
    %shift_right_arithmetic3A_2370 = arith.constant 1 : i32
    %shift_right_arithmetic3A_2371 = vector.broadcast %shift_right_arithmetic3A_2370 : i32 to vector<1x1xi32>
    %shift_right_arithmetic3A_2372 = arith.shrsi %add3A_2369, %shift_right_arithmetic3A_2371 : vector<1x1xi32>
    %add3A_2373 = arith.addi %select_n3A_2361, %shift_right_arithmetic3A_2372 : vector<1x1xi32>
    %ge3A_2374 = vector.broadcast %add3A_2373 : vector<1x1xi32> to vector<192x128xi32>
    %ge3A_2375 = arith.cmpi sge, %bitcast_convert_type3A, %ge3A_2374 : vector<192x128xi32>
    %convert_element_type3A_2376 = arith.extui %ge3A_2375 : vector<192x128xi1> to vector<192x128xi32>
    %reduce_sum3A_2377 = vector.shape_cast %convert_element_type3A_2376 : vector<192x128xi32> to vector<1x192x128xi32>
    %reduce_sum3A_2378 = arith.constant dense<0> : vector<1xi32>
    %reduce_sum3A_2379 = vector.multi_reduction <add>, %reduce_sum3A_2377, %reduce_sum3A_2378 [1, 2] : vector<1x192x128xi32> to vector<1xi32>
    %reduce_sum3A_2380 = vector.shape_cast %reduce_sum3A_2379 : vector<1xi32> to vector<1x1x1xi32>
    %reduce_sum3A_2381 = vector.extract %reduce_sum3A_2380[0, 0, 0] : i32 from vector<1x1x1xi32>
    %broadcast_in_dim3A_2382 = vector.broadcast %reduce_sum3A_2381 : i32 to vector<1x1xi32>
    %ge3A_2383 = arith.cmpi sge, %broadcast_in_dim3A_2382, %min3A_1972 : vector<1x1xi32>
    %select_n3A_2384 = arith.select %ge3A_2383, %add3A_2373, %select_n3A_2361 : vector<1x1xi1>, vector<1x1xi32>
    %sub3A_2385 = arith.constant 1 : i32
    %sub3A_2386 = vector.broadcast %sub3A_2385 : i32 to vector<1x1xi32>
    %sub3A_2387 = arith.subi %add3A_2373, %sub3A_2386 : vector<1x1xi32>
    %select_n3A_2388 = arith.select %ge3A_2383, %select_n3A_2365, %sub3A_2387 : vector<1x1xi1>, vector<1x1xi32>
    %sub3A_2389 = arith.subi %select_n3A_2388, %select_n3A_2384 : vector<1x1xi32>
    %add3A_2390 = arith.constant 1 : i32
    %add3A_2391 = vector.broadcast %add3A_2390 : i32 to vector<1x1xi32>
    %add3A_2392 = arith.addi %sub3A_2389, %add3A_2391 : vector<1x1xi32>
    %shift_right_arithmetic3A_2393 = arith.constant 1 : i32
    %shift_right_arithmetic3A_2394 = vector.broadcast %shift_right_arithmetic3A_2393 : i32 to vector<1x1xi32>
    %shift_right_arithmetic3A_2395 = arith.shrsi %add3A_2392, %shift_right_arithmetic3A_2394 : vector<1x1xi32>
    %add3A_2396 = arith.addi %select_n3A_2384, %shift_right_arithmetic3A_2395 : vector<1x1xi32>
    %ge3A_2397 = vector.broadcast %add3A_2396 : vector<1x1xi32> to vector<192x128xi32>
    %ge3A_2398 = arith.cmpi sge, %bitcast_convert_type3A, %ge3A_2397 : vector<192x128xi32>
    %convert_element_type3A_2399 = arith.extui %ge3A_2398 : vector<192x128xi1> to vector<192x128xi32>
    %reduce_sum3A_2400 = vector.shape_cast %convert_element_type3A_2399 : vector<192x128xi32> to vector<1x192x128xi32>
    %reduce_sum3A_2401 = arith.constant dense<0> : vector<1xi32>
    %reduce_sum3A_2402 = vector.multi_reduction <add>, %reduce_sum3A_2400, %reduce_sum3A_2401 [1, 2] : vector<1x192x128xi32> to vector<1xi32>
    %reduce_sum3A_2403 = vector.shape_cast %reduce_sum3A_2402 : vector<1xi32> to vector<1x1x1xi32>
    %reduce_sum3A_2404 = vector.extract %reduce_sum3A_2403[0, 0, 0] : i32 from vector<1x1x1xi32>
    %broadcast_in_dim3A_2405 = vector.broadcast %reduce_sum3A_2404 : i32 to vector<1x1xi32>
    %ge3A_2406 = arith.cmpi sge, %broadcast_in_dim3A_2405, %min3A_1972 : vector<1x1xi32>
    %select_n3A_2407 = arith.select %ge3A_2406, %add3A_2396, %select_n3A_2384 : vector<1x1xi1>, vector<1x1xi32>
    %sub3A_2408 = arith.constant 1 : i32
    %sub3A_2409 = vector.broadcast %sub3A_2408 : i32 to vector<1x1xi32>
    %sub3A_2410 = arith.subi %add3A_2396, %sub3A_2409 : vector<1x1xi32>
    %select_n3A_2411 = arith.select %ge3A_2406, %select_n3A_2388, %sub3A_2410 : vector<1x1xi1>, vector<1x1xi32>
    %sub3A_2412 = arith.subi %select_n3A_2411, %select_n3A_2407 : vector<1x1xi32>
    %add3A_2413 = arith.constant 1 : i32
    %add3A_2414 = vector.broadcast %add3A_2413 : i32 to vector<1x1xi32>
    %add3A_2415 = arith.addi %sub3A_2412, %add3A_2414 : vector<1x1xi32>
    %shift_right_arithmetic3A_2416 = arith.constant 1 : i32
    %shift_right_arithmetic3A_2417 = vector.broadcast %shift_right_arithmetic3A_2416 : i32 to vector<1x1xi32>
    %shift_right_arithmetic3A_2418 = arith.shrsi %add3A_2415, %shift_right_arithmetic3A_2417 : vector<1x1xi32>
    %add3A_2419 = arith.addi %select_n3A_2407, %shift_right_arithmetic3A_2418 : vector<1x1xi32>
    %ge3A_2420 = vector.broadcast %add3A_2419 : vector<1x1xi32> to vector<192x128xi32>
    %ge3A_2421 = arith.cmpi sge, %bitcast_convert_type3A, %ge3A_2420 : vector<192x128xi32>
    %convert_element_type3A_2422 = arith.extui %ge3A_2421 : vector<192x128xi1> to vector<192x128xi32>
    %reduce_sum3A_2423 = vector.shape_cast %convert_element_type3A_2422 : vector<192x128xi32> to vector<1x192x128xi32>
    %reduce_sum3A_2424 = arith.constant dense<0> : vector<1xi32>
    %reduce_sum3A_2425 = vector.multi_reduction <add>, %reduce_sum3A_2423, %reduce_sum3A_2424 [1, 2] : vector<1x192x128xi32> to vector<1xi32>
    %reduce_sum3A_2426 = vector.shape_cast %reduce_sum3A_2425 : vector<1xi32> to vector<1x1x1xi32>
    %reduce_sum3A_2427 = vector.extract %reduce_sum3A_2426[0, 0, 0] : i32 from vector<1x1x1xi32>
    %broadcast_in_dim3A_2428 = vector.broadcast %reduce_sum3A_2427 : i32 to vector<1x1xi32>
    %ge3A_2429 = arith.cmpi sge, %broadcast_in_dim3A_2428, %min3A_1972 : vector<1x1xi32>
    %select_n3A_2430 = arith.select %ge3A_2429, %add3A_2419, %select_n3A_2407 : vector<1x1xi1>, vector<1x1xi32>
    %sub3A_2431 = arith.constant 1 : i32
    %sub3A_2432 = vector.broadcast %sub3A_2431 : i32 to vector<1x1xi32>
    %sub3A_2433 = arith.subi %add3A_2419, %sub3A_2432 : vector<1x1xi32>
    %select_n3A_2434 = arith.select %ge3A_2429, %select_n3A_2411, %sub3A_2433 : vector<1x1xi1>, vector<1x1xi32>
    %sub3A_2435 = arith.subi %select_n3A_2434, %select_n3A_2430 : vector<1x1xi32>
    %add3A_2436 = arith.constant 1 : i32
    %add3A_2437 = vector.broadcast %add3A_2436 : i32 to vector<1x1xi32>
    %add3A_2438 = arith.addi %sub3A_2435, %add3A_2437 : vector<1x1xi32>
    %shift_right_arithmetic3A_2439 = arith.constant 1 : i32
    %shift_right_arithmetic3A_2440 = vector.broadcast %shift_right_arithmetic3A_2439 : i32 to vector<1x1xi32>
    %shift_right_arithmetic3A_2441 = arith.shrsi %add3A_2438, %shift_right_arithmetic3A_2440 : vector<1x1xi32>
    %add3A_2442 = arith.addi %select_n3A_2430, %shift_right_arithmetic3A_2441 : vector<1x1xi32>
    %ge3A_2443 = vector.broadcast %add3A_2442 : vector<1x1xi32> to vector<192x128xi32>
    %ge3A_2444 = arith.cmpi sge, %bitcast_convert_type3A, %ge3A_2443 : vector<192x128xi32>
    %convert_element_type3A_2445 = arith.extui %ge3A_2444 : vector<192x128xi1> to vector<192x128xi32>
    %reduce_sum3A_2446 = vector.shape_cast %convert_element_type3A_2445 : vector<192x128xi32> to vector<1x192x128xi32>
    %reduce_sum3A_2447 = arith.constant dense<0> : vector<1xi32>
    %reduce_sum3A_2448 = vector.multi_reduction <add>, %reduce_sum3A_2446, %reduce_sum3A_2447 [1, 2] : vector<1x192x128xi32> to vector<1xi32>
    %reduce_sum3A_2449 = vector.shape_cast %reduce_sum3A_2448 : vector<1xi32> to vector<1x1x1xi32>
    %reduce_sum3A_2450 = vector.extract %reduce_sum3A_2449[0, 0, 0] : i32 from vector<1x1x1xi32>
    %broadcast_in_dim3A_2451 = vector.broadcast %reduce_sum3A_2450 : i32 to vector<1x1xi32>
    %ge3A_2452 = arith.cmpi sge, %broadcast_in_dim3A_2451, %min3A_1972 : vector<1x1xi32>
    %select_n3A_2453 = arith.select %ge3A_2452, %add3A_2442, %select_n3A_2430 : vector<1x1xi1>, vector<1x1xi32>
    %sub3A_2454 = arith.constant 1 : i32
    %sub3A_2455 = vector.broadcast %sub3A_2454 : i32 to vector<1x1xi32>
    %sub3A_2456 = arith.subi %add3A_2442, %sub3A_2455 : vector<1x1xi32>
    %select_n3A_2457 = arith.select %ge3A_2452, %select_n3A_2434, %sub3A_2456 : vector<1x1xi1>, vector<1x1xi32>
    %sub3A_2458 = arith.subi %select_n3A_2457, %select_n3A_2453 : vector<1x1xi32>
    %add3A_2459 = arith.constant 1 : i32
    %add3A_2460 = vector.broadcast %add3A_2459 : i32 to vector<1x1xi32>
    %add3A_2461 = arith.addi %sub3A_2458, %add3A_2460 : vector<1x1xi32>
    %shift_right_arithmetic3A_2462 = arith.constant 1 : i32
    %shift_right_arithmetic3A_2463 = vector.broadcast %shift_right_arithmetic3A_2462 : i32 to vector<1x1xi32>
    %shift_right_arithmetic3A_2464 = arith.shrsi %add3A_2461, %shift_right_arithmetic3A_2463 : vector<1x1xi32>
    %add3A_2465 = arith.addi %select_n3A_2453, %shift_right_arithmetic3A_2464 : vector<1x1xi32>
    %ge3A_2466 = vector.broadcast %add3A_2465 : vector<1x1xi32> to vector<192x128xi32>
    %ge3A_2467 = arith.cmpi sge, %bitcast_convert_type3A, %ge3A_2466 : vector<192x128xi32>
    %convert_element_type3A_2468 = arith.extui %ge3A_2467 : vector<192x128xi1> to vector<192x128xi32>
    %reduce_sum3A_2469 = vector.shape_cast %convert_element_type3A_2468 : vector<192x128xi32> to vector<1x192x128xi32>
    %reduce_sum3A_2470 = arith.constant dense<0> : vector<1xi32>
    %reduce_sum3A_2471 = vector.multi_reduction <add>, %reduce_sum3A_2469, %reduce_sum3A_2470 [1, 2] : vector<1x192x128xi32> to vector<1xi32>
    %reduce_sum3A_2472 = vector.shape_cast %reduce_sum3A_2471 : vector<1xi32> to vector<1x1x1xi32>
    %reduce_sum3A_2473 = vector.extract %reduce_sum3A_2472[0, 0, 0] : i32 from vector<1x1x1xi32>
    %broadcast_in_dim3A_2474 = vector.broadcast %reduce_sum3A_2473 : i32 to vector<1x1xi32>
    %ge3A_2475 = arith.cmpi sge, %broadcast_in_dim3A_2474, %min3A_1972 : vector<1x1xi32>
    %select_n3A_2476 = arith.select %ge3A_2475, %add3A_2465, %select_n3A_2453 : vector<1x1xi1>, vector<1x1xi32>
    %sub3A_2477 = arith.constant 1 : i32
    %sub3A_2478 = vector.broadcast %sub3A_2477 : i32 to vector<1x1xi32>
    %sub3A_2479 = arith.subi %add3A_2465, %sub3A_2478 : vector<1x1xi32>
    %select_n3A_2480 = arith.select %ge3A_2475, %select_n3A_2457, %sub3A_2479 : vector<1x1xi1>, vector<1x1xi32>
    %sub3A_2481 = arith.subi %select_n3A_2480, %select_n3A_2476 : vector<1x1xi32>
    %add3A_2482 = arith.constant 1 : i32
    %add3A_2483 = vector.broadcast %add3A_2482 : i32 to vector<1x1xi32>
    %add3A_2484 = arith.addi %sub3A_2481, %add3A_2483 : vector<1x1xi32>
    %shift_right_arithmetic3A_2485 = arith.constant 1 : i32
    %shift_right_arithmetic3A_2486 = vector.broadcast %shift_right_arithmetic3A_2485 : i32 to vector<1x1xi32>
    %shift_right_arithmetic3A_2487 = arith.shrsi %add3A_2484, %shift_right_arithmetic3A_2486 : vector<1x1xi32>
    %add3A_2488 = arith.addi %select_n3A_2476, %shift_right_arithmetic3A_2487 : vector<1x1xi32>
    %ge3A_2489 = vector.broadcast %add3A_2488 : vector<1x1xi32> to vector<192x128xi32>
    %ge3A_2490 = arith.cmpi sge, %bitcast_convert_type3A, %ge3A_2489 : vector<192x128xi32>
    %convert_element_type3A_2491 = arith.extui %ge3A_2490 : vector<192x128xi1> to vector<192x128xi32>
    %reduce_sum3A_2492 = vector.shape_cast %convert_element_type3A_2491 : vector<192x128xi32> to vector<1x192x128xi32>
    %reduce_sum3A_2493 = arith.constant dense<0> : vector<1xi32>
    %reduce_sum3A_2494 = vector.multi_reduction <add>, %reduce_sum3A_2492, %reduce_sum3A_2493 [1, 2] : vector<1x192x128xi32> to vector<1xi32>
    %reduce_sum3A_2495 = vector.shape_cast %reduce_sum3A_2494 : vector<1xi32> to vector<1x1x1xi32>
    %reduce_sum3A_2496 = vector.extract %reduce_sum3A_2495[0, 0, 0] : i32 from vector<1x1x1xi32>
    %broadcast_in_dim3A_2497 = vector.broadcast %reduce_sum3A_2496 : i32 to vector<1x1xi32>
    %ge3A_2498 = arith.cmpi sge, %broadcast_in_dim3A_2497, %min3A_1972 : vector<1x1xi32>
    %select_n3A_2499 = arith.select %ge3A_2498, %add3A_2488, %select_n3A_2476 : vector<1x1xi1>, vector<1x1xi32>
    %sub3A_2500 = arith.constant 1 : i32
    %sub3A_2501 = vector.broadcast %sub3A_2500 : i32 to vector<1x1xi32>
    %sub3A_2502 = arith.subi %add3A_2488, %sub3A_2501 : vector<1x1xi32>
    %select_n3A_2503 = arith.select %ge3A_2498, %select_n3A_2480, %sub3A_2502 : vector<1x1xi1>, vector<1x1xi32>
    %sub3A_2504 = arith.subi %select_n3A_2503, %select_n3A_2499 : vector<1x1xi32>
    %add3A_2505 = arith.constant 1 : i32
    %add3A_2506 = vector.broadcast %add3A_2505 : i32 to vector<1x1xi32>
    %add3A_2507 = arith.addi %sub3A_2504, %add3A_2506 : vector<1x1xi32>
    %shift_right_arithmetic3A_2508 = arith.constant 1 : i32
    %shift_right_arithmetic3A_2509 = vector.broadcast %shift_right_arithmetic3A_2508 : i32 to vector<1x1xi32>
    %shift_right_arithmetic3A_2510 = arith.shrsi %add3A_2507, %shift_right_arithmetic3A_2509 : vector<1x1xi32>
    %add3A_2511 = arith.addi %select_n3A_2499, %shift_right_arithmetic3A_2510 : vector<1x1xi32>
    %ge3A_2512 = vector.broadcast %add3A_2511 : vector<1x1xi32> to vector<192x128xi32>
    %ge3A_2513 = arith.cmpi sge, %bitcast_convert_type3A, %ge3A_2512 : vector<192x128xi32>
    %convert_element_type3A_2514 = arith.extui %ge3A_2513 : vector<192x128xi1> to vector<192x128xi32>
    %reduce_sum3A_2515 = vector.shape_cast %convert_element_type3A_2514 : vector<192x128xi32> to vector<1x192x128xi32>
    %reduce_sum3A_2516 = arith.constant dense<0> : vector<1xi32>
    %reduce_sum3A_2517 = vector.multi_reduction <add>, %reduce_sum3A_2515, %reduce_sum3A_2516 [1, 2] : vector<1x192x128xi32> to vector<1xi32>
    %reduce_sum3A_2518 = vector.shape_cast %reduce_sum3A_2517 : vector<1xi32> to vector<1x1x1xi32>
    %reduce_sum3A_2519 = vector.extract %reduce_sum3A_2518[0, 0, 0] : i32 from vector<1x1x1xi32>
    %broadcast_in_dim3A_2520 = vector.broadcast %reduce_sum3A_2519 : i32 to vector<1x1xi32>
    %ge3A_2521 = arith.cmpi sge, %broadcast_in_dim3A_2520, %min3A_1972 : vector<1x1xi32>
    %select_n3A_2522 = arith.select %ge3A_2521, %add3A_2511, %select_n3A_2499 : vector<1x1xi1>, vector<1x1xi32>
    %sub3A_2523 = arith.constant 1 : i32
    %sub3A_2524 = vector.broadcast %sub3A_2523 : i32 to vector<1x1xi32>
    %sub3A_2525 = arith.subi %add3A_2511, %sub3A_2524 : vector<1x1xi32>
    %select_n3A_2526 = arith.select %ge3A_2521, %select_n3A_2503, %sub3A_2525 : vector<1x1xi1>, vector<1x1xi32>
    %sub3A_2527 = arith.subi %select_n3A_2526, %select_n3A_2522 : vector<1x1xi32>
    %add3A_2528 = arith.constant 1 : i32
    %add3A_2529 = vector.broadcast %add3A_2528 : i32 to vector<1x1xi32>
    %add3A_2530 = arith.addi %sub3A_2527, %add3A_2529 : vector<1x1xi32>
    %shift_right_arithmetic3A_2531 = arith.constant 1 : i32
    %shift_right_arithmetic3A_2532 = vector.broadcast %shift_right_arithmetic3A_2531 : i32 to vector<1x1xi32>
    %shift_right_arithmetic3A_2533 = arith.shrsi %add3A_2530, %shift_right_arithmetic3A_2532 : vector<1x1xi32>
    %add3A_2534 = arith.addi %select_n3A_2522, %shift_right_arithmetic3A_2533 : vector<1x1xi32>
    %ge3A_2535 = vector.broadcast %add3A_2534 : vector<1x1xi32> to vector<192x128xi32>
    %ge3A_2536 = arith.cmpi sge, %bitcast_convert_type3A, %ge3A_2535 : vector<192x128xi32>
    %convert_element_type3A_2537 = arith.extui %ge3A_2536 : vector<192x128xi1> to vector<192x128xi32>
    %reduce_sum3A_2538 = vector.shape_cast %convert_element_type3A_2537 : vector<192x128xi32> to vector<1x192x128xi32>
    %reduce_sum3A_2539 = arith.constant dense<0> : vector<1xi32>
    %reduce_sum3A_2540 = vector.multi_reduction <add>, %reduce_sum3A_2538, %reduce_sum3A_2539 [1, 2] : vector<1x192x128xi32> to vector<1xi32>
    %reduce_sum3A_2541 = vector.shape_cast %reduce_sum3A_2540 : vector<1xi32> to vector<1x1x1xi32>
    %reduce_sum3A_2542 = vector.extract %reduce_sum3A_2541[0, 0, 0] : i32 from vector<1x1x1xi32>
    %broadcast_in_dim3A_2543 = vector.broadcast %reduce_sum3A_2542 : i32 to vector<1x1xi32>
    %ge3A_2544 = arith.cmpi sge, %broadcast_in_dim3A_2543, %min3A_1972 : vector<1x1xi32>
    %select_n3A_2545 = arith.select %ge3A_2544, %add3A_2534, %select_n3A_2522 : vector<1x1xi1>, vector<1x1xi32>
    %sub3A_2546 = arith.constant 1 : i32
    %sub3A_2547 = vector.broadcast %sub3A_2546 : i32 to vector<1x1xi32>
    %sub3A_2548 = arith.subi %add3A_2534, %sub3A_2547 : vector<1x1xi32>
    %select_n3A_2549 = arith.select %ge3A_2544, %select_n3A_2526, %sub3A_2548 : vector<1x1xi1>, vector<1x1xi32>
    %sub3A_2550 = arith.subi %select_n3A_2549, %select_n3A_2545 : vector<1x1xi32>
    %add3A_2551 = arith.constant 1 : i32
    %add3A_2552 = vector.broadcast %add3A_2551 : i32 to vector<1x1xi32>
    %add3A_2553 = arith.addi %sub3A_2550, %add3A_2552 : vector<1x1xi32>
    %shift_right_arithmetic3A_2554 = arith.constant 1 : i32
    %shift_right_arithmetic3A_2555 = vector.broadcast %shift_right_arithmetic3A_2554 : i32 to vector<1x1xi32>
    %shift_right_arithmetic3A_2556 = arith.shrsi %add3A_2553, %shift_right_arithmetic3A_2555 : vector<1x1xi32>
    %add3A_2557 = arith.addi %select_n3A_2545, %shift_right_arithmetic3A_2556 : vector<1x1xi32>
    %ge3A_2558 = vector.broadcast %add3A_2557 : vector<1x1xi32> to vector<192x128xi32>
    %ge3A_2559 = arith.cmpi sge, %bitcast_convert_type3A, %ge3A_2558 : vector<192x128xi32>
    %convert_element_type3A_2560 = arith.extui %ge3A_2559 : vector<192x128xi1> to vector<192x128xi32>
    %reduce_sum3A_2561 = vector.shape_cast %convert_element_type3A_2560 : vector<192x128xi32> to vector<1x192x128xi32>
    %reduce_sum3A_2562 = arith.constant dense<0> : vector<1xi32>
    %reduce_sum3A_2563 = vector.multi_reduction <add>, %reduce_sum3A_2561, %reduce_sum3A_2562 [1, 2] : vector<1x192x128xi32> to vector<1xi32>
    %reduce_sum3A_2564 = vector.shape_cast %reduce_sum3A_2563 : vector<1xi32> to vector<1x1x1xi32>
    %reduce_sum3A_2565 = vector.extract %reduce_sum3A_2564[0, 0, 0] : i32 from vector<1x1x1xi32>
    %broadcast_in_dim3A_2566 = vector.broadcast %reduce_sum3A_2565 : i32 to vector<1x1xi32>
    %ge3A_2567 = arith.cmpi sge, %broadcast_in_dim3A_2566, %min3A_1972 : vector<1x1xi32>
    %select_n3A_2568 = arith.select %ge3A_2567, %add3A_2557, %select_n3A_2545 : vector<1x1xi1>, vector<1x1xi32>
    %sub3A_2569 = arith.constant 1 : i32
    %sub3A_2570 = vector.broadcast %sub3A_2569 : i32 to vector<1x1xi32>
    %sub3A_2571 = arith.subi %add3A_2557, %sub3A_2570 : vector<1x1xi32>
    %select_n3A_2572 = arith.select %ge3A_2567, %select_n3A_2549, %sub3A_2571 : vector<1x1xi1>, vector<1x1xi32>
    %sub3A_2573 = arith.subi %select_n3A_2572, %select_n3A_2568 : vector<1x1xi32>
    %add3A_2574 = arith.constant 1 : i32
    %add3A_2575 = vector.broadcast %add3A_2574 : i32 to vector<1x1xi32>
    %add3A_2576 = arith.addi %sub3A_2573, %add3A_2575 : vector<1x1xi32>
    %shift_right_arithmetic3A_2577 = arith.constant 1 : i32
    %shift_right_arithmetic3A_2578 = vector.broadcast %shift_right_arithmetic3A_2577 : i32 to vector<1x1xi32>
    %shift_right_arithmetic3A_2579 = arith.shrsi %add3A_2576, %shift_right_arithmetic3A_2578 : vector<1x1xi32>
    %add3A_2580 = arith.addi %select_n3A_2568, %shift_right_arithmetic3A_2579 : vector<1x1xi32>
    %ge3A_2581 = vector.broadcast %add3A_2580 : vector<1x1xi32> to vector<192x128xi32>
    %ge3A_2582 = arith.cmpi sge, %bitcast_convert_type3A, %ge3A_2581 : vector<192x128xi32>
    %convert_element_type3A_2583 = arith.extui %ge3A_2582 : vector<192x128xi1> to vector<192x128xi32>
    %reduce_sum3A_2584 = vector.shape_cast %convert_element_type3A_2583 : vector<192x128xi32> to vector<1x192x128xi32>
    %reduce_sum3A_2585 = arith.constant dense<0> : vector<1xi32>
    %reduce_sum3A_2586 = vector.multi_reduction <add>, %reduce_sum3A_2584, %reduce_sum3A_2585 [1, 2] : vector<1x192x128xi32> to vector<1xi32>
    %reduce_sum3A_2587 = vector.shape_cast %reduce_sum3A_2586 : vector<1xi32> to vector<1x1x1xi32>
    %reduce_sum3A_2588 = vector.extract %reduce_sum3A_2587[0, 0, 0] : i32 from vector<1x1x1xi32>
    %broadcast_in_dim3A_2589 = vector.broadcast %reduce_sum3A_2588 : i32 to vector<1x1xi32>
    %ge3A_2590 = arith.cmpi sge, %broadcast_in_dim3A_2589, %min3A_1972 : vector<1x1xi32>
    %select_n3A_2591 = arith.select %ge3A_2590, %add3A_2580, %select_n3A_2568 : vector<1x1xi1>, vector<1x1xi32>
    %sub3A_2592 = arith.constant 1 : i32
    %sub3A_2593 = vector.broadcast %sub3A_2592 : i32 to vector<1x1xi32>
    %sub3A_2594 = arith.subi %add3A_2580, %sub3A_2593 : vector<1x1xi32>
    %select_n3A_2595 = arith.select %ge3A_2590, %select_n3A_2572, %sub3A_2594 : vector<1x1xi1>, vector<1x1xi32>
    %sub3A_2596 = arith.subi %select_n3A_2595, %select_n3A_2591 : vector<1x1xi32>
    %add3A_2597 = arith.constant 1 : i32
    %add3A_2598 = vector.broadcast %add3A_2597 : i32 to vector<1x1xi32>
    %add3A_2599 = arith.addi %sub3A_2596, %add3A_2598 : vector<1x1xi32>
    %shift_right_arithmetic3A_2600 = arith.constant 1 : i32
    %shift_right_arithmetic3A_2601 = vector.broadcast %shift_right_arithmetic3A_2600 : i32 to vector<1x1xi32>
    %shift_right_arithmetic3A_2602 = arith.shrsi %add3A_2599, %shift_right_arithmetic3A_2601 : vector<1x1xi32>
    %add3A_2603 = arith.addi %select_n3A_2591, %shift_right_arithmetic3A_2602 : vector<1x1xi32>
    %ge3A_2604 = vector.broadcast %add3A_2603 : vector<1x1xi32> to vector<192x128xi32>
    %ge3A_2605 = arith.cmpi sge, %bitcast_convert_type3A, %ge3A_2604 : vector<192x128xi32>
    %convert_element_type3A_2606 = arith.extui %ge3A_2605 : vector<192x128xi1> to vector<192x128xi32>
    %reduce_sum3A_2607 = vector.shape_cast %convert_element_type3A_2606 : vector<192x128xi32> to vector<1x192x128xi32>
    %reduce_sum3A_2608 = arith.constant dense<0> : vector<1xi32>
    %reduce_sum3A_2609 = vector.multi_reduction <add>, %reduce_sum3A_2607, %reduce_sum3A_2608 [1, 2] : vector<1x192x128xi32> to vector<1xi32>
    %reduce_sum3A_2610 = vector.shape_cast %reduce_sum3A_2609 : vector<1xi32> to vector<1x1x1xi32>
    %reduce_sum3A_2611 = vector.extract %reduce_sum3A_2610[0, 0, 0] : i32 from vector<1x1x1xi32>
    %broadcast_in_dim3A_2612 = vector.broadcast %reduce_sum3A_2611 : i32 to vector<1x1xi32>
    %ge3A_2613 = arith.cmpi sge, %broadcast_in_dim3A_2612, %min3A_1972 : vector<1x1xi32>
    %select_n3A_2614 = arith.select %ge3A_2613, %add3A_2603, %select_n3A_2591 : vector<1x1xi1>, vector<1x1xi32>
    %sub3A_2615 = arith.constant 1 : i32
    %sub3A_2616 = vector.broadcast %sub3A_2615 : i32 to vector<1x1xi32>
    %sub3A_2617 = arith.subi %add3A_2603, %sub3A_2616 : vector<1x1xi32>
    %select_n3A_2618 = arith.select %ge3A_2613, %select_n3A_2595, %sub3A_2617 : vector<1x1xi1>, vector<1x1xi32>
    %sub3A_2619 = arith.subi %select_n3A_2618, %select_n3A_2614 : vector<1x1xi32>
    %add3A_2620 = arith.constant 1 : i32
    %add3A_2621 = vector.broadcast %add3A_2620 : i32 to vector<1x1xi32>
    %add3A_2622 = arith.addi %sub3A_2619, %add3A_2621 : vector<1x1xi32>
    %shift_right_arithmetic3A_2623 = arith.constant 1 : i32
    %shift_right_arithmetic3A_2624 = vector.broadcast %shift_right_arithmetic3A_2623 : i32 to vector<1x1xi32>
    %shift_right_arithmetic3A_2625 = arith.shrsi %add3A_2622, %shift_right_arithmetic3A_2624 : vector<1x1xi32>
    %add3A_2626 = arith.addi %select_n3A_2614, %shift_right_arithmetic3A_2625 : vector<1x1xi32>
    %ge3A_2627 = vector.broadcast %add3A_2626 : vector<1x1xi32> to vector<192x128xi32>
    %ge3A_2628 = arith.cmpi sge, %bitcast_convert_type3A, %ge3A_2627 : vector<192x128xi32>
    %convert_element_type3A_2629 = arith.extui %ge3A_2628 : vector<192x128xi1> to vector<192x128xi32>
    %reduce_sum3A_2630 = vector.shape_cast %convert_element_type3A_2629 : vector<192x128xi32> to vector<1x192x128xi32>
    %reduce_sum3A_2631 = arith.constant dense<0> : vector<1xi32>
    %reduce_sum3A_2632 = vector.multi_reduction <add>, %reduce_sum3A_2630, %reduce_sum3A_2631 [1, 2] : vector<1x192x128xi32> to vector<1xi32>
    %reduce_sum3A_2633 = vector.shape_cast %reduce_sum3A_2632 : vector<1xi32> to vector<1x1x1xi32>
    %reduce_sum3A_2634 = vector.extract %reduce_sum3A_2633[0, 0, 0] : i32 from vector<1x1x1xi32>
    %broadcast_in_dim3A_2635 = vector.broadcast %reduce_sum3A_2634 : i32 to vector<1x1xi32>
    %ge3A_2636 = arith.cmpi sge, %broadcast_in_dim3A_2635, %min3A_1972 : vector<1x1xi32>
    %select_n3A_2637 = arith.select %ge3A_2636, %add3A_2626, %select_n3A_2614 : vector<1x1xi1>, vector<1x1xi32>
    %sub3A_2638 = arith.constant 1 : i32
    %sub3A_2639 = vector.broadcast %sub3A_2638 : i32 to vector<1x1xi32>
    %sub3A_2640 = arith.subi %add3A_2626, %sub3A_2639 : vector<1x1xi32>
    %select_n3A_2641 = arith.select %ge3A_2636, %select_n3A_2618, %sub3A_2640 : vector<1x1xi1>, vector<1x1xi32>
    %sub3A_2642 = arith.subi %select_n3A_2641, %select_n3A_2637 : vector<1x1xi32>
    %add3A_2643 = arith.constant 1 : i32
    %add3A_2644 = vector.broadcast %add3A_2643 : i32 to vector<1x1xi32>
    %add3A_2645 = arith.addi %sub3A_2642, %add3A_2644 : vector<1x1xi32>
    %shift_right_arithmetic3A_2646 = arith.constant 1 : i32
    %shift_right_arithmetic3A_2647 = vector.broadcast %shift_right_arithmetic3A_2646 : i32 to vector<1x1xi32>
    %shift_right_arithmetic3A_2648 = arith.shrsi %add3A_2645, %shift_right_arithmetic3A_2647 : vector<1x1xi32>
    %add3A_2649 = arith.addi %select_n3A_2637, %shift_right_arithmetic3A_2648 : vector<1x1xi32>
    %ge3A_2650 = vector.broadcast %add3A_2649 : vector<1x1xi32> to vector<192x128xi32>
    %ge3A_2651 = arith.cmpi sge, %bitcast_convert_type3A, %ge3A_2650 : vector<192x128xi32>
    %convert_element_type3A_2652 = arith.extui %ge3A_2651 : vector<192x128xi1> to vector<192x128xi32>
    %reduce_sum3A_2653 = vector.shape_cast %convert_element_type3A_2652 : vector<192x128xi32> to vector<1x192x128xi32>
    %reduce_sum3A_2654 = arith.constant dense<0> : vector<1xi32>
    %reduce_sum3A_2655 = vector.multi_reduction <add>, %reduce_sum3A_2653, %reduce_sum3A_2654 [1, 2] : vector<1x192x128xi32> to vector<1xi32>
    %reduce_sum3A_2656 = vector.shape_cast %reduce_sum3A_2655 : vector<1xi32> to vector<1x1x1xi32>
    %reduce_sum3A_2657 = vector.extract %reduce_sum3A_2656[0, 0, 0] : i32 from vector<1x1x1xi32>
    %broadcast_in_dim3A_2658 = vector.broadcast %reduce_sum3A_2657 : i32 to vector<1x1xi32>
    %ge3A_2659 = arith.cmpi sge, %broadcast_in_dim3A_2658, %min3A_1972 : vector<1x1xi32>
    %select_n3A_2660 = arith.select %ge3A_2659, %add3A_2649, %select_n3A_2637 : vector<1x1xi1>, vector<1x1xi32>
    %sub3A_2661 = arith.constant 1 : i32
    %sub3A_2662 = vector.broadcast %sub3A_2661 : i32 to vector<1x1xi32>
    %sub3A_2663 = arith.subi %add3A_2649, %sub3A_2662 : vector<1x1xi32>
    %select_n3A_2664 = arith.select %ge3A_2659, %select_n3A_2641, %sub3A_2663 : vector<1x1xi1>, vector<1x1xi32>
    %sub3A_2665 = arith.subi %select_n3A_2664, %select_n3A_2660 : vector<1x1xi32>
    %add3A_2666 = arith.constant 1 : i32
    %add3A_2667 = vector.broadcast %add3A_2666 : i32 to vector<1x1xi32>
    %add3A_2668 = arith.addi %sub3A_2665, %add3A_2667 : vector<1x1xi32>
    %shift_right_arithmetic3A_2669 = arith.constant 1 : i32
    %shift_right_arithmetic3A_2670 = vector.broadcast %shift_right_arithmetic3A_2669 : i32 to vector<1x1xi32>
    %shift_right_arithmetic3A_2671 = arith.shrsi %add3A_2668, %shift_right_arithmetic3A_2670 : vector<1x1xi32>
    %add3A_2672 = arith.addi %select_n3A_2660, %shift_right_arithmetic3A_2671 : vector<1x1xi32>
    %ge3A_2673 = vector.broadcast %add3A_2672 : vector<1x1xi32> to vector<192x128xi32>
    %ge3A_2674 = arith.cmpi sge, %bitcast_convert_type3A, %ge3A_2673 : vector<192x128xi32>
    %convert_element_type3A_2675 = arith.extui %ge3A_2674 : vector<192x128xi1> to vector<192x128xi32>
    %reduce_sum3A_2676 = vector.shape_cast %convert_element_type3A_2675 : vector<192x128xi32> to vector<1x192x128xi32>
    %reduce_sum3A_2677 = arith.constant dense<0> : vector<1xi32>
    %reduce_sum3A_2678 = vector.multi_reduction <add>, %reduce_sum3A_2676, %reduce_sum3A_2677 [1, 2] : vector<1x192x128xi32> to vector<1xi32>
    %reduce_sum3A_2679 = vector.shape_cast %reduce_sum3A_2678 : vector<1xi32> to vector<1x1x1xi32>
    %reduce_sum3A_2680 = vector.extract %reduce_sum3A_2679[0, 0, 0] : i32 from vector<1x1x1xi32>
    %broadcast_in_dim3A_2681 = vector.broadcast %reduce_sum3A_2680 : i32 to vector<1x1xi32>
    %ge3A_2682 = arith.cmpi sge, %broadcast_in_dim3A_2681, %min3A_1972 : vector<1x1xi32>
    %select_n3A_2683 = arith.select %ge3A_2682, %add3A_2672, %select_n3A_2660 : vector<1x1xi1>, vector<1x1xi32>
    %bitcast_convert_type3A_2684 = tpu.bitcast %select_n3A_2683 : vector<1x1xi32> -> vector<1x1xf32>
    %gt3A_2685 = vector.broadcast %select_n3A_2683 : vector<1x1xi32> to vector<192x128xi32>
    %gt3A_2686 = arith.cmpi sgt, %bitcast_convert_type3A, %gt3A_2685 : vector<192x128xi32>
    %convert_element_type3A_2687 = arith.extui %gt3A_2686 : vector<192x128xi1> to vector<192x128xi32>
    %reduce_sum3A_2688 = vector.shape_cast %convert_element_type3A_2687 : vector<192x128xi32> to vector<1x192x128xi32>
    %reduce_sum3A_2689 = arith.constant dense<0> : vector<1xi32>
    %reduce_sum3A_2690 = vector.multi_reduction <add>, %reduce_sum3A_2688, %reduce_sum3A_2689 [1, 2] : vector<1x192x128xi32> to vector<1xi32>
    %reduce_sum3A_2691 = vector.shape_cast %reduce_sum3A_2690 : vector<1xi32> to vector<1x1x1xi32>
    %reduce_sum3A_2692 = vector.extract %reduce_sum3A_2691[0, 0, 0] : i32 from vector<1x1x1xi32>
    %broadcast_in_dim3A_2693 = vector.broadcast %reduce_sum3A_2692 : i32 to vector<1x1xi32>
    %gt3A_2694 = vector.broadcast %select_n3A_2683 : vector<1x1xi32> to vector<192x128xi32>
    %gt3A_2695 = arith.cmpi sgt, %bitcast_convert_type3A, %gt3A_2694 : vector<192x128xi32>
    %jit3A_2696 = arith.constant 0.000000e+00 : f32
    %broadcast_in_dim3A_2697 = vector.broadcast %jit3A_2696 : f32 to vector<192x128xf32>
    %select_n3A_2698 = arith.select %gt3A_2695, %select_n3A_1547, %broadcast_in_dim3A_2697 : vector<192x128xi1>, vector<192x128xf32>
    %reduce_sum3A_2699 = vector.shape_cast %select_n3A_2698 : vector<192x128xf32> to vector<1x192x128xf32>
    %reduce_sum3A_2700 = arith.constant dense<0.000000e+00> : vector<1xf32>
    %reduce_sum3A_2701 = vector.multi_reduction <add>, %reduce_sum3A_2699, %reduce_sum3A_2700 [1, 2] : vector<1x192x128xf32> to vector<1xf32>
    %reduce_sum3A_2702 = vector.shape_cast %reduce_sum3A_2701 : vector<1xf32> to vector<1x1x1xf32>
    %reduce_sum3A_2703 = vector.extract %reduce_sum3A_2702[0, 0, 0] : f32 from vector<1x1x1xf32>
    %broadcast_in_dim3A_2704 = vector.broadcast %reduce_sum3A_2703 : f32 to vector<1x1xf32>
    %gt3A_2705 = arith.constant 0 : i32
    %gt3A_2706 = vector.broadcast %gt3A_2705 : i32 to vector<1x1xi32>
    %gt3A_2707 = arith.cmpi sgt, %min3A_1972, %gt3A_2706 : vector<1x1xi32>
    %sub3A_2708 = arith.subi %min3A_1972, %broadcast_in_dim3A_2693 : vector<1x1xi32>
    %convert_element_type3A_2709 = arith.sitofp %sub3A_2708 : vector<1x1xi32> to vector<1x1xf32>
    %mul3A_2710 = arith.mulf %convert_element_type3A_2709, %bitcast_convert_type3A_2684 : vector<1x1xf32>
    %add3A_2711 = arith.addf %broadcast_in_dim3A_2704, %mul3A_2710 : vector<1x1xf32>
    %jit3A_2712 = arith.constant 0.000000e+00 : f32
    %broadcast_in_dim3A_2713 = vector.broadcast %jit3A_2712 : f32 to vector<1x1xf32>
    %select_n3A_2714 = arith.select %gt3A_2707, %add3A_2711, %broadcast_in_dim3A_2713 : vector<1x1xi1>, vector<1x1xf32>
    %iota3A_2715 = tpu.iota {dimensions = array<i32: 1>} : vector<1x128xi32>
    %eq3A_2716 = arith.constant 0 : i32
    %eq3A_2717 = vector.broadcast %eq3A_2716 : i32 to vector<1x128xi32>
    %eq3A_2718 = arith.cmpi eq, %iota3A_2715, %eq3A_2717 : vector<1x128xi32>
    %jit3A_2719 = arith.constant 0.000000e+00 : f32
    %broadcast_in_dim3A_2720 = vector.shape_cast %broadcast_in_dim3A_1513 : vector<1x1xf32> to vector<1x1xf32>
    %broadcast_in_dim3A_2721 = vector.broadcast %broadcast_in_dim3A_2720 : vector<1x1xf32> to vector<1x128xf32>
    %broadcast_in_dim3A_2722 = vector.broadcast %jit3A_2719 : f32 to vector<1x128xf32>
    %select_n3A_2723 = arith.select %eq3A_2718, %broadcast_in_dim3A_2721, %broadcast_in_dim3A_2722 : vector<1x128xi1>, vector<1x128xf32>
    %eq3A_2724 = arith.constant 1 : i32
    %eq3A_2725 = vector.broadcast %eq3A_2724 : i32 to vector<1x128xi32>
    %eq3A_2726 = arith.cmpi eq, %iota3A_2715, %eq3A_2725 : vector<1x128xi32>
    %jit3A_2727 = arith.constant 0.000000e+00 : f32
    %broadcast_in_dim3A_2728 = vector.shape_cast %broadcast_in_dim3A_1543 : vector<1x1xf32> to vector<1x1xf32>
    %broadcast_in_dim3A_2729 = vector.broadcast %broadcast_in_dim3A_2728 : vector<1x1xf32> to vector<1x128xf32>
    %broadcast_in_dim3A_2730 = vector.broadcast %jit3A_2727 : f32 to vector<1x128xf32>
    %select_n3A_2731 = arith.select %eq3A_2726, %broadcast_in_dim3A_2729, %broadcast_in_dim3A_2730 : vector<1x128xi1>, vector<1x128xf32>
    %add3A_2732 = arith.addf %select_n3A_2723, %select_n3A_2731 : vector<1x128xf32>
    %eq3A_2733 = arith.constant 2 : i32
    %eq3A_2734 = vector.broadcast %eq3A_2733 : i32 to vector<1x128xi32>
    %eq3A_2735 = arith.cmpi eq, %iota3A_2715, %eq3A_2734 : vector<1x128xi32>
    %jit3A_2736 = arith.constant 0.000000e+00 : f32
    %broadcast_in_dim3A_2737 = vector.shape_cast %broadcast_in_dim3A_1960 : vector<1x1xf32> to vector<1x1xf32>
    %broadcast_in_dim3A_2738 = vector.broadcast %broadcast_in_dim3A_2737 : vector<1x1xf32> to vector<1x128xf32>
    %broadcast_in_dim3A_2739 = vector.broadcast %jit3A_2736 : f32 to vector<1x128xf32>
    %select_n3A_2740 = arith.select %eq3A_2735, %broadcast_in_dim3A_2738, %broadcast_in_dim3A_2739 : vector<1x128xi1>, vector<1x128xf32>
    %add3A_2741 = arith.addf %add3A_2732, %select_n3A_2740 : vector<1x128xf32>
    %eq3A_2742 = arith.constant 3 : i32
    %eq3A_2743 = vector.broadcast %eq3A_2742 : i32 to vector<1x128xi32>
    %eq3A_2744 = arith.cmpi eq, %iota3A_2715, %eq3A_2743 : vector<1x128xi32>
    %jit3A_2745 = arith.constant 0.000000e+00 : f32
    %broadcast_in_dim3A_2746 = vector.shape_cast %select_n3A_2714 : vector<1x1xf32> to vector<1x1xf32>
    %broadcast_in_dim3A_2747 = vector.broadcast %broadcast_in_dim3A_2746 : vector<1x1xf32> to vector<1x128xf32>
    %broadcast_in_dim3A_2748 = vector.broadcast %jit3A_2745 : f32 to vector<1x128xf32>
    %select_n3A_2749 = arith.select %eq3A_2744, %broadcast_in_dim3A_2747, %broadcast_in_dim3A_2748 : vector<1x128xi1>, vector<1x128xf32>
    %add3A_2750 = arith.addf %add3A_2741, %select_n3A_2749 : vector<1x128xf32>
    %eq3A_2751 = arith.constant 4 : i32
    %eq3A_2752 = vector.broadcast %eq3A_2751 : i32 to vector<1x128xi32>
    %eq3A_2753 = arith.cmpi eq, %iota3A_2715, %eq3A_2752 : vector<1x128xi32>
    %convert_element_type3A_2754 = arith.sitofp %broadcast_in_dim3A_1966 : vector<1x1xi32> to vector<1x1xf32>
    %jit3A_2755 = arith.constant 0.000000e+00 : f32
    %broadcast_in_dim3A_2756 = vector.shape_cast %convert_element_type3A_2754 : vector<1x1xf32> to vector<1x1xf32>
    %broadcast_in_dim3A_2757 = vector.broadcast %broadcast_in_dim3A_2756 : vector<1x1xf32> to vector<1x128xf32>
    %broadcast_in_dim3A_2758 = vector.broadcast %jit3A_2755 : f32 to vector<1x128xf32>
    %select_n3A_2759 = arith.select %eq3A_2753, %broadcast_in_dim3A_2757, %broadcast_in_dim3A_2758 : vector<1x128xi1>, vector<1x128xf32>
    %add3A_2760 = arith.addf %add3A_2750, %select_n3A_2759 : vector<1x128xf32>
    %swap3A = arith.constant 0 : index
    %swap3A_2761 = arith.constant 0 : index
    %swap3A_2762 = arith.constant 0 : index
    %swap3A_2763 = vector.load %arg6[%swap3A, %swap3A_2761, %swap3A_2762] : memref<1x1x128xf32, #tpu.memory_space<vmem>>, vector<1x1x128xf32>
    %swap3A_2764 = vector.shape_cast %swap3A_2763 : vector<1x1x128xf32> to vector<1x128xf32>
    %swap3A_2765 = vector.shape_cast %add3A_2760 : vector<1x128xf32> to vector<1x1x128xf32>
    tpu.vector_store %arg6[%swap3A, %swap3A_2761, %swap3A_2762], %swap3A_2765 {strides = array<i32>} : memref<1x1x128xf32, #tpu.memory_space<vmem>>, vector<1x1x128xf32>,
    return
  }
  func.func @transform_0(%arg0: i32) -> (i32, i32, i32, i32) {
    %c0_i32 = arith.constant 0 : i32
    %c0_i32_0 = arith.constant 0 : i32
    %c0_i32_1 = arith.constant 0 : i32
    %c0_i32_2 = arith.constant 0 : i32
    return %arg0, %c0_i32, %c0_i32_0, %c0_i32_1 : i32, i32, i32, i32
  }
  func.func @transform_1(%arg0: i32) -> (i32, i32, i32, i32) {
    %c0_i32 = arith.constant 0 : i32
    %c0_i32_0 = arith.constant 0 : i32
    %c0_i32_1 = arith.constant 0 : i32
    %c0_i32_2 = arith.constant 0 : i32
    return %arg0, %c0_i32, %c0_i32_0, %c0_i32_1 : i32, i32, i32, i32
  }
  func.func @transform_2(%arg0: i32) -> (i32, i32, i32, i32) {
    %c0_i32 = arith.constant 0 : i32
    %c0_i32_0 = arith.constant 0 : i32
    %c0_i32_1 = arith.constant 0 : i32
    %c0_i32_2 = arith.constant 0 : i32
    return %arg0, %c0_i32, %c0_i32_0, %c0_i32_1 : i32, i32, i32, i32
  }
  func.func @transform_3(%arg0: i32) -> (i32, i32, i32) {
    %c0_i32 = arith.constant 0 : i32
    %c0_i32_0 = arith.constant 0 : i32
    %c0_i32_1 = arith.constant 0 : i32
    %c0_i32_2 = arith.constant 0 : i32
    return %c0_i32, %c0_i32_0, %c0_i32_1 : i32, i32, i32
  }
  func.func @transform_4(%arg0: i32) -> (i32, i32, i32) {
    %c0_i32 = arith.constant 0 : i32
    %c0_i32_0 = arith.constant 0 : i32
    %c0_i32_1 = arith.constant 0 : i32
    return %arg0, %c0_i32, %c0_i32_0 : i32, i32, i32
  }
  func.func @transform_5(%arg0: i32) -> (i32, i32, i32) {
    %c0_i32 = arith.constant 0 : i32
    %c0_i32_0 = arith.constant 0 : i32
    %c0_i32_1 = arith.constant 0 : i32
    return %arg0, %c0_i32, %c0_i32_0 : i32, i32, i32
  }
}

</mosaic_0001>

<sc_bundles>
// kernel: sparse-core-data-format-call.cloned.1.call-start
scs
called_computation_lowered:
.L_overlay_start_0:
0x0: {  	s1 =	sld [smem:$0x3FD9]  }
0x1: {  	s2 =	sld [smem:$0x3FFE];
	_ =	sdelay $0x1  }
0x2: {  	s3 =	srdreg.scid  }
0x3: {  	s0 =	sand.u32 $0x1, s3  }
0x4: {  	s17 =	sshll.u32 s0, $0xA;
	s1 =	sadd.s32 s2, s1  }
0x5: {  	s1 =	sadd.s32 s1, s17  }
0x6: {  	[smem:$0x3FC3] =	sst s1  }
0x7: {  	_ = 	snop  }
0x8: {  	(tm) =	ssettm $0x1  }
0x9: {  	s18 =	sld [smem:$0x3FFB];
	_ =	sdelay $0x3  }
0xa: {  	_ =	strace s18  }
0xb: {  	s1 =	sld [smem:$0x3FFC];
	_ =	sdelay $0x3  }
0xc: {  	_ =	strace s1  }
0xd: {  	s1 =	sld [smem:$0x3FFD];
	_ =	sdelay $0x3  }
0xe: {  	_ =	strace s1  }
0xf: {  	_ =	strace $0x8FFFFFFF  }
0x10: {  	s19 =	sld [smem:$0x3FDB];
	_ =	sdelay $0x1  }
0x11: {  	s20 =	simm.s32 $_scs_section_size  }
0x12: {  	s4 =	simm.s32 $_size__tile_overlayer_lowered;
	s5 =	simm.s32 $_tile_overlayer_lowered  }
0x13: {  	s23 =	simm.s32 $0x1BFF;
	s22 =	sshll.u32 s5, $0x1;
	s1 =	sadd.s32 s20, s19  }
0x14: {  	s6 =	simm.s32 $0x0;
	s21 =	sshll.u32 s4, $0x1;
	s4 =	sadd.s32 s22, s1  }
0x15: {  	[timem:s6], [sflag:s23] =	dma.local [hbm:s4], s21  }
0x16: {  	_ =	swait.ge [sflag:s23], s21  }
0x17: {  	s2 =	ssub.s32 $0x0, s21;
	[sflag:s23] =	ssyncset.done $0x0  }
0x18: {  	[sflag:s23] =	ssyncadd.s32 s2;
	_ =	sdelay $0x1  }
0x19: {  	s24 =	simm.s32 $0x1B8B  }
0x1a: {  	_ =	swait.ge [sflag:s24], $0x1  }
0x1b: {  	[sflag:s24] =	ssyncset.done $0x0  }
0x1c: {  	s26 =	simm.s32 $0x1B8E;
	s25 =	sld [smem:$0x3FFE];
	[sflag:s24] =	ssyncadd.s32 $0xFFFFFFFF  }
0x1d: {  	s27 =	simm.s32 $execute0_lowered;
	[smem:$0x3FD2] =	sst s26  }
0x1e: {  	s4 =	sshll.u32 s27, $0x1;
	_ =	strace $0x80000046;
	[dreg:$0x1] =	wrdreg $0xFFFFFFFF  }
0x1f: {  	s28 =	simm.s32 $_size_execute0_lowered;
	s1 =	sadd.s32 s1, s4;
	[dreg:$0x0] =	wrdreg $0x0  }
0x20: {  	s4 =	sshll.u32 s28, $0x1;
	[dreg:$0x2] =	wrdreg s1  }
0x21: {  	[dreg:$0x3] =	wrdreg s4  }
0x22: {  	[dreg:$0x4] =	wrdreg $0xC0  }
0x23: {  	_ =	task [dreg:s6], $0x5FFFF  }
0x24: {  	[dreg:$0x1] =	wrdreg $0xFFFFFFFF  }
0x25: {  	[dreg:$0x0] =	wrdreg $0x60  }
0x26: {  	[dreg:$0x2] =	wrdreg s25  }
0x27: {  	[dreg:$0x3] =	wrdreg $0x9  }
0x28: {  	_ =	task.clear_ibuf [dreg:s6], $0x4FFFF;
	_ =	strace $0x90000046  }
0x29: {  	s29 =	simm.s32 $0x9;
	_ =	strace $0x80000048  }
0x2a: {  	_ =	swait.ge [sflag:s29], $0x1  }
0x2b: {  	[sflag:s29] =	ssyncadd.s32 $0xFFFFFFFF  }
0x2c: {  	_ =	strace $0x90000048  }
0x2d: {  	_ =	sfence  }
0x2e: {  	s30 =	sld [smem:$0x0];
	_ =	sdelay $0x2  }
0x2f: {  	s31 =	sshll.u32 s3, $0xD;
	s3 =	sshrl.u32 s3, $0x2  }
0x30: {  	s2 =	sand.u32 $0x4000, s31;
	s1 =	sadd.s32 s3, s30  }
0x31: {  	s0 =	sor.u32 s2, s0;
	s1 =	sshll.u32 s1, $0x11  }
0x32: {  	s0 =	sor.u32 s1, s0  }
0x33: {  	s0 =	sadd.s32 $0x8F2B, s0  }
0x34: {  	[sflag:s0] =	ssyncadd.remote.s32 $0x1  }
0x35: {  	_ =	sfence.sel $0xFFFF  }
0x36: {  	[dreg:$0x0] =	wrdreg $0xFFFFFFFF;
	(pc) =	sbr.abs _section_cstart, $3  }
0x37: {  	[dreg:$0x1] =	wrdreg $0xFFFFFFFF  }
0x38: {  	_ =	task.clear_ibuf [dreg:s6], $0x2FFFF;
	_ =	strace $0x9FFFFFFF  }
0x39: {  	(tm) =	ssettm $0x7FFFFFFF  }
tec
execute0_lowered:
.L_overlay_start_1:
0x0: {  	(tag) =	ssettag $0x1  }
0x1: {  	s0 =	srdreg.scid;
	s3 =	rddreg [dreg:$0x0]  }
0x2: {  	s7 =	simm.s32 $0x2;
	s14 =	simm.s32 $0x0;
	s1 =	sshll.u32 s0, $0x4  }
0x3: {  	s8 =	simm.s32 $0x800;
	s0 =	stileid.u32;
	s1 =	sand.u32 $0x10, s1  }
0x4: {  	s9 =	simm.s32 $0x6000;
	s10 =	simm.s32 $0x0;
	s2 =	sor.u32 s0, s1  }
.Ltmp0:
0x5: {  	s15 =	simm.s32 $0x0;
	s4 =	ssub.s32 $0x6F, s2;
	(pc) =	sbr.rel .LBB1_1-.Ltmp0, $4  }
0x6: {  	s11 =	simm.s32 $0x0;
	s1 =	rddreg [dreg:$0x1];
	s5 =	sshrl.u32 s4, $0x5  }
0x7: {  	_ =	strace $0x80000047;
	s4 =	simm.s32 $0x1;
	s5 =	smul.u32 $0xC, s5  }
0x8: {  	s13 =	simm.s32 $0x0;
	s6 =	sadd.s32 $0x1E0000, s3;
	[sflag:s4] =	ssyncpa.u1 $0x0  }
0x9: {  	s12 =	smov.u32 s2;
	[sflag:s7] =	ssyncpa.u1 $0x0;
	s7 =	sor.u32 $0x1, s5  }
.LBB1_7:
0xa: {  	s16 =	sadd.s32 $0x10, s11  }
0xb: {  	s14 =	sadd.s32 $0x20, s12;
	s18 =	smov.u32 s12;
	p1 =	sgt.s32 s16, $0xBF  }
0xc: {  	s18 =	smov.u32 @p1 s14  }
0xd: {  	s16 =	simm.s32 @p1 $0x0;
	p1 =	sgt.s32 s18, $0x4F  }
0xe: {  	s18 =	smov.u32 @p1 s2;
	p1 =	sne.s32 s13, s7  }
.Ltmp1:
0xf: {  	p0 =	slt.u32 s13, $0x2;
	(pc) =	sbr.rel @!p1 .LBB1_8-.Ltmp1, $4  }
0x10: {  	s17 =	simm.s32 @!p0 $0x2  }
0x11: {  	s15 =	smov.u32 s12;
	s10 =	sadd.s32 $0x4000, s10;
	_ =	swait.ge @!p0 [sflag:s17], $0x4000  }
0x12: {  	s14 =	smov.u32 s11;
	[sflag:s17] =	ssyncset.done @!p0 $0x0;
	s11 =	smov.u32 s16  }
0x13: {  	s13 =	sadd.s32 $0x1, s13;
	[sflag:s17] =	ssyncadd.s32 @!p0 $0xFFFFC000;
	s12 =	smov.u32 s18  }
.LBB1_1:
0x14: {  	p0 =	sge.u32 s13, s5  }
0x15: {  	s16 =	smul.u32 @!p0 $0x6000, s12  }
0x16: {  	s31 =	sadd.s32 $0xFFFFFFFF, s13;
	s17 =	sxor.u32 @!p0 $0xFFFFFFFF, s13  }
0x17: {  	s18 =	sshll.u32 @!p0 s11, $0x7;
	s17 =	sshll.u32 @!p0 s17, $0xE;
	s16 =	sadd.s32 @!p0 s3, s16  }
0x18: {  	s17 =	sand.u32 @!p0 $0x4000, s17;
	s16 =	sadd.s32 @!p0 s18, s16;
	s18 =	simm.s32 @!p0 $0x0  }
0x19: {  	[tilespmem:s17], [sflag:$0x1] =	stream.linear.gather @!p0 [hbm4b:s16+s18], $0x4000, $0x38;
	[tilespmem:$0x10000] =	vst v63  }
0x1a: {  	p0 =	sge.u32 s31, s5  }
.Ltmp2:
0x1b: {  	_ = 	snop;
	(pc) =	sbr.rel @p0 .LBB1_7-.Ltmp2, $1  }
0x1c: {  	_ =	sdelay $0x3  }
0x1d: {  	s16 =	sand.u32 $0x4000, s10  }
0x1e: {  	_ =	swait.ge [sflag:s4], $0x4000;
	s19 =	sshll.u32 s13, $0xE;
	s17 =	sor.u32 $0x8040, s16  }
0x1f: {  	s18 =	sor.u32 $0x40, s16;
	[sflag:s4] =	ssyncset.done $0x0;
	s31 =	sand.u32 $0x4000, s19  }
0x20: {  	s19 =	simm.s32 $0x0;
	[sflag:s4] =	ssyncadd.s32 $0xFFFFC000;
	s16 =	sor.u32 $0x8000, s31  }
.LBB1_3:
0x21: {  	v0 =	vmov s18;
	_ =	sdelay $0x3  }
0x22: {  	s21 =	simm.s32 $0x0  }
0x23: {  	v6 =	vld.idx.msk [tilespmem:v0+s21+$0x30 ss:$0x1], $0xffff  }
0x24: {  	v7 =	vld.idx.msk [tilespmem:v0+s21+$0xFFFFFFC0 ss:$0x1], $0xffff  }
0x25: {  	v5 =	vld.idx.msk [tilespmem:v0+s21+$0xFFFFFFD0 ss:$0x1], $0xffff  }
0x26: {  	v4 =	vld.idx.msk [tilespmem:v0+s21+$0xFFFFFFE0 ss:$0x1], $0xffff  }
0x27: {  	v3 =	vld.idx.msk [tilespmem:v0+s21+$0xFFFFFFF0 ss:$0x1], $0xffff  }
0x28: {  	v1 =	vld.idx.msk [tilespmem:v0+s21+$0x0 ss:$0x1], $0xffff  }
0x29: {  	v2 =	vld.idx.msk [tilespmem:v0+s21+$0x10 ss:$0x1], $0xffff;
	[tilespmem:s17+$0x30] =	vst v6  }
0x2a: {  	s20 =	simm.s32 $0x80;
	s22 =	simm.s32 $0x400;
	[tilespmem:s17+$0xFFFFFFC0] =	vst v7;
	v6 =	vld.idx.msk [tilespmem:v0+s21+$0x20 ss:$0x1], $0xffff;
	s21 =	smov.u32 s17  }
.LBB1_4:
0x2b: {  	p0 =	sne.s32 s22, $0xE00;
	v7 =	vld.idx.msk [tilespmem:v0+s20+$0x30 ss:$0x1], $0xffff;
	[tilespmem:s21+$0xFFFFFFD0] =	vst v5  }
0x2c: {  	v8 =	vld.idx.msk [tilespmem:v0+s20+$0xFFFFFFC0 ss:$0x1], $0xffff;
	[tilespmem:s21+$0xFFFFFFE0] =	vst v4  }
0x2d: {  	v5 =	vld.idx.msk [tilespmem:v0+s20+$0xFFFFFFD0 ss:$0x1], $0xffff;
	[tilespmem:s21+$0xFFFFFFF0] =	vst v3  }
.Ltmp3:
0x2e: {  	v4 =	vld.idx.msk [tilespmem:v0+s20+$0xFFFFFFE0 ss:$0x1], $0xffff;
	[tilespmem:s21+$0x0] =	vst v1;
	(pc) =	sbr.rel @p0 .LBB1_4-.Ltmp3, $4  }
0x2f: {  	v3 =	vld.idx.msk [tilespmem:v0+s20+$0xFFFFFFF0 ss:$0x1], $0xffff;
	[tilespmem:s21+$0x10] =	vst v2  }
0x30: {  	v1 =	vld.idx.msk [tilespmem:v0+s20+$0x0 ss:$0x1], $0xffff;
	[tilespmem:s21+$0x20] =	vst v6;
	s21 =	sadd.s32 $0x800, s21  }
0x31: {  	v2 =	vld.idx.msk [tilespmem:v0+s20+$0x10 ss:$0x1], $0xffff;
	[tilespmem:s21+$0x30] =	vst v7  }
0x32: {  	[tilespmem:s21+$0xFFFFFFC0] =	vst v8;
	v6 =	vld.idx.msk [tilespmem:v0+s20+$0x20 ss:$0x1], $0xffff;
	s20 =	sshra.s32 s22, $0x2;
	s22 =	sadd.s32 $0x200, s22  }
0x33: {  	_ =	sdelay $0x2  }
0x34: {  	[tilespmem:s21+$0xFFFFFFD0] =	vst v5  }
0x35: {  	v56 =	vld.idx.msk [tilespmem:v0+s20+$0x30 ss:$0x1], $0xffff;
	[tilespmem:s21+$0xFFFFFFE0] =	vst v4  }
0x36: {  	v57 =	vld.idx.msk [tilespmem:v0+s20+$0xFFFFFFC0 ss:$0x1], $0xffff;
	[tilespmem:s21+$0xFFFFFFF0] =	vst v3  }
0x37: {  	v58 =	vld.idx.msk [tilespmem:v0+s20+$0xFFFFFFD0 ss:$0x1], $0xffff;
	[tilespmem:s21+$0x0] =	vst v1  }
0x38: {  	v59 =	vld.idx.msk [tilespmem:v0+s20+$0xFFFFFFE0 ss:$0x1], $0xffff;
	[tilespmem:s21+$0x10] =	vst v2  }
0x39: {  	v60 =	vld.idx.msk [tilespmem:v0+s20+$0xFFFFFFF0 ss:$0x1], $0xffff;
	s31 =	sadd.s32 $0x800, s21;
	[tilespmem:s21+$0x20] =	vst v6  }
0x3a: {  	v61 =	vld.idx.msk [tilespmem:v0+s20+$0x0 ss:$0x1], $0xffff;
	[tilespmem:s31+$0x30] =	vst v56  }
0x3b: {  	v62 =	vld.idx.msk [tilespmem:v0+s20+$0x10 ss:$0x1], $0xffff;
	s19 =	sadd.s32 $0x1, s19;
	[tilespmem:s31+$0xFFFFFFC0] =	vst v57  }
0x3c: {  	v63 =	vld.idx.msk [tilespmem:v0+s20+$0x20 ss:$0x1], $0xffff;
	p0 =	sne.s32 s19, $0x10;
	[tilespmem:s31+$0xFFFFFFD0] =	vst v58  }
.Ltmp4:
0x3d: {  	[tilespmem:s31+$0xFFFFFFE0] =	vst v59;
	(pc) =	sbr.rel @p0 .LBB1_3-.Ltmp4, $4  }
0x3e: {  	[tilespmem:s31+$0xFFFFFFF0] =	vst v60  }
0x3f: {  	[tilespmem:s31+$0x0] =	vst v61  }
0x40: {  	[tilespmem:s31+$0x10] =	vst v62  }
0x41: {  	s17 =	sadd.s32 $0x80, s17;
	s18 =	sadd.s32 $0x400, s18;
	[tilespmem:s31+$0x20] =	vst v63  }
0x42: {  	s14 =	sand.u32 $0x1FFFFFF, s14  }
0x43: {  	s17 =	smulhi.u32 $0x1555556, s14  }
0x44: {  	s15 =	smul.u32 $0x6000, s15  }
0x45: {  	s17 =	smul.u32 $0xC0, s17  }
.Ltmp5:
0x46: {  	_ = 	snop;
	(pc) =	sbr.rel .LBB1_7-.Ltmp5, $4  }
0x47: {  	s14 =	ssub.s32 s14, s17  }
0x48: {  	s15 =	sadd.s32 s6, s15;
	s14 =	sshll.u32 s14, $0x4  }
0x49: {  	s14 =	sadd.s32 s14, s15  }
0x4a: {  	[hbm4b:s14+s8] =	stream.strided.scatter [tilespmem:s16], [sflag:$0x2], $0x4000, s9, s8, $0x38;
	[tilespmem:$0x10000] =	vst v63  }
.LBB1_8:
0x4b: {  	_ =	sfence.sel $0x180000  }
0x4c: {  	s2 =	simm.s32 $0x1;
	[bflag:$0x0] =	sbarrier.arrive $0xFFFF  }
0x4d: {  	s31 =	simm.s32 $0x2;
	[sflag:s2] =	ssyncpa.u1 $0x1  }
0x4e: {  	[sflag:s31] =	ssyncpa.u1 $0x1  }
0x4f: {  	p0 =	sne.s32 s0, $0x0;
	_ =	strace $0x90000047  }
0x50: {  	s0 =	sadd.s32 @!p0 $0x100000, s1;
	[bflag:$0x2] =	sbarrier.arrive $0xFFFF  }
0x51: {  	[sflag:s0] =	ssyncadd.tile.s32 @!p0 $0x1;
	_ =	shalt  }
.Lfunc_end1:
_tile_overlayer_lowered:
.L_overlay_start_2:
0x52: {  	(tag) =	ssettag $0x2  }
0x53: {  	s0 =	rddreg [dreg:$0x0];
	s2 =	stileid.u32  }
0x54: {  	s1 =	rddreg [dreg:$0x1];
	p0 =	sne.s32 s2, $0x0  }
0x55: {  	s3 =	rddreg [dreg:$0x2];
	[bflag:$0x3] =	sbarrier.arrive $0xFFFF;
	s2 =	simm.s32 @!p0 $0x1C01  }
0x56: {  	[timem:s3], [sflag:s2] =	dma.local @!p0 [hbm:s0], s1  }
0x57: {  	s0 =	simm.s32 @!p0 $0x1  }
0x58: {  	_ =	swait.ge @!p0 [sflag:s0], s1  }
0x59: {  	s1 =	ssub.s32 @!p0 $0x0, s1;
	[sflag:s0] =	ssyncset.done @!p0 $0x0  }
0x5a: {  	[sflag:s0] =	ssyncadd.s32 @!p0 s1  }
0x5b: {  	[bflag:$0x3] =	sbarrier.arrive $0xFFFF  }
0x5c: {  	_ =	shalt  }

</sc_bundles>
